<compile_context>
chip_gen: v7x
topology: tpu7x:2x2x1
jax: 0.10.2.dev20260603
libtpu: 0.0.44.dev20260713+nightly
codegen_flags: <defaults>
</compile_context>

<pallas_src>
import jax
import jax.numpy as jnp
from jax import lax
from jax.experimental import pallas as pl
from jax.experimental.pallas import tpu as pltpu
from jax.experimental.pallas import tpu_sc as plsc

N_NODES = 512
NODE_DIM = 256
EDGE_DIM = 128
N_EDITS = 200000
N_BOND = 4

_NC = 2
_NS = 16
_NW = _NC * _NS
_EPW = 6272
_ROWS = _EPW // 128
_TAIL = N_EDITS - (_NW - 1) * _EPW
_TAIL_FULL = (_TAIL // 128) * 128
_TAIL_REM = _TAIL - _TAIL_FULL

_I_BLK = 32
_BLK_P = _I_BLK * N_NODES
_NQ = _BLK_P // 128


def _proj_body(h_ref, w1p_ref, w2p_ref, wstop_ref, biasa_ref, bstop_ref,
               sfeas_ref, a_ref, bt_ref, stop_ref):
    h = h_ref[...]
    a_ref[...] = jnp.dot(h, w1p_ref[...],
                         preferred_element_type=jnp.float32) + biasa_ref[...]
    bt_ref[...] = lax.dot_general(w2p_ref[...], h, (((0,), (1,)), ((), ())),
                                  preferred_element_type=jnp.float32)
    mean = jnp.mean(h, axis=0, keepdims=True)
    s = jnp.dot(mean, wstop_ref[...], preferred_element_type=jnp.float32)
    s = s + bstop_ref[...]
    stop_ref[...] = jnp.where(sfeas_ref[0, 0] > 0, s, -jnp.inf)


def _table_body(he_ref, w3p_ref, a_ref, bt_ref, oh_ref, t_ref):
    he = he_ref[...].reshape(_BLK_P, EDGE_DIM)
    e = lax.dot_general(w3p_ref[...], he, (((0,), (1,)), ((), ())),
                        preferred_element_type=jnp.float32)
    ea = lax.dot_general(a_ref[...], oh_ref[...], (((0,), (1,)), ((), ())),
                         preferred_element_type=jnp.float32)
    btile = jnp.concatenate([bt_ref[...]] * _I_BLK, axis=1)
    t = e + ea + btile
    for q in range(_NQ):
        t_ref[q] = t[:, q * 128:(q + 1) * 128]


def _sc_body(t_hbm, ei_hbm, ej_hbm, eb_hbm, ef_hbm, out_hbm,
             ei_v, ej_v, eb_v, ef_v, idx_v, val_v, sem):
    cid = lax.axis_index("c")
    sid = lax.axis_index("s")
    wid = sid * _NC + cid
    base = wid * _EPW
    last = _NW - 1
    nrows = jnp.where(wid == last, _TAIL // 128, _ROWS)

    @pl.when(wid < last)
    def _():
        pltpu.sync_copy(ei_hbm.at[pl.ds(base, _EPW)], ei_v)
        pltpu.sync_copy(ej_hbm.at[pl.ds(base, _EPW)], ej_v)
        pltpu.sync_copy(eb_hbm.at[pl.ds(base, _EPW)], eb_v)
        pltpu.sync_copy(ef_hbm.at[pl.ds(base, _EPW)], ef_v)

    @pl.when(wid == last)
    def _():
        tb = last * _EPW
        pltpu.sync_copy(ei_hbm.at[pl.ds(tb, _TAIL)], ei_v.at[pl.ds(0, _TAIL)])
        pltpu.sync_copy(ej_hbm.at[pl.ds(tb, _TAIL)], ej_v.at[pl.ds(0, _TAIL)])
        pltpu.sync_copy(eb_hbm.at[pl.ds(tb, _TAIL)], eb_v.at[pl.ds(0, _TAIL)])
        pltpu.sync_copy(ef_hbm.at[pl.ds(tb, _TAIL)], ef_v.at[pl.ds(0, _TAIL)])

    def idx_fire_row(r, carry):
        for c in range(8):
            sl = pl.ds(r * 128 + c * 16, 16)
            i16 = ei_v[sl]
            j16 = ej_v[sl]
            b16 = eb_v[sl]
            idx_v[sl] = ((i16 << 12) + ((j16 >> 7) << 10) + (b16 << 7)
                         + (j16 & 127))
        sl = pl.ds(r * 128, 128)
        pltpu.make_async_copy(t_hbm.at[idx_v.at[sl]], val_v.at[sl],
                              sem).start()
        return carry

    lax.fori_loop(0, nrows, idx_fire_row, 0, unroll=False)

    ninf = jnp.full((16,), -jnp.inf, dtype=jnp.float32)

    @pl.when(wid == last)
    def _():
        for c in range(_TAIL_REM // 16):
            sl = pl.ds(_TAIL_FULL + c * 16, 16)
            i16 = ei_v[sl]
            j16 = ej_v[sl]
            b16 = eb_v[sl]
            idx_v[sl] = ((i16 << 12) + ((j16 >> 7) << 10) + (b16 << 7)
                         + (j16 & 127))
        sl = pl.ds(_TAIL_FULL, _TAIL_REM)
        pltpu.make_async_copy(t_hbm.at[idx_v.at[sl]], val_v.at[sl],
                              sem).start()

    def drain_mask_row(r, carry):
        sl = pl.ds(r * 128, 128)
        pltpu.make_async_copy(t_hbm.at[idx_v.at[sl]], val_v.at[sl], sem).wait()
        for c in range(8):
            slc = pl.ds(r * 128 + c * 16, 16)
            val_v[slc] = jnp.where(ef_v[slc] > 0, val_v[slc], ninf)
        return carry

    lax.fori_loop(0, nrows, drain_mask_row, 0, unroll=False)

    @pl.when(wid == last)
    def _():
        sl = pl.ds(_TAIL_FULL, _TAIL_REM)
        pltpu.make_async_copy(t_hbm.at[idx_v.at[sl]], val_v.at[sl], sem).wait()
        for c in range(_TAIL_REM // 16):
            slc = pl.ds(_TAIL_FULL + c * 16, 16)
            val_v[slc] = jnp.where(ef_v[slc] > 0, val_v[slc], ninf)

    @pl.when(wid < last)
    def _():
        pltpu.sync_copy(val_v, out_hbm.at[pl.ds(base, _EPW)])

    @pl.when(wid == last)
    def _():
        pltpu.sync_copy(val_v.at[pl.ds(0, _TAIL)],
                        out_hbm.at[pl.ds(last * _EPW, _TAIL)])


def _make_sc_gather():
    return pl.kernel(
        _sc_body,
        out_type=jax.ShapeDtypeStruct((N_EDITS,), jnp.float32),
        mesh=plsc.VectorSubcoreMesh(core_axis_name="c", subcore_axis_name="s",
                                    num_cores=_NC, num_subcores=_NS),
        scratch_types=[
            pltpu.VMEM((_EPW,), jnp.int32),
            pltpu.VMEM((_EPW,), jnp.int32),
            pltpu.VMEM((_EPW,), jnp.int32),
            pltpu.VMEM((_EPW,), jnp.int32),
            pltpu.VMEM((_EPW,), jnp.int32),
            pltpu.VMEM((_EPW,), jnp.float32),
            pltpu.SemaphoreType.DMA,
        ],
    )


def kernel(h_nodes, h_edges, edit_i, edit_j, edit_b, feasible, stop_feasible,
           W_edit, b_edit, W_stop, b_stop):
    zpad = jnp.zeros((NODE_DIM, N_BOND), jnp.float32)
    w1p = jnp.concatenate([W_edit[:NODE_DIM], zpad], axis=1)
    w2p = jnp.concatenate([W_edit[NODE_DIM:2 * NODE_DIM], zpad], axis=1)
    w3p = jnp.pad(W_edit[2 * NODE_DIM:], ((0, 0), (0, 4)))
    biasa = jnp.concatenate([b_edit, jnp.zeros_like(b_edit)]).reshape(1, 8)
    sfeas = jnp.asarray(stop_feasible, jnp.int32).reshape(1, 1)
    onehot = (jnp.arange(_BLK_P, dtype=jnp.int32)[:, None] // N_NODES
              == jnp.arange(_I_BLK, dtype=jnp.int32)[None, :]
              ).astype(jnp.float32)

    a_full, bt, stop = pl.pallas_call(
        _proj_body,
        out_shape=(
            jax.ShapeDtypeStruct((N_NODES, 2 * N_BOND), jnp.float32),
            jax.ShapeDtypeStruct((2 * N_BOND, N_NODES), jnp.float32),
            jax.ShapeDtypeStruct((1, 1), jnp.float32),
        ),
    )(h_nodes, w1p, w2p, W_stop, biasa, b_stop.reshape(1, 1), sfeas)

    table = pl.pallas_call(
        _table_body,
        grid=(N_NODES // _I_BLK,),
        in_specs=[
            pl.BlockSpec((_I_BLK, N_NODES, EDGE_DIM), lambda i: (i, 0, 0)),
            pl.BlockSpec((EDGE_DIM, 2 * N_BOND), lambda i: (0, 0)),
            pl.BlockSpec((_I_BLK, 2 * N_BOND), lambda i: (i, 0)),
            pl.BlockSpec((2 * N_BOND, N_NODES), lambda i: (0, 0)),
            pl.BlockSpec((_BLK_P, _I_BLK), lambda i: (0, 0)),
        ],
        out_specs=pl.BlockSpec((_NQ, 2 * N_BOND, 128), lambda i: (i, 0, 0)),
        out_shape=jax.ShapeDtypeStruct((N_NODES * N_NODES // 128,
                                        2 * N_BOND, 128), jnp.float32),
    )(h_edges, w3p, a_full, bt, onehot)

    out1 = _make_sc_gather()(table.reshape(-1),
                             edit_i.astype(jnp.int32),
                             edit_j.astype(jnp.int32),
                             edit_b.astype(jnp.int32),
                             feasible.astype(jnp.int32))

    return jnp.concatenate([out1, stop.reshape(1)])

# --- scband reference (transcript-rebuilt; emitter-appended) ---
"""Pipeline reference for scband-reverse-policy-83502754169167 (READ-ONLY COPY).

The authoritative reference and input builder live on the scoring server;
editing this copy changes nothing except your own understanding.
"""

import jax, jax.numpy as jnp
import numpy as np

N_NODES = 512
NODE_DIM = 256
EDGE_DIM = 128
N_EDITS = 200000
N_BOND_TYPES = 4


def setup_inputs(seed: int = 0) -> dict:
    key = jax.random.key(seed)
    ks = jax.random.split(key, 10)
    h_nodes = jax.random.normal(ks[0], (N_NODES, NODE_DIM), dtype=jnp.float32)
    h_edges = jax.random.normal(ks[1], (N_NODES, N_NODES, EDGE_DIM), dtype=jnp.float32)
    edit_i = jax.random.randint(ks[2], (N_EDITS,), 0, N_NODES)
    edit_j = jax.random.randint(ks[3], (N_EDITS,), 0, N_NODES)
    edit_b = jax.random.randint(ks[4], (N_EDITS,), 0, N_BOND_TYPES)
    feasible = jax.random.randint(ks[5], (N_EDITS,), 0, 2).astype(jnp.int32)
    W_edit = jax.random.normal(ks[6], (NODE_DIM * 2 + EDGE_DIM, N_BOND_TYPES), dtype=jnp.float32) * 0.02
    b_edit = jnp.zeros((N_BOND_TYPES,), dtype=jnp.float32)
    W_stop = jax.random.normal(ks[7], (NODE_DIM, 1), dtype=jnp.float32) * 0.02
    b_stop = jnp.zeros((1,), dtype=jnp.float32)
    return {
        "h_nodes": h_nodes,
        "h_edges": h_edges,
        "edit_i": edit_i,
        "edit_j": edit_j,
        "edit_b": edit_b,
        "feasible": feasible,
        "stop_feasible": 1,
        "W_edit": W_edit,
        "b_edit": b_edit,
        "W_stop": W_stop,
        "b_stop": b_stop,
    }


def reference(h_nodes, h_edges, edit_i, edit_j, edit_b, feasible, stop_feasible, W_edit, b_edit, W_stop, b_stop):
    # Vectorized equivalent of ReversePolicy.logits: for each candidate edit
    # (i, j, b), feat = cat([h_nodes[i], h_nodes[j], h_edges[i, j]]) and
    # logit = edit_head(feat)[b]; infeasible edits get -inf; STOP score from
    # stop_head on mean node embedding is appended at the end.
    hi = jnp.take(h_nodes, edit_i, axis=0)
    hj = jnp.take(h_nodes, edit_j, axis=0)
    he = h_edges[edit_i, edit_j]
    feat = jnp.concatenate([hi, hj, he], axis=-1)
    all_logits = feat @ W_edit + b_edit
    edit_logits = jnp.take_along_axis(all_logits, edit_b[:, None], axis=1)[:, 0]
    neg_inf = jnp.float32(-jnp.inf)
    edit_logits = jnp.where(feasible > 0, edit_logits, neg_inf)
    stop_score = (h_nodes.mean(axis=0) @ W_stop + b_stop)[0]
    stop_score = jnp.where(stop_feasible > 0, stop_score, neg_inf)
    logits = jnp.concatenate([edit_logits, stop_score[None]], axis=0)
    return logits

if __name__ == "__main__":
    import jax
    _d = setup_inputs()
    print(jax.jit(kernel)(*tuple(_d.values())))

</pallas_src>

<mosaic_0001>
#map = affine_map<(d0, d1) -> (0)>
module attributes {stable_mosaic.version = 14 : i64} {
  func.func @_sc_body(%arg0: i32, %arg1: i32, %arg2: memref<2097152xf32, #tpu.memory_space<hbm>>, %arg3: memref<200000xi32, #tpu.memory_space<hbm>>, %arg4: memref<200000xi32, #tpu.memory_space<hbm>>, %arg5: memref<200000xi32, #tpu.memory_space<hbm>>, %arg6: memref<200000xi32, #tpu.memory_space<hbm>>, %arg7: memref<200000xf32, #tpu.memory_space<hbm>>, %arg8: memref<6272xi32, #tpu.memory_space<vmem>>, %arg9: memref<6272xi32, #tpu.memory_space<vmem>>, %arg10: memref<6272xi32, #tpu.memory_space<vmem>>, %arg11: memref<6272xi32, #tpu.memory_space<vmem>>, %arg12: memref<6272xi32, #tpu.memory_space<vmem>>, %arg13: memref<6272xf32, #tpu.memory_space<vmem>>, %arg14: memref<!tpu.dma_semaphore, #tpu.memory_space<semaphore_mem>>) attributes {dimension_semantics = [#tpu.dimension_semantics<core_parallel>, #tpu.dimension_semantics<subcore_parallel>], iteration_bounds = array<i64: 2, 16>, scalar_prefetch = 0 : i64, scratch_operands = 7 : i64, tpu.core_type = #tpu.core_type<sc_vector_subcore>, window_params = [{transform_indices = #map}, {transform_indices = #map}, {transform_indices = #map}, {transform_indices = #map}, {transform_indices = #map}, {transform_indices = #map}]} {
    %mul3A = arith.constant 2 : i32
    %mul3A_0 = arith.muli %arg1, %mul3A : i32
    %add3A = arith.addi %mul3A_0, %arg0 : i32
    %mul3A_1 = arith.constant 6272 : i32
    %mul3A_2 = arith.muli %add3A, %mul3A_1 : i32
    %eq3A = arith.constant 31 : i32
    %eq3A_3 = arith.cmpi eq, %add3A, %eq3A : i32
    %jit3A = arith.constant 43 : i32
    %jit3A_4 = arith.constant 49 : i32
    %select_n3A = arith.select %eq3A_3, %jit3A, %jit3A_4 : i32
    %lt3A = arith.constant 31 : i32
    %lt3A_5 = arith.cmpi slt, %add3A, %lt3A : i32
    %convert_element_type3A = arith.extui %lt3A_5 : i1 to i32
    %cond3A = arith.constant 0 : i32
    %cond3A_6 = arith.cmpi ne, %convert_element_type3A, %cond3A : i32
    scf.if %cond3A_6 {
      "tpu.region"() ({
        %run_scoped3A = tpu.sem_alloc : memref<!tpu.dma_semaphore, #tpu.memory_space<semaphore_mem>>
        %dma_start3A = tpu.memref_slice %arg3[%mul3A_2] : memref<200000xi32, #tpu.memory_space<hbm>> -> memref<6272xi32, #tpu.memory_space<hbm>>
        %dma_start3A_52 = tpu.memref_slice %arg3[%mul3A_2] : memref<200000xi32, #tpu.memory_space<hbm>> -> memref<6272xi32, #tpu.memory_space<hbm>>
        tpu.enqueue_dma source(%dma_start3A_52 : memref<6272xi32, #tpu.memory_space<hbm>>) target(%arg8 : memref<6272xi32, #tpu.memory_space<vmem>>) target_semaphore(%run_scoped3A : memref<!tpu.dma_semaphore, #tpu.memory_space<semaphore_mem>>)
        %dma_wait3A = tpu.memref_slice %arg3[%mul3A_2] : memref<200000xi32, #tpu.memory_space<hbm>> -> memref<6272xi32, #tpu.memory_space<hbm>>
        %dma_wait3A_53 = tpu.memref_slice %arg3[%mul3A_2] : memref<200000xi32, #tpu.memory_space<hbm>> -> memref<6272xi32, #tpu.memory_space<hbm>>
        tpu.wait_dma2 semaphore(%run_scoped3A : memref<!tpu.dma_semaphore, #tpu.memory_space<semaphore_mem>>) src(%dma_wait3A_53 : memref<6272xi32, #tpu.memory_space<hbm>>) dst(%arg8 : memref<6272xi32, #tpu.memory_space<vmem>>)
        tpu.yield
      }) : () -> ()
      "tpu.region"() ({
        %run_scoped3A = tpu.sem_alloc : memref<!tpu.dma_semaphore, #tpu.memory_space<semaphore_mem>>
        %dma_start3A = tpu.memref_slice %arg4[%mul3A_2] : memref<200000xi32, #tpu.memory_space<hbm>> -> memref<6272xi32, #tpu.memory_space<hbm>>
        %dma_start3A_52 = tpu.memref_slice %arg4[%mul3A_2] : memref<200000xi32, #tpu.memory_space<hbm>> -> memref<6272xi32, #tpu.memory_space<hbm>>
        tpu.enqueue_dma source(%dma_start3A_52 : memref<6272xi32, #tpu.memory_space<hbm>>) target(%arg9 : memref<6272xi32, #tpu.memory_space<vmem>>) target_semaphore(%run_scoped3A : memref<!tpu.dma_semaphore, #tpu.memory_space<semaphore_mem>>)
        %dma_wait3A = tpu.memref_slice %arg4[%mul3A_2] : memref<200000xi32, #tpu.memory_space<hbm>> -> memref<6272xi32, #tpu.memory_space<hbm>>
        %dma_wait3A_53 = tpu.memref_slice %arg4[%mul3A_2] : memref<200000xi32, #tpu.memory_space<hbm>> -> memref<6272xi32, #tpu.memory_space<hbm>>
        tpu.wait_dma2 semaphore(%run_scoped3A : memref<!tpu.dma_semaphore, #tpu.memory_space<semaphore_mem>>) src(%dma_wait3A_53 : memref<6272xi32, #tpu.memory_space<hbm>>) dst(%arg9 : memref<6272xi32, #tpu.memory_space<vmem>>)
        tpu.yield
      }) : () -> ()
      "tpu.region"() ({
        %run_scoped3A = tpu.sem_alloc : memref<!tpu.dma_semaphore, #tpu.memory_space<semaphore_mem>>
        %dma_start3A = tpu.memref_slice %arg5[%mul3A_2] : memref<200000xi32, #tpu.memory_space<hbm>> -> memref<6272xi32, #tpu.memory_space<hbm>>
        %dma_start3A_52 = tpu.memref_slice %arg5[%mul3A_2] : memref<200000xi32, #tpu.memory_space<hbm>> -> memref<6272xi32, #tpu.memory_space<hbm>>
        tpu.enqueue_dma source(%dma_start3A_52 : memref<6272xi32, #tpu.memory_space<hbm>>) target(%arg10 : memref<6272xi32, #tpu.memory_space<vmem>>) target_semaphore(%run_scoped3A : memref<!tpu.dma_semaphore, #tpu.memory_space<semaphore_mem>>)
        %dma_wait3A = tpu.memref_slice %arg5[%mul3A_2] : memref<200000xi32, #tpu.memory_space<hbm>> -> memref<6272xi32, #tpu.memory_space<hbm>>
        %dma_wait3A_53 = tpu.memref_slice %arg5[%mul3A_2] : memref<200000xi32, #tpu.memory_space<hbm>> -> memref<6272xi32, #tpu.memory_space<hbm>>
        tpu.wait_dma2 semaphore(%run_scoped3A : memref<!tpu.dma_semaphore, #tpu.memory_space<semaphore_mem>>) src(%dma_wait3A_53 : memref<6272xi32, #tpu.memory_space<hbm>>) dst(%arg10 : memref<6272xi32, #tpu.memory_space<vmem>>)
        tpu.yield
      }) : () -> ()
      "tpu.region"() ({
        %run_scoped3A = tpu.sem_alloc : memref<!tpu.dma_semaphore, #tpu.memory_space<semaphore_mem>>
        %dma_start3A = tpu.memref_slice %arg6[%mul3A_2] : memref<200000xi32, #tpu.memory_space<hbm>> -> memref<6272xi32, #tpu.memory_space<hbm>>
        %dma_start3A_52 = tpu.memref_slice %arg6[%mul3A_2] : memref<200000xi32, #tpu.memory_space<hbm>> -> memref<6272xi32, #tpu.memory_space<hbm>>
        tpu.enqueue_dma source(%dma_start3A_52 : memref<6272xi32, #tpu.memory_space<hbm>>) target(%arg11 : memref<6272xi32, #tpu.memory_space<vmem>>) target_semaphore(%run_scoped3A : memref<!tpu.dma_semaphore, #tpu.memory_space<semaphore_mem>>)
        %dma_wait3A = tpu.memref_slice %arg6[%mul3A_2] : memref<200000xi32, #tpu.memory_space<hbm>> -> memref<6272xi32, #tpu.memory_space<hbm>>
        %dma_wait3A_53 = tpu.memref_slice %arg6[%mul3A_2] : memref<200000xi32, #tpu.memory_space<hbm>> -> memref<6272xi32, #tpu.memory_space<hbm>>
        tpu.wait_dma2 semaphore(%run_scoped3A : memref<!tpu.dma_semaphore, #tpu.memory_space<semaphore_mem>>) src(%dma_wait3A_53 : memref<6272xi32, #tpu.memory_space<hbm>>) dst(%arg11 : memref<6272xi32, #tpu.memory_space<vmem>>)
        tpu.yield
      }) : () -> ()
    } else {
    }
    %eq3A_7 = arith.constant 31 : i32
    %eq3A_8 = arith.cmpi eq, %add3A, %eq3A_7 : i32
    %convert_element_type3A_9 = arith.extui %eq3A_8 : i1 to i32
    %cond3A_10 = arith.constant 0 : i32
    %cond3A_11 = arith.cmpi ne, %convert_element_type3A_9, %cond3A_10 : i32
    scf.if %cond3A_11 {
      "tpu.region"() ({
        %run_scoped3A = tpu.sem_alloc : memref<!tpu.dma_semaphore, #tpu.memory_space<semaphore_mem>>
        %dma_start3A = arith.constant 0 : i32
        %dma_start3A_52 = tpu.memref_slice %arg8[%dma_start3A] : memref<6272xi32, #tpu.memory_space<vmem>> -> memref<5568xi32, #tpu.memory_space<vmem>>
        %dma_start3A_53 = arith.constant 194432 : i32
        %dma_start3A_54 = tpu.memref_slice %arg3[%dma_start3A_53] : memref<200000xi32, #tpu.memory_space<hbm>> -> memref<5568xi32, #tpu.memory_space<hbm>>
        %dma_start3A_55 = arith.constant 0 : i32
        %dma_start3A_56 = tpu.memref_slice %arg8[%dma_start3A_55] : memref<6272xi32, #tpu.memory_space<vmem>> -> memref<5568xi32, #tpu.memory_space<vmem>>
        %dma_start3A_57 = arith.constant 194432 : i32
        %dma_start3A_58 = tpu.memref_slice %arg3[%dma_start3A_57] : memref<200000xi32, #tpu.memory_space<hbm>> -> memref<5568xi32, #tpu.memory_space<hbm>>
        tpu.enqueue_dma source(%dma_start3A_58 : memref<5568xi32, #tpu.memory_space<hbm>>) target(%dma_start3A_56 : memref<5568xi32, #tpu.memory_space<vmem>>) target_semaphore(%run_scoped3A : memref<!tpu.dma_semaphore, #tpu.memory_space<semaphore_mem>>)
        %dma_wait3A = arith.constant 0 : i32
        %dma_wait3A_59 = tpu.memref_slice %arg8[%dma_wait3A] : memref<6272xi32, #tpu.memory_space<vmem>> -> memref<5568xi32, #tpu.memory_space<vmem>>
        %dma_wait3A_60 = arith.constant 194432 : i32
        %dma_wait3A_61 = tpu.memref_slice %arg3[%dma_wait3A_60] : memref<200000xi32, #tpu.memory_space<hbm>> -> memref<5568xi32, #tpu.memory_space<hbm>>
        %dma_wait3A_62 = arith.constant 0 : i32
        %dma_wait3A_63 = tpu.memref_slice %arg8[%dma_wait3A_62] : memref<6272xi32, #tpu.memory_space<vmem>> -> memref<5568xi32, #tpu.memory_space<vmem>>
        %dma_wait3A_64 = arith.constant 194432 : i32
        %dma_wait3A_65 = tpu.memref_slice %arg3[%dma_wait3A_64] : memref<200000xi32, #tpu.memory_space<hbm>> -> memref<5568xi32, #tpu.memory_space<hbm>>
        tpu.wait_dma2 semaphore(%run_scoped3A : memref<!tpu.dma_semaphore, #tpu.memory_space<semaphore_mem>>) src(%dma_wait3A_65 : memref<5568xi32, #tpu.memory_space<hbm>>) dst(%dma_wait3A_63 : memref<5568xi32, #tpu.memory_space<vmem>>)
        tpu.yield
      }) : () -> ()
      "tpu.region"() ({
        %run_scoped3A = tpu.sem_alloc : memref<!tpu.dma_semaphore, #tpu.memory_space<semaphore_mem>>
        %dma_start3A = arith.constant 0 : i32
        %dma_start3A_52 = tpu.memref_slice %arg9[%dma_start3A] : memref<6272xi32, #tpu.memory_space<vmem>> -> memref<5568xi32, #tpu.memory_space<vmem>>
        %dma_start3A_53 = arith.constant 194432 : i32
        %dma_start3A_54 = tpu.memref_slice %arg4[%dma_start3A_53] : memref<200000xi32, #tpu.memory_space<hbm>> -> memref<5568xi32, #tpu.memory_space<hbm>>
        %dma_start3A_55 = arith.constant 0 : i32
        %dma_start3A_56 = tpu.memref_slice %arg9[%dma_start3A_55] : memref<6272xi32, #tpu.memory_space<vmem>> -> memref<5568xi32, #tpu.memory_space<vmem>>
        %dma_start3A_57 = arith.constant 194432 : i32
        %dma_start3A_58 = tpu.memref_slice %arg4[%dma_start3A_57] : memref<200000xi32, #tpu.memory_space<hbm>> -> memref<5568xi32, #tpu.memory_space<hbm>>
        tpu.enqueue_dma source(%dma_start3A_58 : memref<5568xi32, #tpu.memory_space<hbm>>) target(%dma_start3A_56 : memref<5568xi32, #tpu.memory_space<vmem>>) target_semaphore(%run_scoped3A : memref<!tpu.dma_semaphore, #tpu.memory_space<semaphore_mem>>)
        %dma_wait3A = arith.constant 0 : i32
        %dma_wait3A_59 = tpu.memref_slice %arg9[%dma_wait3A] : memref<6272xi32, #tpu.memory_space<vmem>> -> memref<5568xi32, #tpu.memory_space<vmem>>
        %dma_wait3A_60 = arith.constant 194432 : i32
        %dma_wait3A_61 = tpu.memref_slice %arg4[%dma_wait3A_60] : memref<200000xi32, #tpu.memory_space<hbm>> -> memref<5568xi32, #tpu.memory_space<hbm>>
        %dma_wait3A_62 = arith.constant 0 : i32
        %dma_wait3A_63 = tpu.memref_slice %arg9[%dma_wait3A_62] : memref<6272xi32, #tpu.memory_space<vmem>> -> memref<5568xi32, #tpu.memory_space<vmem>>
        %dma_wait3A_64 = arith.constant 194432 : i32
        %dma_wait3A_65 = tpu.memref_slice %arg4[%dma_wait3A_64] : memref<200000xi32, #tpu.memory_space<hbm>> -> memref<5568xi32, #tpu.memory_space<hbm>>
        tpu.wait_dma2 semaphore(%run_scoped3A : memref<!tpu.dma_semaphore, #tpu.memory_space<semaphore_mem>>) src(%dma_wait3A_65 : memref<5568xi32, #tpu.memory_space<hbm>>) dst(%dma_wait3A_63 : memref<5568xi32, #tpu.memory_space<vmem>>)
        tpu.yield
      }) : () -> ()
      "tpu.region"() ({
        %run_scoped3A = tpu.sem_alloc : memref<!tpu.dma_semaphore, #tpu.memory_space<semaphore_mem>>
        %dma_start3A = arith.constant 0 : i32
        %dma_start3A_52 = tpu.memref_slice %arg10[%dma_start3A] : memref<6272xi32, #tpu.memory_space<vmem>> -> memref<5568xi32, #tpu.memory_space<vmem>>
        %dma_start3A_53 = arith.constant 194432 : i32
        %dma_start3A_54 = tpu.memref_slice %arg5[%dma_start3A_53] : memref<200000xi32, #tpu.memory_space<hbm>> -> memref<5568xi32, #tpu.memory_space<hbm>>
        %dma_start3A_55 = arith.constant 0 : i32
        %dma_start3A_56 = tpu.memref_slice %arg10[%dma_start3A_55] : memref<6272xi32, #tpu.memory_space<vmem>> -> memref<5568xi32, #tpu.memory_space<vmem>>
        %dma_start3A_57 = arith.constant 194432 : i32
        %dma_start3A_58 = tpu.memref_slice %arg5[%dma_start3A_57] : memref<200000xi32, #tpu.memory_space<hbm>> -> memref<5568xi32, #tpu.memory_space<hbm>>
        tpu.enqueue_dma source(%dma_start3A_58 : memref<5568xi32, #tpu.memory_space<hbm>>) target(%dma_start3A_56 : memref<5568xi32, #tpu.memory_space<vmem>>) target_semaphore(%run_scoped3A : memref<!tpu.dma_semaphore, #tpu.memory_space<semaphore_mem>>)
        %dma_wait3A = arith.constant 0 : i32
        %dma_wait3A_59 = tpu.memref_slice %arg10[%dma_wait3A] : memref<6272xi32, #tpu.memory_space<vmem>> -> memref<5568xi32, #tpu.memory_space<vmem>>
        %dma_wait3A_60 = arith.constant 194432 : i32
        %dma_wait3A_61 = tpu.memref_slice %arg5[%dma_wait3A_60] : memref<200000xi32, #tpu.memory_space<hbm>> -> memref<5568xi32, #tpu.memory_space<hbm>>
        %dma_wait3A_62 = arith.constant 0 : i32
        %dma_wait3A_63 = tpu.memref_slice %arg10[%dma_wait3A_62] : memref<6272xi32, #tpu.memory_space<vmem>> -> memref<5568xi32, #tpu.memory_space<vmem>>
        %dma_wait3A_64 = arith.constant 194432 : i32
        %dma_wait3A_65 = tpu.memref_slice %arg5[%dma_wait3A_64] : memref<200000xi32, #tpu.memory_space<hbm>> -> memref<5568xi32, #tpu.memory_space<hbm>>
        tpu.wait_dma2 semaphore(%run_scoped3A : memref<!tpu.dma_semaphore, #tpu.memory_space<semaphore_mem>>) src(%dma_wait3A_65 : memref<5568xi32, #tpu.memory_space<hbm>>) dst(%dma_wait3A_63 : memref<5568xi32, #tpu.memory_space<vmem>>)
        tpu.yield
      }) : () -> ()
      "tpu.region"() ({
        %run_scoped3A = tpu.sem_alloc : memref<!tpu.dma_semaphore, #tpu.memory_space<semaphore_mem>>
        %dma_start3A = arith.constant 0 : i32
        %dma_start3A_52 = tpu.memref_slice %arg11[%dma_start3A] : memref<6272xi32, #tpu.memory_space<vmem>> -> memref<5568xi32, #tpu.memory_space<vmem>>
        %dma_start3A_53 = arith.constant 194432 : i32
        %dma_start3A_54 = tpu.memref_slice %arg6[%dma_start3A_53] : memref<200000xi32, #tpu.memory_space<hbm>> -> memref<5568xi32, #tpu.memory_space<hbm>>
        %dma_start3A_55 = arith.constant 0 : i32
        %dma_start3A_56 = tpu.memref_slice %arg11[%dma_start3A_55] : memref<6272xi32, #tpu.memory_space<vmem>> -> memref<5568xi32, #tpu.memory_space<vmem>>
        %dma_start3A_57 = arith.constant 194432 : i32
        %dma_start3A_58 = tpu.memref_slice %arg6[%dma_start3A_57] : memref<200000xi32, #tpu.memory_space<hbm>> -> memref<5568xi32, #tpu.memory_space<hbm>>
        tpu.enqueue_dma source(%dma_start3A_58 : memref<5568xi32, #tpu.memory_space<hbm>>) target(%dma_start3A_56 : memref<5568xi32, #tpu.memory_space<vmem>>) target_semaphore(%run_scoped3A : memref<!tpu.dma_semaphore, #tpu.memory_space<semaphore_mem>>)
        %dma_wait3A = arith.constant 0 : i32
        %dma_wait3A_59 = tpu.memref_slice %arg11[%dma_wait3A] : memref<6272xi32, #tpu.memory_space<vmem>> -> memref<5568xi32, #tpu.memory_space<vmem>>
        %dma_wait3A_60 = arith.constant 194432 : i32
        %dma_wait3A_61 = tpu.memref_slice %arg6[%dma_wait3A_60] : memref<200000xi32, #tpu.memory_space<hbm>> -> memref<5568xi32, #tpu.memory_space<hbm>>
        %dma_wait3A_62 = arith.constant 0 : i32
        %dma_wait3A_63 = tpu.memref_slice %arg11[%dma_wait3A_62] : memref<6272xi32, #tpu.memory_space<vmem>> -> memref<5568xi32, #tpu.memory_space<vmem>>
        %dma_wait3A_64 = arith.constant 194432 : i32
        %dma_wait3A_65 = tpu.memref_slice %arg6[%dma_wait3A_64] : memref<200000xi32, #tpu.memory_space<hbm>> -> memref<5568xi32, #tpu.memory_space<hbm>>
        tpu.wait_dma2 semaphore(%run_scoped3A : memref<!tpu.dma_semaphore, #tpu.memory_space<semaphore_mem>>) src(%dma_wait3A_65 : memref<5568xi32, #tpu.memory_space<hbm>>) dst(%dma_wait3A_63 : memref<5568xi32, #tpu.memory_space<vmem>>)
        tpu.yield
      }) : () -> ()
    } else {
    }
    %while3A = arith.constant 0 : i32
    %while3A_12 = arith.constant 0 : i32
    %while3A_13 = arith.subi %select_n3A, %while3A_12 : i32
    %while3A_14 = arith.addi %while3A_12, %while3A_13 : i32
    %while3A_15 = arith.constant 1 : i32
    %while3A_16 = arith.divsi %while3A_13, %while3A_15 : i32
    %while3A_17 = arith.muli %while3A_16, %while3A_15 : i32
    %while3A_18 = arith.addi %while3A_12, %while3A_17 : i32
    %while3A_19 = arith.constant 1 : i32
    scf.for %while3A_52 = %while3A_12 to %while3A_18 step %while3A_19  : i32 {
      %mul3A_53 = arith.constant 128 : i32
      %mul3A_54 = arith.muli %while3A_52, %mul3A_53 : i32
      %add3A_55 = arith.constant 0 : i32
      %add3A_56 = arith.addi %mul3A_54, %add3A_55 : i32
      %get3A = arith.index_cast %add3A_56 : i32 to index
      %get3A_57 = tpu.vector_load %arg8[%get3A] {strides = array<i32>} : memref<6272xi32, #tpu.memory_space<vmem>>, vector<16xi32>,
      %get3A_58 = vector.shape_cast %get3A_57 : vector<16xi32> to vector<16xi32>
      %get3A_59 = arith.index_cast %add3A_56 : i32 to index
      %get3A_60 = tpu.vector_load %arg9[%get3A_59] {strides = array<i32>} : memref<6272xi32, #tpu.memory_space<vmem>>, vector<16xi32>,
      %get3A_61 = vector.shape_cast %get3A_60 : vector<16xi32> to vector<16xi32>
      %get3A_62 = arith.index_cast %add3A_56 : i32 to index
      %get3A_63 = tpu.vector_load %arg10[%get3A_62] {strides = array<i32>} : memref<6272xi32, #tpu.memory_space<vmem>>, vector<16xi32>,
      %get3A_64 = vector.shape_cast %get3A_63 : vector<16xi32> to vector<16xi32>
      %shift_left3A = arith.constant 12 : i32
      %shift_left3A_65 = vector.broadcast %shift_left3A : i32 to vector<16xi32>
      %shift_left3A_66 = arith.shli %get3A_58, %shift_left3A_65 : vector<16xi32>
      %shift_right_arithmetic3A = arith.constant 7 : i32
      %shift_right_arithmetic3A_67 = vector.broadcast %shift_right_arithmetic3A : i32 to vector<16xi32>
      %shift_right_arithmetic3A_68 = arith.shrsi %get3A_61, %shift_right_arithmetic3A_67 : vector<16xi32>
      %shift_left3A_69 = arith.constant 10 : i32
      %shift_left3A_70 = vector.broadcast %shift_left3A_69 : i32 to vector<16xi32>
      %shift_left3A_71 = arith.shli %shift_right_arithmetic3A_68, %shift_left3A_70 : vector<16xi32>
      %add3A_72 = arith.addi %shift_left3A_66, %shift_left3A_71 : vector<16xi32>
      %shift_left3A_73 = arith.constant 7 : i32
      %shift_left3A_74 = vector.broadcast %shift_left3A_73 : i32 to vector<16xi32>
      %shift_left3A_75 = arith.shli %get3A_64, %shift_left3A_74 : vector<16xi32>
      %add3A_76 = arith.addi %add3A_72, %shift_left3A_75 : vector<16xi32>
      %and3A = arith.constant 127 : i32
      %and3A_77 = vector.broadcast %and3A : i32 to vector<16xi32>
      %and3A_78 = arith.andi %get3A_61, %and3A_77 : vector<16xi32>
      %add3A_79 = arith.addi %add3A_76, %and3A_78 : vector<16xi32>
      %swap3A = arith.index_cast %add3A_56 : i32 to index
      %swap3A_80 = tpu.vector_load %arg12[%swap3A] {strides = array<i32>} : memref<6272xi32, #tpu.memory_space<vmem>>, vector<16xi32>,
      %swap3A_81 = vector.shape_cast %swap3A_80 : vector<16xi32> to vector<16xi32>
      %swap3A_82 = vector.shape_cast %add3A_79 : vector<16xi32> to vector<16xi32>
      tpu.vector_store %arg12[%swap3A], %swap3A_82 {strides = array<i32>} : memref<6272xi32, #tpu.memory_space<vmem>>, vector<16xi32>,
      %mul3A_83 = arith.constant 128 : i32
      %mul3A_84 = arith.muli %while3A_52, %mul3A_83 : i32
      %add3A_85 = arith.constant 16 : i32
      %add3A_86 = arith.addi %mul3A_84, %add3A_85 : i32
      %get3A_87 = arith.index_cast %add3A_86 : i32 to index
      %get3A_88 = tpu.vector_load %arg8[%get3A_87] {strides = array<i32>} : memref<6272xi32, #tpu.memory_space<vmem>>, vector<16xi32>,
      %get3A_89 = vector.shape_cast %get3A_88 : vector<16xi32> to vector<16xi32>
      %get3A_90 = arith.index_cast %add3A_86 : i32 to index
      %get3A_91 = tpu.vector_load %arg9[%get3A_90] {strides = array<i32>} : memref<6272xi32, #tpu.memory_space<vmem>>, vector<16xi32>,
      %get3A_92 = vector.shape_cast %get3A_91 : vector<16xi32> to vector<16xi32>
      %get3A_93 = arith.index_cast %add3A_86 : i32 to index
      %get3A_94 = tpu.vector_load %arg10[%get3A_93] {strides = array<i32>} : memref<6272xi32, #tpu.memory_space<vmem>>, vector<16xi32>,
      %get3A_95 = vector.shape_cast %get3A_94 : vector<16xi32> to vector<16xi32>
      %shift_left3A_96 = arith.constant 12 : i32
      %shift_left3A_97 = vector.broadcast %shift_left3A_96 : i32 to vector<16xi32>
      %shift_left3A_98 = arith.shli %get3A_89, %shift_left3A_97 : vector<16xi32>
      %shift_right_arithmetic3A_99 = arith.constant 7 : i32
      %shift_right_arithmetic3A_100 = vector.broadcast %shift_right_arithmetic3A_99 : i32 to vector<16xi32>
      %shift_right_arithmetic3A_101 = arith.shrsi %get3A_92, %shift_right_arithmetic3A_100 : vector<16xi32>
      %shift_left3A_102 = arith.constant 10 : i32
      %shift_left3A_103 = vector.broadcast %shift_left3A_102 : i32 to vector<16xi32>
      %shift_left3A_104 = arith.shli %shift_right_arithmetic3A_101, %shift_left3A_103 : vector<16xi32>
      %add3A_105 = arith.addi %shift_left3A_98, %shift_left3A_104 : vector<16xi32>
      %shift_left3A_106 = arith.constant 7 : i32
      %shift_left3A_107 = vector.broadcast %shift_left3A_106 : i32 to vector<16xi32>
      %shift_left3A_108 = arith.shli %get3A_95, %shift_left3A_107 : vector<16xi32>
      %add3A_109 = arith.addi %add3A_105, %shift_left3A_108 : vector<16xi32>
      %and3A_110 = arith.constant 127 : i32
      %and3A_111 = vector.broadcast %and3A_110 : i32 to vector<16xi32>
      %and3A_112 = arith.andi %get3A_92, %and3A_111 : vector<16xi32>
      %add3A_113 = arith.addi %add3A_109, %and3A_112 : vector<16xi32>
      %swap3A_114 = arith.index_cast %add3A_86 : i32 to index
      %swap3A_115 = tpu.vector_load %arg12[%swap3A_114] {strides = array<i32>} : memref<6272xi32, #tpu.memory_space<vmem>>, vector<16xi32>,
      %swap3A_116 = vector.shape_cast %swap3A_115 : vector<16xi32> to vector<16xi32>
      %swap3A_117 = vector.shape_cast %add3A_113 : vector<16xi32> to vector<16xi32>
      tpu.vector_store %arg12[%swap3A_114], %swap3A_117 {strides = array<i32>} : memref<6272xi32, #tpu.memory_space<vmem>>, vector<16xi32>,
      %mul3A_118 = arith.constant 128 : i32
      %mul3A_119 = arith.muli %while3A_52, %mul3A_118 : i32
      %add3A_120 = arith.constant 32 : i32
      %add3A_121 = arith.addi %mul3A_119, %add3A_120 : i32
      %get3A_122 = arith.index_cast %add3A_121 : i32 to index
      %get3A_123 = tpu.vector_load %arg8[%get3A_122] {strides = array<i32>} : memref<6272xi32, #tpu.memory_space<vmem>>, vector<16xi32>,
      %get3A_124 = vector.shape_cast %get3A_123 : vector<16xi32> to vector<16xi32>
      %get3A_125 = arith.index_cast %add3A_121 : i32 to index
      %get3A_126 = tpu.vector_load %arg9[%get3A_125] {strides = array<i32>} : memref<6272xi32, #tpu.memory_space<vmem>>, vector<16xi32>,
      %get3A_127 = vector.shape_cast %get3A_126 : vector<16xi32> to vector<16xi32>
      %get3A_128 = arith.index_cast %add3A_121 : i32 to index
      %get3A_129 = tpu.vector_load %arg10[%get3A_128] {strides = array<i32>} : memref<6272xi32, #tpu.memory_space<vmem>>, vector<16xi32>,
      %get3A_130 = vector.shape_cast %get3A_129 : vector<16xi32> to vector<16xi32>
      %shift_left3A_131 = arith.constant 12 : i32
      %shift_left3A_132 = vector.broadcast %shift_left3A_131 : i32 to vector<16xi32>
      %shift_left3A_133 = arith.shli %get3A_124, %shift_left3A_132 : vector<16xi32>
      %shift_right_arithmetic3A_134 = arith.constant 7 : i32
      %shift_right_arithmetic3A_135 = vector.broadcast %shift_right_arithmetic3A_134 : i32 to vector<16xi32>
      %shift_right_arithmetic3A_136 = arith.shrsi %get3A_127, %shift_right_arithmetic3A_135 : vector<16xi32>
      %shift_left3A_137 = arith.constant 10 : i32
      %shift_left3A_138 = vector.broadcast %shift_left3A_137 : i32 to vector<16xi32>
      %shift_left3A_139 = arith.shli %shift_right_arithmetic3A_136, %shift_left3A_138 : vector<16xi32>
      %add3A_140 = arith.addi %shift_left3A_133, %shift_left3A_139 : vector<16xi32>
      %shift_left3A_141 = arith.constant 7 : i32
      %shift_left3A_142 = vector.broadcast %shift_left3A_141 : i32 to vector<16xi32>
      %shift_left3A_143 = arith.shli %get3A_130, %shift_left3A_142 : vector<16xi32>
      %add3A_144 = arith.addi %add3A_140, %shift_left3A_143 : vector<16xi32>
      %and3A_145 = arith.constant 127 : i32
      %and3A_146 = vector.broadcast %and3A_145 : i32 to vector<16xi32>
      %and3A_147 = arith.andi %get3A_127, %and3A_146 : vector<16xi32>
      %add3A_148 = arith.addi %add3A_144, %and3A_147 : vector<16xi32>
      %swap3A_149 = arith.index_cast %add3A_121 : i32 to index
      %swap3A_150 = tpu.vector_load %arg12[%swap3A_149] {strides = array<i32>} : memref<6272xi32, #tpu.memory_space<vmem>>, vector<16xi32>,
      %swap3A_151 = vector.shape_cast %swap3A_150 : vector<16xi32> to vector<16xi32>
      %swap3A_152 = vector.shape_cast %add3A_148 : vector<16xi32> to vector<16xi32>
      tpu.vector_store %arg12[%swap3A_149], %swap3A_152 {strides = array<i32>} : memref<6272xi32, #tpu.memory_space<vmem>>, vector<16xi32>,
      %mul3A_153 = arith.constant 128 : i32
      %mul3A_154 = arith.muli %while3A_52, %mul3A_153 : i32
      %add3A_155 = arith.constant 48 : i32
      %add3A_156 = arith.addi %mul3A_154, %add3A_155 : i32
      %get3A_157 = arith.index_cast %add3A_156 : i32 to index
      %get3A_158 = tpu.vector_load %arg8[%get3A_157] {strides = array<i32>} : memref<6272xi32, #tpu.memory_space<vmem>>, vector<16xi32>,
      %get3A_159 = vector.shape_cast %get3A_158 : vector<16xi32> to vector<16xi32>
      %get3A_160 = arith.index_cast %add3A_156 : i32 to index
      %get3A_161 = tpu.vector_load %arg9[%get3A_160] {strides = array<i32>} : memref<6272xi32, #tpu.memory_space<vmem>>, vector<16xi32>,
      %get3A_162 = vector.shape_cast %get3A_161 : vector<16xi32> to vector<16xi32>
      %get3A_163 = arith.index_cast %add3A_156 : i32 to index
      %get3A_164 = tpu.vector_load %arg10[%get3A_163] {strides = array<i32>} : memref<6272xi32, #tpu.memory_space<vmem>>, vector<16xi32>,
      %get3A_165 = vector.shape_cast %get3A_164 : vector<16xi32> to vector<16xi32>
      %shift_left3A_166 = arith.constant 12 : i32
      %shift_left3A_167 = vector.broadcast %shift_left3A_166 : i32 to vector<16xi32>
      %shift_left3A_168 = arith.shli %get3A_159, %shift_left3A_167 : vector<16xi32>
      %shift_right_arithmetic3A_169 = arith.constant 7 : i32
      %shift_right_arithmetic3A_170 = vector.broadcast %shift_right_arithmetic3A_169 : i32 to vector<16xi32>
      %shift_right_arithmetic3A_171 = arith.shrsi %get3A_162, %shift_right_arithmetic3A_170 : vector<16xi32>
      %shift_left3A_172 = arith.constant 10 : i32
      %shift_left3A_173 = vector.broadcast %shift_left3A_172 : i32 to vector<16xi32>
      %shift_left3A_174 = arith.shli %shift_right_arithmetic3A_171, %shift_left3A_173 : vector<16xi32>
      %add3A_175 = arith.addi %shift_left3A_168, %shift_left3A_174 : vector<16xi32>
      %shift_left3A_176 = arith.constant 7 : i32
      %shift_left3A_177 = vector.broadcast %shift_left3A_176 : i32 to vector<16xi32>
      %shift_left3A_178 = arith.shli %get3A_165, %shift_left3A_177 : vector<16xi32>
      %add3A_179 = arith.addi %add3A_175, %shift_left3A_178 : vector<16xi32>
      %and3A_180 = arith.constant 127 : i32
      %and3A_181 = vector.broadcast %and3A_180 : i32 to vector<16xi32>
      %and3A_182 = arith.andi %get3A_162, %and3A_181 : vector<16xi32>
      %add3A_183 = arith.addi %add3A_179, %and3A_182 : vector<16xi32>
      %swap3A_184 = arith.index_cast %add3A_156 : i32 to index
      %swap3A_185 = tpu.vector_load %arg12[%swap3A_184] {strides = array<i32>} : memref<6272xi32, #tpu.memory_space<vmem>>, vector<16xi32>,
      %swap3A_186 = vector.shape_cast %swap3A_185 : vector<16xi32> to vector<16xi32>
      %swap3A_187 = vector.shape_cast %add3A_183 : vector<16xi32> to vector<16xi32>
      tpu.vector_store %arg12[%swap3A_184], %swap3A_187 {strides = array<i32>} : memref<6272xi32, #tpu.memory_space<vmem>>, vector<16xi32>,
      %mul3A_188 = arith.constant 128 : i32
      %mul3A_189 = arith.muli %while3A_52, %mul3A_188 : i32
      %add3A_190 = arith.constant 64 : i32
      %add3A_191 = arith.addi %mul3A_189, %add3A_190 : i32
      %get3A_192 = arith.index_cast %add3A_191 : i32 to index
      %get3A_193 = tpu.vector_load %arg8[%get3A_192] {strides = array<i32>} : memref<6272xi32, #tpu.memory_space<vmem>>, vector<16xi32>,
      %get3A_194 = vector.shape_cast %get3A_193 : vector<16xi32> to vector<16xi32>
      %get3A_195 = arith.index_cast %add3A_191 : i32 to index
      %get3A_196 = tpu.vector_load %arg9[%get3A_195] {strides = array<i32>} : memref<6272xi32, #tpu.memory_space<vmem>>, vector<16xi32>,
      %get3A_197 = vector.shape_cast %get3A_196 : vector<16xi32> to vector<16xi32>
      %get3A_198 = arith.index_cast %add3A_191 : i32 to index
      %get3A_199 = tpu.vector_load %arg10[%get3A_198] {strides = array<i32>} : memref<6272xi32, #tpu.memory_space<vmem>>, vector<16xi32>,
      %get3A_200 = vector.shape_cast %get3A_199 : vector<16xi32> to vector<16xi32>
      %shift_left3A_201 = arith.constant 12 : i32
      %shift_left3A_202 = vector.broadcast %shift_left3A_201 : i32 to vector<16xi32>
      %shift_left3A_203 = arith.shli %get3A_194, %shift_left3A_202 : vector<16xi32>
      %shift_right_arithmetic3A_204 = arith.constant 7 : i32
      %shift_right_arithmetic3A_205 = vector.broadcast %shift_right_arithmetic3A_204 : i32 to vector<16xi32>
      %shift_right_arithmetic3A_206 = arith.shrsi %get3A_197, %shift_right_arithmetic3A_205 : vector<16xi32>
      %shift_left3A_207 = arith.constant 10 : i32
      %shift_left3A_208 = vector.broadcast %shift_left3A_207 : i32 to vector<16xi32>
      %shift_left3A_209 = arith.shli %shift_right_arithmetic3A_206, %shift_left3A_208 : vector<16xi32>
      %add3A_210 = arith.addi %shift_left3A_203, %shift_left3A_209 : vector<16xi32>
      %shift_left3A_211 = arith.constant 7 : i32
      %shift_left3A_212 = vector.broadcast %shift_left3A_211 : i32 to vector<16xi32>
      %shift_left3A_213 = arith.shli %get3A_200, %shift_left3A_212 : vector<16xi32>
      %add3A_214 = arith.addi %add3A_210, %shift_left3A_213 : vector<16xi32>
      %and3A_215 = arith.constant 127 : i32
      %and3A_216 = vector.broadcast %and3A_215 : i32 to vector<16xi32>
      %and3A_217 = arith.andi %get3A_197, %and3A_216 : vector<16xi32>
      %add3A_218 = arith.addi %add3A_214, %and3A_217 : vector<16xi32>
      %swap3A_219 = arith.index_cast %add3A_191 : i32 to index
      %swap3A_220 = tpu.vector_load %arg12[%swap3A_219] {strides = array<i32>} : memref<6272xi32, #tpu.memory_space<vmem>>, vector<16xi32>,
      %swap3A_221 = vector.shape_cast %swap3A_220 : vector<16xi32> to vector<16xi32>
      %swap3A_222 = vector.shape_cast %add3A_218 : vector<16xi32> to vector<16xi32>
      tpu.vector_store %arg12[%swap3A_219], %swap3A_222 {strides = array<i32>} : memref<6272xi32, #tpu.memory_space<vmem>>, vector<16xi32>,
      %mul3A_223 = arith.constant 128 : i32
      %mul3A_224 = arith.muli %while3A_52, %mul3A_223 : i32
      %add3A_225 = arith.constant 80 : i32
      %add3A_226 = arith.addi %mul3A_224, %add3A_225 : i32
      %get3A_227 = arith.index_cast %add3A_226 : i32 to index
      %get3A_228 = tpu.vector_load %arg8[%get3A_227] {strides = array<i32>} : memref<6272xi32, #tpu.memory_space<vmem>>, vector<16xi32>,
      %get3A_229 = vector.shape_cast %get3A_228 : vector<16xi32> to vector<16xi32>
      %get3A_230 = arith.index_cast %add3A_226 : i32 to index
      %get3A_231 = tpu.vector_load %arg9[%get3A_230] {strides = array<i32>} : memref<6272xi32, #tpu.memory_space<vmem>>, vector<16xi32>,
      %get3A_232 = vector.shape_cast %get3A_231 : vector<16xi32> to vector<16xi32>
      %get3A_233 = arith.index_cast %add3A_226 : i32 to index
      %get3A_234 = tpu.vector_load %arg10[%get3A_233] {strides = array<i32>} : memref<6272xi32, #tpu.memory_space<vmem>>, vector<16xi32>,
      %get3A_235 = vector.shape_cast %get3A_234 : vector<16xi32> to vector<16xi32>
      %shift_left3A_236 = arith.constant 12 : i32
      %shift_left3A_237 = vector.broadcast %shift_left3A_236 : i32 to vector<16xi32>
      %shift_left3A_238 = arith.shli %get3A_229, %shift_left3A_237 : vector<16xi32>
      %shift_right_arithmetic3A_239 = arith.constant 7 : i32
      %shift_right_arithmetic3A_240 = vector.broadcast %shift_right_arithmetic3A_239 : i32 to vector<16xi32>
      %shift_right_arithmetic3A_241 = arith.shrsi %get3A_232, %shift_right_arithmetic3A_240 : vector<16xi32>
      %shift_left3A_242 = arith.constant 10 : i32
      %shift_left3A_243 = vector.broadcast %shift_left3A_242 : i32 to vector<16xi32>
      %shift_left3A_244 = arith.shli %shift_right_arithmetic3A_241, %shift_left3A_243 : vector<16xi32>
      %add3A_245 = arith.addi %shift_left3A_238, %shift_left3A_244 : vector<16xi32>
      %shift_left3A_246 = arith.constant 7 : i32
      %shift_left3A_247 = vector.broadcast %shift_left3A_246 : i32 to vector<16xi32>
      %shift_left3A_248 = arith.shli %get3A_235, %shift_left3A_247 : vector<16xi32>
      %add3A_249 = arith.addi %add3A_245, %shift_left3A_248 : vector<16xi32>
      %and3A_250 = arith.constant 127 : i32
      %and3A_251 = vector.broadcast %and3A_250 : i32 to vector<16xi32>
      %and3A_252 = arith.andi %get3A_232, %and3A_251 : vector<16xi32>
      %add3A_253 = arith.addi %add3A_249, %and3A_252 : vector<16xi32>
      %swap3A_254 = arith.index_cast %add3A_226 : i32 to index
      %swap3A_255 = tpu.vector_load %arg12[%swap3A_254] {strides = array<i32>} : memref<6272xi32, #tpu.memory_space<vmem>>, vector<16xi32>,
      %swap3A_256 = vector.shape_cast %swap3A_255 : vector<16xi32> to vector<16xi32>
      %swap3A_257 = vector.shape_cast %add3A_253 : vector<16xi32> to vector<16xi32>
      tpu.vector_store %arg12[%swap3A_254], %swap3A_257 {strides = array<i32>} : memref<6272xi32, #tpu.memory_space<vmem>>, vector<16xi32>,
      %mul3A_258 = arith.constant 128 : i32
      %mul3A_259 = arith.muli %while3A_52, %mul3A_258 : i32
      %add3A_260 = arith.constant 96 : i32
      %add3A_261 = arith.addi %mul3A_259, %add3A_260 : i32
      %get3A_262 = arith.index_cast %add3A_261 : i32 to index
      %get3A_263 = tpu.vector_load %arg8[%get3A_262] {strides = array<i32>} : memref<6272xi32, #tpu.memory_space<vmem>>, vector<16xi32>,
      %get3A_264 = vector.shape_cast %get3A_263 : vector<16xi32> to vector<16xi32>
      %get3A_265 = arith.index_cast %add3A_261 : i32 to index
      %get3A_266 = tpu.vector_load %arg9[%get3A_265] {strides = array<i32>} : memref<6272xi32, #tpu.memory_space<vmem>>, vector<16xi32>,
      %get3A_267 = vector.shape_cast %get3A_266 : vector<16xi32> to vector<16xi32>
      %get3A_268 = arith.index_cast %add3A_261 : i32 to index
      %get3A_269 = tpu.vector_load %arg10[%get3A_268] {strides = array<i32>} : memref<6272xi32, #tpu.memory_space<vmem>>, vector<16xi32>,
      %get3A_270 = vector.shape_cast %get3A_269 : vector<16xi32> to vector<16xi32>
      %shift_left3A_271 = arith.constant 12 : i32
      %shift_left3A_272 = vector.broadcast %shift_left3A_271 : i32 to vector<16xi32>
      %shift_left3A_273 = arith.shli %get3A_264, %shift_left3A_272 : vector<16xi32>
      %shift_right_arithmetic3A_274 = arith.constant 7 : i32
      %shift_right_arithmetic3A_275 = vector.broadcast %shift_right_arithmetic3A_274 : i32 to vector<16xi32>
      %shift_right_arithmetic3A_276 = arith.shrsi %get3A_267, %shift_right_arithmetic3A_275 : vector<16xi32>
      %shift_left3A_277 = arith.constant 10 : i32
      %shift_left3A_278 = vector.broadcast %shift_left3A_277 : i32 to vector<16xi32>
      %shift_left3A_279 = arith.shli %shift_right_arithmetic3A_276, %shift_left3A_278 : vector<16xi32>
      %add3A_280 = arith.addi %shift_left3A_273, %shift_left3A_279 : vector<16xi32>
      %shift_left3A_281 = arith.constant 7 : i32
      %shift_left3A_282 = vector.broadcast %shift_left3A_281 : i32 to vector<16xi32>
      %shift_left3A_283 = arith.shli %get3A_270, %shift_left3A_282 : vector<16xi32>
      %add3A_284 = arith.addi %add3A_280, %shift_left3A_283 : vector<16xi32>
      %and3A_285 = arith.constant 127 : i32
      %and3A_286 = vector.broadcast %and3A_285 : i32 to vector<16xi32>
      %and3A_287 = arith.andi %get3A_267, %and3A_286 : vector<16xi32>
      %add3A_288 = arith.addi %add3A_284, %and3A_287 : vector<16xi32>
      %swap3A_289 = arith.index_cast %add3A_261 : i32 to index
      %swap3A_290 = tpu.vector_load %arg12[%swap3A_289] {strides = array<i32>} : memref<6272xi32, #tpu.memory_space<vmem>>, vector<16xi32>,
      %swap3A_291 = vector.shape_cast %swap3A_290 : vector<16xi32> to vector<16xi32>
      %swap3A_292 = vector.shape_cast %add3A_288 : vector<16xi32> to vector<16xi32>
      tpu.vector_store %arg12[%swap3A_289], %swap3A_292 {strides = array<i32>} : memref<6272xi32, #tpu.memory_space<vmem>>, vector<16xi32>,
      %mul3A_293 = arith.constant 128 : i32
      %mul3A_294 = arith.muli %while3A_52, %mul3A_293 : i32
      %add3A_295 = arith.constant 112 : i32
      %add3A_296 = arith.addi %mul3A_294, %add3A_295 : i32
      %get3A_297 = arith.index_cast %add3A_296 : i32 to index
      %get3A_298 = tpu.vector_load %arg8[%get3A_297] {strides = array<i32>} : memref<6272xi32, #tpu.memory_space<vmem>>, vector<16xi32>,
      %get3A_299 = vector.shape_cast %get3A_298 : vector<16xi32> to vector<16xi32>
      %get3A_300 = arith.index_cast %add3A_296 : i32 to index
      %get3A_301 = tpu.vector_load %arg9[%get3A_300] {strides = array<i32>} : memref<6272xi32, #tpu.memory_space<vmem>>, vector<16xi32>,
      %get3A_302 = vector.shape_cast %get3A_301 : vector<16xi32> to vector<16xi32>
      %get3A_303 = arith.index_cast %add3A_296 : i32 to index
      %get3A_304 = tpu.vector_load %arg10[%get3A_303] {strides = array<i32>} : memref<6272xi32, #tpu.memory_space<vmem>>, vector<16xi32>,
      %get3A_305 = vector.shape_cast %get3A_304 : vector<16xi32> to vector<16xi32>
      %shift_left3A_306 = arith.constant 12 : i32
      %shift_left3A_307 = vector.broadcast %shift_left3A_306 : i32 to vector<16xi32>
      %shift_left3A_308 = arith.shli %get3A_299, %shift_left3A_307 : vector<16xi32>
      %shift_right_arithmetic3A_309 = arith.constant 7 : i32
      %shift_right_arithmetic3A_310 = vector.broadcast %shift_right_arithmetic3A_309 : i32 to vector<16xi32>
      %shift_right_arithmetic3A_311 = arith.shrsi %get3A_302, %shift_right_arithmetic3A_310 : vector<16xi32>
      %shift_left3A_312 = arith.constant 10 : i32
      %shift_left3A_313 = vector.broadcast %shift_left3A_312 : i32 to vector<16xi32>
      %shift_left3A_314 = arith.shli %shift_right_arithmetic3A_311, %shift_left3A_313 : vector<16xi32>
      %add3A_315 = arith.addi %shift_left3A_308, %shift_left3A_314 : vector<16xi32>
      %shift_left3A_316 = arith.constant 7 : i32
      %shift_left3A_317 = vector.broadcast %shift_left3A_316 : i32 to vector<16xi32>
      %shift_left3A_318 = arith.shli %get3A_305, %shift_left3A_317 : vector<16xi32>
      %add3A_319 = arith.addi %add3A_315, %shift_left3A_318 : vector<16xi32>
      %and3A_320 = arith.constant 127 : i32
      %and3A_321 = vector.broadcast %and3A_320 : i32 to vector<16xi32>
      %and3A_322 = arith.andi %get3A_302, %and3A_321 : vector<16xi32>
      %add3A_323 = arith.addi %add3A_319, %and3A_322 : vector<16xi32>
      %swap3A_324 = arith.index_cast %add3A_296 : i32 to index
      %swap3A_325 = tpu.vector_load %arg12[%swap3A_324] {strides = array<i32>} : memref<6272xi32, #tpu.memory_space<vmem>>, vector<16xi32>,
      %swap3A_326 = vector.shape_cast %swap3A_325 : vector<16xi32> to vector<16xi32>
      %swap3A_327 = vector.shape_cast %add3A_323 : vector<16xi32> to vector<16xi32>
      tpu.vector_store %arg12[%swap3A_324], %swap3A_327 {strides = array<i32>} : memref<6272xi32, #tpu.memory_space<vmem>>, vector<16xi32>,
      %mul3A_328 = arith.constant 128 : i32
      %mul3A_329 = arith.muli %while3A_52, %mul3A_328 : i32
      %dma_start3A = tpu.memref_slice %arg13[%mul3A_329] : memref<6272xf32, #tpu.memory_space<vmem>> -> memref<128xf32, #tpu.memory_space<vmem>>
      %dma_start3A_330 = tpu.memref_slice %arg12[%mul3A_329] : memref<6272xi32, #tpu.memory_space<vmem>> -> memref<128xi32, #tpu.memory_space<vmem>>
      %dma_start3A_331 = arith.constant 0 : i32
      %dma_start3A_332 = tpu.memref_slice %arg2[%dma_start3A_331] : memref<2097152xf32, #tpu.memory_space<hbm>> -> memref<2097152xf32, #tpu.memory_space<hbm>>
      tpu.enqueue_indirect_dma source(%dma_start3A_332 : memref<2097152xf32, #tpu.memory_space<hbm>>) target(%dma_start3A : memref<128xf32, #tpu.memory_space<vmem>>) offsets(%dma_start3A_330 : memref<128xi32, #tpu.memory_space<vmem>>) semaphore(%arg14 : memref<!tpu.dma_semaphore, #tpu.memory_space<semaphore_mem>>)
    }
    %while3A_20 = arith.constant 1 : i32
    scf.for %while3A_52 = %while3A_18 to %while3A_14 step %while3A_20  : i32 {
      %mul3A_53 = arith.constant 128 : i32
      %mul3A_54 = arith.muli %while3A_52, %mul3A_53 : i32
      %add3A_55 = arith.constant 0 : i32
      %add3A_56 = arith.addi %mul3A_54, %add3A_55 : i32
      %get3A = arith.index_cast %add3A_56 : i32 to index
      %get3A_57 = tpu.vector_load %arg8[%get3A] {strides = array<i32>} : memref<6272xi32, #tpu.memory_space<vmem>>, vector<16xi32>,
      %get3A_58 = vector.shape_cast %get3A_57 : vector<16xi32> to vector<16xi32>
      %get3A_59 = arith.index_cast %add3A_56 : i32 to index
      %get3A_60 = tpu.vector_load %arg9[%get3A_59] {strides = array<i32>} : memref<6272xi32, #tpu.memory_space<vmem>>, vector<16xi32>,
      %get3A_61 = vector.shape_cast %get3A_60 : vector<16xi32> to vector<16xi32>
      %get3A_62 = arith.index_cast %add3A_56 : i32 to index
      %get3A_63 = tpu.vector_load %arg10[%get3A_62] {strides = array<i32>} : memref<6272xi32, #tpu.memory_space<vmem>>, vector<16xi32>,
      %get3A_64 = vector.shape_cast %get3A_63 : vector<16xi32> to vector<16xi32>
      %shift_left3A = arith.constant 12 : i32
      %shift_left3A_65 = vector.broadcast %shift_left3A : i32 to vector<16xi32>
      %shift_left3A_66 = arith.shli %get3A_58, %shift_left3A_65 : vector<16xi32>
      %shift_right_arithmetic3A = arith.constant 7 : i32
      %shift_right_arithmetic3A_67 = vector.broadcast %shift_right_arithmetic3A : i32 to vector<16xi32>
      %shift_right_arithmetic3A_68 = arith.shrsi %get3A_61, %shift_right_arithmetic3A_67 : vector<16xi32>
      %shift_left3A_69 = arith.constant 10 : i32
      %shift_left3A_70 = vector.broadcast %shift_left3A_69 : i32 to vector<16xi32>
      %shift_left3A_71 = arith.shli %shift_right_arithmetic3A_68, %shift_left3A_70 : vector<16xi32>
      %add3A_72 = arith.addi %shift_left3A_66, %shift_left3A_71 : vector<16xi32>
      %shift_left3A_73 = arith.constant 7 : i32
      %shift_left3A_74 = vector.broadcast %shift_left3A_73 : i32 to vector<16xi32>
      %shift_left3A_75 = arith.shli %get3A_64, %shift_left3A_74 : vector<16xi32>
      %add3A_76 = arith.addi %add3A_72, %shift_left3A_75 : vector<16xi32>
      %and3A = arith.constant 127 : i32
      %and3A_77 = vector.broadcast %and3A : i32 to vector<16xi32>
      %and3A_78 = arith.andi %get3A_61, %and3A_77 : vector<16xi32>
      %add3A_79 = arith.addi %add3A_76, %and3A_78 : vector<16xi32>
      %swap3A = arith.index_cast %add3A_56 : i32 to index
      %swap3A_80 = tpu.vector_load %arg12[%swap3A] {strides = array<i32>} : memref<6272xi32, #tpu.memory_space<vmem>>, vector<16xi32>,
      %swap3A_81 = vector.shape_cast %swap3A_80 : vector<16xi32> to vector<16xi32>
      %swap3A_82 = vector.shape_cast %add3A_79 : vector<16xi32> to vector<16xi32>
      tpu.vector_store %arg12[%swap3A], %swap3A_82 {strides = array<i32>} : memref<6272xi32, #tpu.memory_space<vmem>>, vector<16xi32>,
      %mul3A_83 = arith.constant 128 : i32
      %mul3A_84 = arith.muli %while3A_52, %mul3A_83 : i32
      %add3A_85 = arith.constant 16 : i32
      %add3A_86 = arith.addi %mul3A_84, %add3A_85 : i32
      %get3A_87 = arith.index_cast %add3A_86 : i32 to index
      %get3A_88 = tpu.vector_load %arg8[%get3A_87] {strides = array<i32>} : memref<6272xi32, #tpu.memory_space<vmem>>, vector<16xi32>,
      %get3A_89 = vector.shape_cast %get3A_88 : vector<16xi32> to vector<16xi32>
      %get3A_90 = arith.index_cast %add3A_86 : i32 to index
      %get3A_91 = tpu.vector_load %arg9[%get3A_90] {strides = array<i32>} : memref<6272xi32, #tpu.memory_space<vmem>>, vector<16xi32>,
      %get3A_92 = vector.shape_cast %get3A_91 : vector<16xi32> to vector<16xi32>
      %get3A_93 = arith.index_cast %add3A_86 : i32 to index
      %get3A_94 = tpu.vector_load %arg10[%get3A_93] {strides = array<i32>} : memref<6272xi32, #tpu.memory_space<vmem>>, vector<16xi32>,
      %get3A_95 = vector.shape_cast %get3A_94 : vector<16xi32> to vector<16xi32>
      %shift_left3A_96 = arith.constant 12 : i32
      %shift_left3A_97 = vector.broadcast %shift_left3A_96 : i32 to vector<16xi32>
      %shift_left3A_98 = arith.shli %get3A_89, %shift_left3A_97 : vector<16xi32>
      %shift_right_arithmetic3A_99 = arith.constant 7 : i32
      %shift_right_arithmetic3A_100 = vector.broadcast %shift_right_arithmetic3A_99 : i32 to vector<16xi32>
      %shift_right_arithmetic3A_101 = arith.shrsi %get3A_92, %shift_right_arithmetic3A_100 : vector<16xi32>
      %shift_left3A_102 = arith.constant 10 : i32
      %shift_left3A_103 = vector.broadcast %shift_left3A_102 : i32 to vector<16xi32>
      %shift_left3A_104 = arith.shli %shift_right_arithmetic3A_101, %shift_left3A_103 : vector<16xi32>
      %add3A_105 = arith.addi %shift_left3A_98, %shift_left3A_104 : vector<16xi32>
      %shift_left3A_106 = arith.constant 7 : i32
      %shift_left3A_107 = vector.broadcast %shift_left3A_106 : i32 to vector<16xi32>
      %shift_left3A_108 = arith.shli %get3A_95, %shift_left3A_107 : vector<16xi32>
      %add3A_109 = arith.addi %add3A_105, %shift_left3A_108 : vector<16xi32>
      %and3A_110 = arith.constant 127 : i32
      %and3A_111 = vector.broadcast %and3A_110 : i32 to vector<16xi32>
      %and3A_112 = arith.andi %get3A_92, %and3A_111 : vector<16xi32>
      %add3A_113 = arith.addi %add3A_109, %and3A_112 : vector<16xi32>
      %swap3A_114 = arith.index_cast %add3A_86 : i32 to index
      %swap3A_115 = tpu.vector_load %arg12[%swap3A_114] {strides = array<i32>} : memref<6272xi32, #tpu.memory_space<vmem>>, vector<16xi32>,
      %swap3A_116 = vector.shape_cast %swap3A_115 : vector<16xi32> to vector<16xi32>
      %swap3A_117 = vector.shape_cast %add3A_113 : vector<16xi32> to vector<16xi32>
      tpu.vector_store %arg12[%swap3A_114], %swap3A_117 {strides = array<i32>} : memref<6272xi32, #tpu.memory_space<vmem>>, vector<16xi32>,
      %mul3A_118 = arith.constant 128 : i32
      %mul3A_119 = arith.muli %while3A_52, %mul3A_118 : i32
      %add3A_120 = arith.constant 32 : i32
      %add3A_121 = arith.addi %mul3A_119, %add3A_120 : i32
      %get3A_122 = arith.index_cast %add3A_121 : i32 to index
      %get3A_123 = tpu.vector_load %arg8[%get3A_122] {strides = array<i32>} : memref<6272xi32, #tpu.memory_space<vmem>>, vector<16xi32>,
      %get3A_124 = vector.shape_cast %get3A_123 : vector<16xi32> to vector<16xi32>
      %get3A_125 = arith.index_cast %add3A_121 : i32 to index
      %get3A_126 = tpu.vector_load %arg9[%get3A_125] {strides = array<i32>} : memref<6272xi32, #tpu.memory_space<vmem>>, vector<16xi32>,
      %get3A_127 = vector.shape_cast %get3A_126 : vector<16xi32> to vector<16xi32>
      %get3A_128 = arith.index_cast %add3A_121 : i32 to index
      %get3A_129 = tpu.vector_load %arg10[%get3A_128] {strides = array<i32>} : memref<6272xi32, #tpu.memory_space<vmem>>, vector<16xi32>,
      %get3A_130 = vector.shape_cast %get3A_129 : vector<16xi32> to vector<16xi32>
      %shift_left3A_131 = arith.constant 12 : i32
      %shift_left3A_132 = vector.broadcast %shift_left3A_131 : i32 to vector<16xi32>
      %shift_left3A_133 = arith.shli %get3A_124, %shift_left3A_132 : vector<16xi32>
      %shift_right_arithmetic3A_134 = arith.constant 7 : i32
      %shift_right_arithmetic3A_135 = vector.broadcast %shift_right_arithmetic3A_134 : i32 to vector<16xi32>
      %shift_right_arithmetic3A_136 = arith.shrsi %get3A_127, %shift_right_arithmetic3A_135 : vector<16xi32>
      %shift_left3A_137 = arith.constant 10 : i32
      %shift_left3A_138 = vector.broadcast %shift_left3A_137 : i32 to vector<16xi32>
      %shift_left3A_139 = arith.shli %shift_right_arithmetic3A_136, %shift_left3A_138 : vector<16xi32>
      %add3A_140 = arith.addi %shift_left3A_133, %shift_left3A_139 : vector<16xi32>
      %shift_left3A_141 = arith.constant 7 : i32
      %shift_left3A_142 = vector.broadcast %shift_left3A_141 : i32 to vector<16xi32>
      %shift_left3A_143 = arith.shli %get3A_130, %shift_left3A_142 : vector<16xi32>
      %add3A_144 = arith.addi %add3A_140, %shift_left3A_143 : vector<16xi32>
      %and3A_145 = arith.constant 127 : i32
      %and3A_146 = vector.broadcast %and3A_145 : i32 to vector<16xi32>
      %and3A_147 = arith.andi %get3A_127, %and3A_146 : vector<16xi32>
      %add3A_148 = arith.addi %add3A_144, %and3A_147 : vector<16xi32>
      %swap3A_149 = arith.index_cast %add3A_121 : i32 to index
      %swap3A_150 = tpu.vector_load %arg12[%swap3A_149] {strides = array<i32>} : memref<6272xi32, #tpu.memory_space<vmem>>, vector<16xi32>,
      %swap3A_151 = vector.shape_cast %swap3A_150 : vector<16xi32> to vector<16xi32>
      %swap3A_152 = vector.shape_cast %add3A_148 : vector<16xi32> to vector<16xi32>
      tpu.vector_store %arg12[%swap3A_149], %swap3A_152 {strides = array<i32>} : memref<6272xi32, #tpu.memory_space<vmem>>, vector<16xi32>,
      %mul3A_153 = arith.constant 128 : i32
      %mul3A_154 = arith.muli %while3A_52, %mul3A_153 : i32
      %add3A_155 = arith.constant 48 : i32
      %add3A_156 = arith.addi %mul3A_154, %add3A_155 : i32
      %get3A_157 = arith.index_cast %add3A_156 : i32 to index
      %get3A_158 = tpu.vector_load %arg8[%get3A_157] {strides = array<i32>} : memref<6272xi32, #tpu.memory_space<vmem>>, vector<16xi32>,
      %get3A_159 = vector.shape_cast %get3A_158 : vector<16xi32> to vector<16xi32>
      %get3A_160 = arith.index_cast %add3A_156 : i32 to index
      %get3A_161 = tpu.vector_load %arg9[%get3A_160] {strides = array<i32>} : memref<6272xi32, #tpu.memory_space<vmem>>, vector<16xi32>,
      %get3A_162 = vector.shape_cast %get3A_161 : vector<16xi32> to vector<16xi32>
      %get3A_163 = arith.index_cast %add3A_156 : i32 to index
      %get3A_164 = tpu.vector_load %arg10[%get3A_163] {strides = array<i32>} : memref<6272xi32, #tpu.memory_space<vmem>>, vector<16xi32>,
      %get3A_165 = vector.shape_cast %get3A_164 : vector<16xi32> to vector<16xi32>
      %shift_left3A_166 = arith.constant 12 : i32
      %shift_left3A_167 = vector.broadcast %shift_left3A_166 : i32 to vector<16xi32>
      %shift_left3A_168 = arith.shli %get3A_159, %shift_left3A_167 : vector<16xi32>
      %shift_right_arithmetic3A_169 = arith.constant 7 : i32
      %shift_right_arithmetic3A_170 = vector.broadcast %shift_right_arithmetic3A_169 : i32 to vector<16xi32>
      %shift_right_arithmetic3A_171 = arith.shrsi %get3A_162, %shift_right_arithmetic3A_170 : vector<16xi32>
      %shift_left3A_172 = arith.constant 10 : i32
      %shift_left3A_173 = vector.broadcast %shift_left3A_172 : i32 to vector<16xi32>
      %shift_left3A_174 = arith.shli %shift_right_arithmetic3A_171, %shift_left3A_173 : vector<16xi32>
      %add3A_175 = arith.addi %shift_left3A_168, %shift_left3A_174 : vector<16xi32>
      %shift_left3A_176 = arith.constant 7 : i32
      %shift_left3A_177 = vector.broadcast %shift_left3A_176 : i32 to vector<16xi32>
      %shift_left3A_178 = arith.shli %get3A_165, %shift_left3A_177 : vector<16xi32>
      %add3A_179 = arith.addi %add3A_175, %shift_left3A_178 : vector<16xi32>
      %and3A_180 = arith.constant 127 : i32
      %and3A_181 = vector.broadcast %and3A_180 : i32 to vector<16xi32>
      %and3A_182 = arith.andi %get3A_162, %and3A_181 : vector<16xi32>
      %add3A_183 = arith.addi %add3A_179, %and3A_182 : vector<16xi32>
      %swap3A_184 = arith.index_cast %add3A_156 : i32 to index
      %swap3A_185 = tpu.vector_load %arg12[%swap3A_184] {strides = array<i32>} : memref<6272xi32, #tpu.memory_space<vmem>>, vector<16xi32>,
      %swap3A_186 = vector.shape_cast %swap3A_185 : vector<16xi32> to vector<16xi32>
      %swap3A_187 = vector.shape_cast %add3A_183 : vector<16xi32> to vector<16xi32>
      tpu.vector_store %arg12[%swap3A_184], %swap3A_187 {strides = array<i32>} : memref<6272xi32, #tpu.memory_space<vmem>>, vector<16xi32>,
      %mul3A_188 = arith.constant 128 : i32
      %mul3A_189 = arith.muli %while3A_52, %mul3A_188 : i32
      %add3A_190 = arith.constant 64 : i32
      %add3A_191 = arith.addi %mul3A_189, %add3A_190 : i32
      %get3A_192 = arith.index_cast %add3A_191 : i32 to index
      %get3A_193 = tpu.vector_load %arg8[%get3A_192] {strides = array<i32>} : memref<6272xi32, #tpu.memory_space<vmem>>, vector<16xi32>,
      %get3A_194 = vector.shape_cast %get3A_193 : vector<16xi32> to vector<16xi32>
      %get3A_195 = arith.index_cast %add3A_191 : i32 to index
      %get3A_196 = tpu.vector_load %arg9[%get3A_195] {strides = array<i32>} : memref<6272xi32, #tpu.memory_space<vmem>>, vector<16xi32>,
      %get3A_197 = vector.shape_cast %get3A_196 : vector<16xi32> to vector<16xi32>
      %get3A_198 = arith.index_cast %add3A_191 : i32 to index
      %get3A_199 = tpu.vector_load %arg10[%get3A_198] {strides = array<i32>} : memref<6272xi32, #tpu.memory_space<vmem>>, vector<16xi32>,
      %get3A_200 = vector.shape_cast %get3A_199 : vector<16xi32> to vector<16xi32>
      %shift_left3A_201 = arith.constant 12 : i32
      %shift_left3A_202 = vector.broadcast %shift_left3A_201 : i32 to vector<16xi32>
      %shift_left3A_203 = arith.shli %get3A_194, %shift_left3A_202 : vector<16xi32>
      %shift_right_arithmetic3A_204 = arith.constant 7 : i32
      %shift_right_arithmetic3A_205 = vector.broadcast %shift_right_arithmetic3A_204 : i32 to vector<16xi32>
      %shift_right_arithmetic3A_206 = arith.shrsi %get3A_197, %shift_right_arithmetic3A_205 : vector<16xi32>
      %shift_left3A_207 = arith.constant 10 : i32
      %shift_left3A_208 = vector.broadcast %shift_left3A_207 : i32 to vector<16xi32>
      %shift_left3A_209 = arith.shli %shift_right_arithmetic3A_206, %shift_left3A_208 : vector<16xi32>
      %add3A_210 = arith.addi %shift_left3A_203, %shift_left3A_209 : vector<16xi32>
      %shift_left3A_211 = arith.constant 7 : i32
      %shift_left3A_212 = vector.broadcast %shift_left3A_211 : i32 to vector<16xi32>
      %shift_left3A_213 = arith.shli %get3A_200, %shift_left3A_212 : vector<16xi32>
      %add3A_214 = arith.addi %add3A_210, %shift_left3A_213 : vector<16xi32>
      %and3A_215 = arith.constant 127 : i32
      %and3A_216 = vector.broadcast %and3A_215 : i32 to vector<16xi32>
      %and3A_217 = arith.andi %get3A_197, %and3A_216 : vector<16xi32>
      %add3A_218 = arith.addi %add3A_214, %and3A_217 : vector<16xi32>
      %swap3A_219 = arith.index_cast %add3A_191 : i32 to index
      %swap3A_220 = tpu.vector_load %arg12[%swap3A_219] {strides = array<i32>} : memref<6272xi32, #tpu.memory_space<vmem>>, vector<16xi32>,
      %swap3A_221 = vector.shape_cast %swap3A_220 : vector<16xi32> to vector<16xi32>
      %swap3A_222 = vector.shape_cast %add3A_218 : vector<16xi32> to vector<16xi32>
      tpu.vector_store %arg12[%swap3A_219], %swap3A_222 {strides = array<i32>} : memref<6272xi32, #tpu.memory_space<vmem>>, vector<16xi32>,
      %mul3A_223 = arith.constant 128 : i32
      %mul3A_224 = arith.muli %while3A_52, %mul3A_223 : i32
      %add3A_225 = arith.constant 80 : i32
      %add3A_226 = arith.addi %mul3A_224, %add3A_225 : i32
      %get3A_227 = arith.index_cast %add3A_226 : i32 to index
      %get3A_228 = tpu.vector_load %arg8[%get3A_227] {strides = array<i32>} : memref<6272xi32, #tpu.memory_space<vmem>>, vector<16xi32>,
      %get3A_229 = vector.shape_cast %get3A_228 : vector<16xi32> to vector<16xi32>
      %get3A_230 = arith.index_cast %add3A_226 : i32 to index
      %get3A_231 = tpu.vector_load %arg9[%get3A_230] {strides = array<i32>} : memref<6272xi32, #tpu.memory_space<vmem>>, vector<16xi32>,
      %get3A_232 = vector.shape_cast %get3A_231 : vector<16xi32> to vector<16xi32>
      %get3A_233 = arith.index_cast %add3A_226 : i32 to index
      %get3A_234 = tpu.vector_load %arg10[%get3A_233] {strides = array<i32>} : memref<6272xi32, #tpu.memory_space<vmem>>, vector<16xi32>,
      %get3A_235 = vector.shape_cast %get3A_234 : vector<16xi32> to vector<16xi32>
      %shift_left3A_236 = arith.constant 12 : i32
      %shift_left3A_237 = vector.broadcast %shift_left3A_236 : i32 to vector<16xi32>
      %shift_left3A_238 = arith.shli %get3A_229, %shift_left3A_237 : vector<16xi32>
      %shift_right_arithmetic3A_239 = arith.constant 7 : i32
      %shift_right_arithmetic3A_240 = vector.broadcast %shift_right_arithmetic3A_239 : i32 to vector<16xi32>
      %shift_right_arithmetic3A_241 = arith.shrsi %get3A_232, %shift_right_arithmetic3A_240 : vector<16xi32>
      %shift_left3A_242 = arith.constant 10 : i32
      %shift_left3A_243 = vector.broadcast %shift_left3A_242 : i32 to vector<16xi32>
      %shift_left3A_244 = arith.shli %shift_right_arithmetic3A_241, %shift_left3A_243 : vector<16xi32>
      %add3A_245 = arith.addi %shift_left3A_238, %shift_left3A_244 : vector<16xi32>
      %shift_left3A_246 = arith.constant 7 : i32
      %shift_left3A_247 = vector.broadcast %shift_left3A_246 : i32 to vector<16xi32>
      %shift_left3A_248 = arith.shli %get3A_235, %shift_left3A_247 : vector<16xi32>
      %add3A_249 = arith.addi %add3A_245, %shift_left3A_248 : vector<16xi32>
      %and3A_250 = arith.constant 127 : i32
      %and3A_251 = vector.broadcast %and3A_250 : i32 to vector<16xi32>
      %and3A_252 = arith.andi %get3A_232, %and3A_251 : vector<16xi32>
      %add3A_253 = arith.addi %add3A_249, %and3A_252 : vector<16xi32>
      %swap3A_254 = arith.index_cast %add3A_226 : i32 to index
      %swap3A_255 = tpu.vector_load %arg12[%swap3A_254] {strides = array<i32>} : memref<6272xi32, #tpu.memory_space<vmem>>, vector<16xi32>,
      %swap3A_256 = vector.shape_cast %swap3A_255 : vector<16xi32> to vector<16xi32>
      %swap3A_257 = vector.shape_cast %add3A_253 : vector<16xi32> to vector<16xi32>
      tpu.vector_store %arg12[%swap3A_254], %swap3A_257 {strides = array<i32>} : memref<6272xi32, #tpu.memory_space<vmem>>, vector<16xi32>,
      %mul3A_258 = arith.constant 128 : i32
      %mul3A_259 = arith.muli %while3A_52, %mul3A_258 : i32
      %add3A_260 = arith.constant 96 : i32
      %add3A_261 = arith.addi %mul3A_259, %add3A_260 : i32
      %get3A_262 = arith.index_cast %add3A_261 : i32 to index
      %get3A_263 = tpu.vector_load %arg8[%get3A_262] {strides = array<i32>} : memref<6272xi32, #tpu.memory_space<vmem>>, vector<16xi32>,
      %get3A_264 = vector.shape_cast %get3A_263 : vector<16xi32> to vector<16xi32>
      %get3A_265 = arith.index_cast %add3A_261 : i32 to index
      %get3A_266 = tpu.vector_load %arg9[%get3A_265] {strides = array<i32>} : memref<6272xi32, #tpu.memory_space<vmem>>, vector<16xi32>,
      %get3A_267 = vector.shape_cast %get3A_266 : vector<16xi32> to vector<16xi32>
      %get3A_268 = arith.index_cast %add3A_261 : i32 to index
      %get3A_269 = tpu.vector_load %arg10[%get3A_268] {strides = array<i32>} : memref<6272xi32, #tpu.memory_space<vmem>>, vector<16xi32>,
      %get3A_270 = vector.shape_cast %get3A_269 : vector<16xi32> to vector<16xi32>
      %shift_left3A_271 = arith.constant 12 : i32
      %shift_left3A_272 = vector.broadcast %shift_left3A_271 : i32 to vector<16xi32>
      %shift_left3A_273 = arith.shli %get3A_264, %shift_left3A_272 : vector<16xi32>
      %shift_right_arithmetic3A_274 = arith.constant 7 : i32
      %shift_right_arithmetic3A_275 = vector.broadcast %shift_right_arithmetic3A_274 : i32 to vector<16xi32>
      %shift_right_arithmetic3A_276 = arith.shrsi %get3A_267, %shift_right_arithmetic3A_275 : vector<16xi32>
      %shift_left3A_277 = arith.constant 10 : i32
      %shift_left3A_278 = vector.broadcast %shift_left3A_277 : i32 to vector<16xi32>
      %shift_left3A_279 = arith.shli %shift_right_arithmetic3A_276, %shift_left3A_278 : vector<16xi32>
      %add3A_280 = arith.addi %shift_left3A_273, %shift_left3A_279 : vector<16xi32>
      %shift_left3A_281 = arith.constant 7 : i32
      %shift_left3A_282 = vector.broadcast %shift_left3A_281 : i32 to vector<16xi32>
      %shift_left3A_283 = arith.shli %get3A_270, %shift_left3A_282 : vector<16xi32>
      %add3A_284 = arith.addi %add3A_280, %shift_left3A_283 : vector<16xi32>
      %and3A_285 = arith.constant 127 : i32
      %and3A_286 = vector.broadcast %and3A_285 : i32 to vector<16xi32>
      %and3A_287 = arith.andi %get3A_267, %and3A_286 : vector<16xi32>
      %add3A_288 = arith.addi %add3A_284, %and3A_287 : vector<16xi32>
      %swap3A_289 = arith.index_cast %add3A_261 : i32 to index
      %swap3A_290 = tpu.vector_load %arg12[%swap3A_289] {strides = array<i32>} : memref<6272xi32, #tpu.memory_space<vmem>>, vector<16xi32>,
      %swap3A_291 = vector.shape_cast %swap3A_290 : vector<16xi32> to vector<16xi32>
      %swap3A_292 = vector.shape_cast %add3A_288 : vector<16xi32> to vector<16xi32>
      tpu.vector_store %arg12[%swap3A_289], %swap3A_292 {strides = array<i32>} : memref<6272xi32, #tpu.memory_space<vmem>>, vector<16xi32>,
      %mul3A_293 = arith.constant 128 : i32
      %mul3A_294 = arith.muli %while3A_52, %mul3A_293 : i32
      %add3A_295 = arith.constant 112 : i32
      %add3A_296 = arith.addi %mul3A_294, %add3A_295 : i32
      %get3A_297 = arith.index_cast %add3A_296 : i32 to index
      %get3A_298 = tpu.vector_load %arg8[%get3A_297] {strides = array<i32>} : memref<6272xi32, #tpu.memory_space<vmem>>, vector<16xi32>,
      %get3A_299 = vector.shape_cast %get3A_298 : vector<16xi32> to vector<16xi32>
      %get3A_300 = arith.index_cast %add3A_296 : i32 to index
      %get3A_301 = tpu.vector_load %arg9[%get3A_300] {strides = array<i32>} : memref<6272xi32, #tpu.memory_space<vmem>>, vector<16xi32>,
      %get3A_302 = vector.shape_cast %get3A_301 : vector<16xi32> to vector<16xi32>
      %get3A_303 = arith.index_cast %add3A_296 : i32 to index
      %get3A_304 = tpu.vector_load %arg10[%get3A_303] {strides = array<i32>} : memref<6272xi32, #tpu.memory_space<vmem>>, vector<16xi32>,
      %get3A_305 = vector.shape_cast %get3A_304 : vector<16xi32> to vector<16xi32>
      %shift_left3A_306 = arith.constant 12 : i32
      %shift_left3A_307 = vector.broadcast %shift_left3A_306 : i32 to vector<16xi32>
      %shift_left3A_308 = arith.shli %get3A_299, %shift_left3A_307 : vector<16xi32>
      %shift_right_arithmetic3A_309 = arith.constant 7 : i32
      %shift_right_arithmetic3A_310 = vector.broadcast %shift_right_arithmetic3A_309 : i32 to vector<16xi32>
      %shift_right_arithmetic3A_311 = arith.shrsi %get3A_302, %shift_right_arithmetic3A_310 : vector<16xi32>
      %shift_left3A_312 = arith.constant 10 : i32
      %shift_left3A_313 = vector.broadcast %shift_left3A_312 : i32 to vector<16xi32>
      %shift_left3A_314 = arith.shli %shift_right_arithmetic3A_311, %shift_left3A_313 : vector<16xi32>
      %add3A_315 = arith.addi %shift_left3A_308, %shift_left3A_314 : vector<16xi32>
      %shift_left3A_316 = arith.constant 7 : i32
      %shift_left3A_317 = vector.broadcast %shift_left3A_316 : i32 to vector<16xi32>
      %shift_left3A_318 = arith.shli %get3A_305, %shift_left3A_317 : vector<16xi32>
      %add3A_319 = arith.addi %add3A_315, %shift_left3A_318 : vector<16xi32>
      %and3A_320 = arith.constant 127 : i32
      %and3A_321 = vector.broadcast %and3A_320 : i32 to vector<16xi32>
      %and3A_322 = arith.andi %get3A_302, %and3A_321 : vector<16xi32>
      %add3A_323 = arith.addi %add3A_319, %and3A_322 : vector<16xi32>
      %swap3A_324 = arith.index_cast %add3A_296 : i32 to index
      %swap3A_325 = tpu.vector_load %arg12[%swap3A_324] {strides = array<i32>} : memref<6272xi32, #tpu.memory_space<vmem>>, vector<16xi32>,
      %swap3A_326 = vector.shape_cast %swap3A_325 : vector<16xi32> to vector<16xi32>
      %swap3A_327 = vector.shape_cast %add3A_323 : vector<16xi32> to vector<16xi32>
      tpu.vector_store %arg12[%swap3A_324], %swap3A_327 {strides = array<i32>} : memref<6272xi32, #tpu.memory_space<vmem>>, vector<16xi32>,
      %mul3A_328 = arith.constant 128 : i32
      %mul3A_329 = arith.muli %while3A_52, %mul3A_328 : i32
      %dma_start3A = tpu.memref_slice %arg13[%mul3A_329] : memref<6272xf32, #tpu.memory_space<vmem>> -> memref<128xf32, #tpu.memory_space<vmem>>
      %dma_start3A_330 = tpu.memref_slice %arg12[%mul3A_329] : memref<6272xi32, #tpu.memory_space<vmem>> -> memref<128xi32, #tpu.memory_space<vmem>>
      %dma_start3A_331 = arith.constant 0 : i32
      %dma_start3A_332 = tpu.memref_slice %arg2[%dma_start3A_331] : memref<2097152xf32, #tpu.memory_space<hbm>> -> memref<2097152xf32, #tpu.memory_space<hbm>>
      tpu.enqueue_indirect_dma source(%dma_start3A_332 : memref<2097152xf32, #tpu.memory_space<hbm>>) target(%dma_start3A : memref<128xf32, #tpu.memory_space<vmem>>) offsets(%dma_start3A_330 : memref<128xi32, #tpu.memory_space<vmem>>) semaphore(%arg14 : memref<!tpu.dma_semaphore, #tpu.memory_space<semaphore_mem>>)
    }
    %broadcast_in_dim3A = arith.constant 0xFF800000 : f32
    %broadcast_in_dim3A_21 = vector.broadcast %broadcast_in_dim3A : f32 to vector<16xf32>
    %eq3A_22 = arith.constant 31 : i32
    %eq3A_23 = arith.cmpi eq, %add3A, %eq3A_22 : i32
    %convert_element_type3A_24 = arith.extui %eq3A_23 : i1 to i32
    %cond3A_25 = arith.constant 0 : i32
    %cond3A_26 = arith.cmpi ne, %convert_element_type3A_24, %cond3A_25 : i32
    scf.if %cond3A_26 {
      %get3A = arith.constant 5504 : index
      %get3A_52 = tpu.vector_load %arg8[%get3A] {strides = array<i32>} : memref<6272xi32, #tpu.memory_space<vmem>>, vector<16xi32>,
      %get3A_53 = vector.shape_cast %get3A_52 : vector<16xi32> to vector<16xi32>
      %get3A_54 = arith.constant 5504 : index
      %get3A_55 = tpu.vector_load %arg9[%get3A_54] {strides = array<i32>} : memref<6272xi32, #tpu.memory_space<vmem>>, vector<16xi32>,
      %get3A_56 = vector.shape_cast %get3A_55 : vector<16xi32> to vector<16xi32>
      %get3A_57 = arith.constant 5504 : index
      %get3A_58 = tpu.vector_load %arg10[%get3A_57] {strides = array<i32>} : memref<6272xi32, #tpu.memory_space<vmem>>, vector<16xi32>,
      %get3A_59 = vector.shape_cast %get3A_58 : vector<16xi32> to vector<16xi32>
      %shift_left3A = arith.constant 12 : i32
      %shift_left3A_60 = vector.broadcast %shift_left3A : i32 to vector<16xi32>
      %shift_left3A_61 = arith.shli %get3A_53, %shift_left3A_60 : vector<16xi32>
      %shift_right_arithmetic3A = arith.constant 7 : i32
      %shift_right_arithmetic3A_62 = vector.broadcast %shift_right_arithmetic3A : i32 to vector<16xi32>
      %shift_right_arithmetic3A_63 = arith.shrsi %get3A_56, %shift_right_arithmetic3A_62 : vector<16xi32>
      %shift_left3A_64 = arith.constant 10 : i32
      %shift_left3A_65 = vector.broadcast %shift_left3A_64 : i32 to vector<16xi32>
      %shift_left3A_66 = arith.shli %shift_right_arithmetic3A_63, %shift_left3A_65 : vector<16xi32>
      %add3A_67 = arith.addi %shift_left3A_61, %shift_left3A_66 : vector<16xi32>
      %shift_left3A_68 = arith.constant 7 : i32
      %shift_left3A_69 = vector.broadcast %shift_left3A_68 : i32 to vector<16xi32>
      %shift_left3A_70 = arith.shli %get3A_59, %shift_left3A_69 : vector<16xi32>
      %add3A_71 = arith.addi %add3A_67, %shift_left3A_70 : vector<16xi32>
      %and3A = arith.constant 127 : i32
      %and3A_72 = vector.broadcast %and3A : i32 to vector<16xi32>
      %and3A_73 = arith.andi %get3A_56, %and3A_72 : vector<16xi32>
      %add3A_74 = arith.addi %add3A_71, %and3A_73 : vector<16xi32>
      %swap3A = arith.constant 5504 : index
      %swap3A_75 = tpu.vector_load %arg12[%swap3A] {strides = array<i32>} : memref<6272xi32, #tpu.memory_space<vmem>>, vector<16xi32>,
      %swap3A_76 = vector.shape_cast %swap3A_75 : vector<16xi32> to vector<16xi32>
      %swap3A_77 = vector.shape_cast %add3A_74 : vector<16xi32> to vector<16xi32>
      tpu.vector_store %arg12[%swap3A], %swap3A_77 {strides = array<i32>} : memref<6272xi32, #tpu.memory_space<vmem>>, vector<16xi32>,
      %get3A_78 = arith.constant 5520 : index
      %get3A_79 = tpu.vector_load %arg8[%get3A_78] {strides = array<i32>} : memref<6272xi32, #tpu.memory_space<vmem>>, vector<16xi32>,
      %get3A_80 = vector.shape_cast %get3A_79 : vector<16xi32> to vector<16xi32>
      %get3A_81 = arith.constant 5520 : index
      %get3A_82 = tpu.vector_load %arg9[%get3A_81] {strides = array<i32>} : memref<6272xi32, #tpu.memory_space<vmem>>, vector<16xi32>,
      %get3A_83 = vector.shape_cast %get3A_82 : vector<16xi32> to vector<16xi32>
      %get3A_84 = arith.constant 5520 : index
      %get3A_85 = tpu.vector_load %arg10[%get3A_84] {strides = array<i32>} : memref<6272xi32, #tpu.memory_space<vmem>>, vector<16xi32>,
      %get3A_86 = vector.shape_cast %get3A_85 : vector<16xi32> to vector<16xi32>
      %shift_left3A_87 = arith.constant 12 : i32
      %shift_left3A_88 = vector.broadcast %shift_left3A_87 : i32 to vector<16xi32>
      %shift_left3A_89 = arith.shli %get3A_80, %shift_left3A_88 : vector<16xi32>
      %shift_right_arithmetic3A_90 = arith.constant 7 : i32
      %shift_right_arithmetic3A_91 = vector.broadcast %shift_right_arithmetic3A_90 : i32 to vector<16xi32>
      %shift_right_arithmetic3A_92 = arith.shrsi %get3A_83, %shift_right_arithmetic3A_91 : vector<16xi32>
      %shift_left3A_93 = arith.constant 10 : i32
      %shift_left3A_94 = vector.broadcast %shift_left3A_93 : i32 to vector<16xi32>
      %shift_left3A_95 = arith.shli %shift_right_arithmetic3A_92, %shift_left3A_94 : vector<16xi32>
      %add3A_96 = arith.addi %shift_left3A_89, %shift_left3A_95 : vector<16xi32>
      %shift_left3A_97 = arith.constant 7 : i32
      %shift_left3A_98 = vector.broadcast %shift_left3A_97 : i32 to vector<16xi32>
      %shift_left3A_99 = arith.shli %get3A_86, %shift_left3A_98 : vector<16xi32>
      %add3A_100 = arith.addi %add3A_96, %shift_left3A_99 : vector<16xi32>
      %and3A_101 = arith.constant 127 : i32
      %and3A_102 = vector.broadcast %and3A_101 : i32 to vector<16xi32>
      %and3A_103 = arith.andi %get3A_83, %and3A_102 : vector<16xi32>
      %add3A_104 = arith.addi %add3A_100, %and3A_103 : vector<16xi32>
      %swap3A_105 = arith.constant 5520 : index
      %swap3A_106 = tpu.vector_load %arg12[%swap3A_105] {strides = array<i32>} : memref<6272xi32, #tpu.memory_space<vmem>>, vector<16xi32>,
      %swap3A_107 = vector.shape_cast %swap3A_106 : vector<16xi32> to vector<16xi32>
      %swap3A_108 = vector.shape_cast %add3A_104 : vector<16xi32> to vector<16xi32>
      tpu.vector_store %arg12[%swap3A_105], %swap3A_108 {strides = array<i32>} : memref<6272xi32, #tpu.memory_space<vmem>>, vector<16xi32>,
      %get3A_109 = arith.constant 5536 : index
      %get3A_110 = tpu.vector_load %arg8[%get3A_109] {strides = array<i32>} : memref<6272xi32, #tpu.memory_space<vmem>>, vector<16xi32>,
      %get3A_111 = vector.shape_cast %get3A_110 : vector<16xi32> to vector<16xi32>
      %get3A_112 = arith.constant 5536 : index
      %get3A_113 = tpu.vector_load %arg9[%get3A_112] {strides = array<i32>} : memref<6272xi32, #tpu.memory_space<vmem>>, vector<16xi32>,
      %get3A_114 = vector.shape_cast %get3A_113 : vector<16xi32> to vector<16xi32>
      %get3A_115 = arith.constant 5536 : index
      %get3A_116 = tpu.vector_load %arg10[%get3A_115] {strides = array<i32>} : memref<6272xi32, #tpu.memory_space<vmem>>, vector<16xi32>,
      %get3A_117 = vector.shape_cast %get3A_116 : vector<16xi32> to vector<16xi32>
      %shift_left3A_118 = arith.constant 12 : i32
      %shift_left3A_119 = vector.broadcast %shift_left3A_118 : i32 to vector<16xi32>
      %shift_left3A_120 = arith.shli %get3A_111, %shift_left3A_119 : vector<16xi32>
      %shift_right_arithmetic3A_121 = arith.constant 7 : i32
      %shift_right_arithmetic3A_122 = vector.broadcast %shift_right_arithmetic3A_121 : i32 to vector<16xi32>
      %shift_right_arithmetic3A_123 = arith.shrsi %get3A_114, %shift_right_arithmetic3A_122 : vector<16xi32>
      %shift_left3A_124 = arith.constant 10 : i32
      %shift_left3A_125 = vector.broadcast %shift_left3A_124 : i32 to vector<16xi32>
      %shift_left3A_126 = arith.shli %shift_right_arithmetic3A_123, %shift_left3A_125 : vector<16xi32>
      %add3A_127 = arith.addi %shift_left3A_120, %shift_left3A_126 : vector<16xi32>
      %shift_left3A_128 = arith.constant 7 : i32
      %shift_left3A_129 = vector.broadcast %shift_left3A_128 : i32 to vector<16xi32>
      %shift_left3A_130 = arith.shli %get3A_117, %shift_left3A_129 : vector<16xi32>
      %add3A_131 = arith.addi %add3A_127, %shift_left3A_130 : vector<16xi32>
      %and3A_132 = arith.constant 127 : i32
      %and3A_133 = vector.broadcast %and3A_132 : i32 to vector<16xi32>
      %and3A_134 = arith.andi %get3A_114, %and3A_133 : vector<16xi32>
      %add3A_135 = arith.addi %add3A_131, %and3A_134 : vector<16xi32>
      %swap3A_136 = arith.constant 5536 : index
      %swap3A_137 = tpu.vector_load %arg12[%swap3A_136] {strides = array<i32>} : memref<6272xi32, #tpu.memory_space<vmem>>, vector<16xi32>,
      %swap3A_138 = vector.shape_cast %swap3A_137 : vector<16xi32> to vector<16xi32>
      %swap3A_139 = vector.shape_cast %add3A_135 : vector<16xi32> to vector<16xi32>
      tpu.vector_store %arg12[%swap3A_136], %swap3A_139 {strides = array<i32>} : memref<6272xi32, #tpu.memory_space<vmem>>, vector<16xi32>,
      %get3A_140 = arith.constant 5552 : index
      %get3A_141 = tpu.vector_load %arg8[%get3A_140] {strides = array<i32>} : memref<6272xi32, #tpu.memory_space<vmem>>, vector<16xi32>,
      %get3A_142 = vector.shape_cast %get3A_141 : vector<16xi32> to vector<16xi32>
      %get3A_143 = arith.constant 5552 : index
      %get3A_144 = tpu.vector_load %arg9[%get3A_143] {strides = array<i32>} : memref<6272xi32, #tpu.memory_space<vmem>>, vector<16xi32>,
      %get3A_145 = vector.shape_cast %get3A_144 : vector<16xi32> to vector<16xi32>
      %get3A_146 = arith.constant 5552 : index
      %get3A_147 = tpu.vector_load %arg10[%get3A_146] {strides = array<i32>} : memref<6272xi32, #tpu.memory_space<vmem>>, vector<16xi32>,
      %get3A_148 = vector.shape_cast %get3A_147 : vector<16xi32> to vector<16xi32>
      %shift_left3A_149 = arith.constant 12 : i32
      %shift_left3A_150 = vector.broadcast %shift_left3A_149 : i32 to vector<16xi32>
      %shift_left3A_151 = arith.shli %get3A_142, %shift_left3A_150 : vector<16xi32>
      %shift_right_arithmetic3A_152 = arith.constant 7 : i32
      %shift_right_arithmetic3A_153 = vector.broadcast %shift_right_arithmetic3A_152 : i32 to vector<16xi32>
      %shift_right_arithmetic3A_154 = arith.shrsi %get3A_145, %shift_right_arithmetic3A_153 : vector<16xi32>
      %shift_left3A_155 = arith.constant 10 : i32
      %shift_left3A_156 = vector.broadcast %shift_left3A_155 : i32 to vector<16xi32>
      %shift_left3A_157 = arith.shli %shift_right_arithmetic3A_154, %shift_left3A_156 : vector<16xi32>
      %add3A_158 = arith.addi %shift_left3A_151, %shift_left3A_157 : vector<16xi32>
      %shift_left3A_159 = arith.constant 7 : i32
      %shift_left3A_160 = vector.broadcast %shift_left3A_159 : i32 to vector<16xi32>
      %shift_left3A_161 = arith.shli %get3A_148, %shift_left3A_160 : vector<16xi32>
      %add3A_162 = arith.addi %add3A_158, %shift_left3A_161 : vector<16xi32>
      %and3A_163 = arith.constant 127 : i32
      %and3A_164 = vector.broadcast %and3A_163 : i32 to vector<16xi32>
      %and3A_165 = arith.andi %get3A_145, %and3A_164 : vector<16xi32>
      %add3A_166 = arith.addi %add3A_162, %and3A_165 : vector<16xi32>
      %swap3A_167 = arith.constant 5552 : index
      %swap3A_168 = tpu.vector_load %arg12[%swap3A_167] {strides = array<i32>} : memref<6272xi32, #tpu.memory_space<vmem>>, vector<16xi32>,
      %swap3A_169 = vector.shape_cast %swap3A_168 : vector<16xi32> to vector<16xi32>
      %swap3A_170 = vector.shape_cast %add3A_166 : vector<16xi32> to vector<16xi32>
      tpu.vector_store %arg12[%swap3A_167], %swap3A_170 {strides = array<i32>} : memref<6272xi32, #tpu.memory_space<vmem>>, vector<16xi32>,
      %dma_start3A = arith.constant 5504 : i32
      %dma_start3A_171 = tpu.memref_slice %arg13[%dma_start3A] : memref<6272xf32, #tpu.memory_space<vmem>> -> memref<64xf32, #tpu.memory_space<vmem>>
      %dma_start3A_172 = arith.constant 5504 : i32
      %dma_start3A_173 = tpu.memref_slice %arg12[%dma_start3A_172] : memref<6272xi32, #tpu.memory_space<vmem>> -> memref<64xi32, #tpu.memory_space<vmem>>
      %dma_start3A_174 = arith.constant 0 : i32
      %dma_start3A_175 = tpu.memref_slice %arg2[%dma_start3A_174] : memref<2097152xf32, #tpu.memory_space<hbm>> -> memref<2097152xf32, #tpu.memory_space<hbm>>
      tpu.enqueue_indirect_dma source(%dma_start3A_175 : memref<2097152xf32, #tpu.memory_space<hbm>>) target(%dma_start3A_171 : memref<64xf32, #tpu.memory_space<vmem>>) offsets(%dma_start3A_173 : memref<64xi32, #tpu.memory_space<vmem>>) semaphore(%arg14 : memref<!tpu.dma_semaphore, #tpu.memory_space<semaphore_mem>>)
    } else {
    }
    %while3A_27 = arith.constant 0 : i32
    %while3A_28 = arith.constant 0 : i32
    %while3A_29 = arith.subi %select_n3A, %while3A_28 : i32
    %while3A_30 = arith.addi %while3A_28, %while3A_29 : i32
    %while3A_31 = arith.constant 1 : i32
    %while3A_32 = arith.divsi %while3A_29, %while3A_31 : i32
    %while3A_33 = arith.muli %while3A_32, %while3A_31 : i32
    %while3A_34 = arith.addi %while3A_28, %while3A_33 : i32
    %while3A_35 = arith.constant 1 : i32
    scf.for %while3A_52 = %while3A_28 to %while3A_34 step %while3A_35  : i32 {
      %mul3A_53 = arith.constant 128 : i32
      %mul3A_54 = arith.muli %while3A_52, %mul3A_53 : i32
      %dma_wait3A = tpu.memref_slice %arg13[%mul3A_54] : memref<6272xf32, #tpu.memory_space<vmem>> -> memref<128xf32, #tpu.memory_space<vmem>>
      %dma_wait3A_55 = tpu.memref_slice %arg12[%mul3A_54] : memref<6272xi32, #tpu.memory_space<vmem>> -> memref<128xi32, #tpu.memory_space<vmem>>
      %dma_wait3A_56 = arith.constant 0 : i32
      %dma_wait3A_57 = tpu.memref_slice %arg2[%dma_wait3A_56] : memref<2097152xf32, #tpu.memory_space<hbm>> -> memref<2097152xf32, #tpu.memory_space<hbm>>
      tpu.wait_indirect_dma semaphore(%arg14 : memref<!tpu.dma_semaphore, #tpu.memory_space<semaphore_mem>>) src(%dma_wait3A_57 : memref<2097152xf32, #tpu.memory_space<hbm>>) dst(%dma_wait3A : memref<128xf32, #tpu.memory_space<vmem>>)
      %mul3A_58 = arith.constant 128 : i32
      %mul3A_59 = arith.muli %while3A_52, %mul3A_58 : i32
      %add3A_60 = arith.constant 0 : i32
      %add3A_61 = arith.addi %mul3A_59, %add3A_60 : i32
      %get3A = arith.index_cast %add3A_61 : i32 to index
      %get3A_62 = tpu.vector_load %arg11[%get3A] {strides = array<i32>} : memref<6272xi32, #tpu.memory_space<vmem>>, vector<16xi32>,
      %get3A_63 = vector.shape_cast %get3A_62 : vector<16xi32> to vector<16xi32>
      %gt3A = arith.constant 0 : i32
      %gt3A_64 = vector.broadcast %gt3A : i32 to vector<16xi32>
      %gt3A_65 = arith.cmpi sgt, %get3A_63, %gt3A_64 : vector<16xi32>
      %get3A_66 = arith.index_cast %add3A_61 : i32 to index
      %get3A_67 = tpu.vector_load %arg13[%get3A_66] {strides = array<i32>} : memref<6272xf32, #tpu.memory_space<vmem>>, vector<16xf32>,
      %get3A_68 = vector.shape_cast %get3A_67 : vector<16xf32> to vector<16xf32>
      %select_n3A_69 = arith.select %gt3A_65, %get3A_68, %broadcast_in_dim3A_21 : vector<16xi1>, vector<16xf32>
      %swap3A = arith.index_cast %add3A_61 : i32 to index
      %swap3A_70 = tpu.vector_load %arg13[%swap3A] {strides = array<i32>} : memref<6272xf32, #tpu.memory_space<vmem>>, vector<16xf32>,
      %swap3A_71 = vector.shape_cast %swap3A_70 : vector<16xf32> to vector<16xf32>
      %swap3A_72 = vector.shape_cast %select_n3A_69 : vector<16xf32> to vector<16xf32>
      tpu.vector_store %arg13[%swap3A], %swap3A_72 {strides = array<i32>} : memref<6272xf32, #tpu.memory_space<vmem>>, vector<16xf32>,
      %mul3A_73 = arith.constant 128 : i32
      %mul3A_74 = arith.muli %while3A_52, %mul3A_73 : i32
      %add3A_75 = arith.constant 16 : i32
      %add3A_76 = arith.addi %mul3A_74, %add3A_75 : i32
      %get3A_77 = arith.index_cast %add3A_76 : i32 to index
      %get3A_78 = tpu.vector_load %arg11[%get3A_77] {strides = array<i32>} : memref<6272xi32, #tpu.memory_space<vmem>>, vector<16xi32>,
      %get3A_79 = vector.shape_cast %get3A_78 : vector<16xi32> to vector<16xi32>
      %gt3A_80 = arith.constant 0 : i32
      %gt3A_81 = vector.broadcast %gt3A_80 : i32 to vector<16xi32>
      %gt3A_82 = arith.cmpi sgt, %get3A_79, %gt3A_81 : vector<16xi32>
      %get3A_83 = arith.index_cast %add3A_76 : i32 to index
      %get3A_84 = tpu.vector_load %arg13[%get3A_83] {strides = array<i32>} : memref<6272xf32, #tpu.memory_space<vmem>>, vector<16xf32>,
      %get3A_85 = vector.shape_cast %get3A_84 : vector<16xf32> to vector<16xf32>
      %select_n3A_86 = arith.select %gt3A_82, %get3A_85, %broadcast_in_dim3A_21 : vector<16xi1>, vector<16xf32>
      %swap3A_87 = arith.index_cast %add3A_76 : i32 to index
      %swap3A_88 = tpu.vector_load %arg13[%swap3A_87] {strides = array<i32>} : memref<6272xf32, #tpu.memory_space<vmem>>, vector<16xf32>,
      %swap3A_89 = vector.shape_cast %swap3A_88 : vector<16xf32> to vector<16xf32>
      %swap3A_90 = vector.shape_cast %select_n3A_86 : vector<16xf32> to vector<16xf32>
      tpu.vector_store %arg13[%swap3A_87], %swap3A_90 {strides = array<i32>} : memref<6272xf32, #tpu.memory_space<vmem>>, vector<16xf32>,
      %mul3A_91 = arith.constant 128 : i32
      %mul3A_92 = arith.muli %while3A_52, %mul3A_91 : i32
      %add3A_93 = arith.constant 32 : i32
      %add3A_94 = arith.addi %mul3A_92, %add3A_93 : i32
      %get3A_95 = arith.index_cast %add3A_94 : i32 to index
      %get3A_96 = tpu.vector_load %arg11[%get3A_95] {strides = array<i32>} : memref<6272xi32, #tpu.memory_space<vmem>>, vector<16xi32>,
      %get3A_97 = vector.shape_cast %get3A_96 : vector<16xi32> to vector<16xi32>
      %gt3A_98 = arith.constant 0 : i32
      %gt3A_99 = vector.broadcast %gt3A_98 : i32 to vector<16xi32>
      %gt3A_100 = arith.cmpi sgt, %get3A_97, %gt3A_99 : vector<16xi32>
      %get3A_101 = arith.index_cast %add3A_94 : i32 to index
      %get3A_102 = tpu.vector_load %arg13[%get3A_101] {strides = array<i32>} : memref<6272xf32, #tpu.memory_space<vmem>>, vector<16xf32>,
      %get3A_103 = vector.shape_cast %get3A_102 : vector<16xf32> to vector<16xf32>
      %select_n3A_104 = arith.select %gt3A_100, %get3A_103, %broadcast_in_dim3A_21 : vector<16xi1>, vector<16xf32>
      %swap3A_105 = arith.index_cast %add3A_94 : i32 to index
      %swap3A_106 = tpu.vector_load %arg13[%swap3A_105] {strides = array<i32>} : memref<6272xf32, #tpu.memory_space<vmem>>, vector<16xf32>,
      %swap3A_107 = vector.shape_cast %swap3A_106 : vector<16xf32> to vector<16xf32>
      %swap3A_108 = vector.shape_cast %select_n3A_104 : vector<16xf32> to vector<16xf32>
      tpu.vector_store %arg13[%swap3A_105], %swap3A_108 {strides = array<i32>} : memref<6272xf32, #tpu.memory_space<vmem>>, vector<16xf32>,
      %mul3A_109 = arith.constant 128 : i32
      %mul3A_110 = arith.muli %while3A_52, %mul3A_109 : i32
      %add3A_111 = arith.constant 48 : i32
      %add3A_112 = arith.addi %mul3A_110, %add3A_111 : i32
      %get3A_113 = arith.index_cast %add3A_112 : i32 to index
      %get3A_114 = tpu.vector_load %arg11[%get3A_113] {strides = array<i32>} : memref<6272xi32, #tpu.memory_space<vmem>>, vector<16xi32>,
      %get3A_115 = vector.shape_cast %get3A_114 : vector<16xi32> to vector<16xi32>
      %gt3A_116 = arith.constant 0 : i32
      %gt3A_117 = vector.broadcast %gt3A_116 : i32 to vector<16xi32>
      %gt3A_118 = arith.cmpi sgt, %get3A_115, %gt3A_117 : vector<16xi32>
      %get3A_119 = arith.index_cast %add3A_112 : i32 to index
      %get3A_120 = tpu.vector_load %arg13[%get3A_119] {strides = array<i32>} : memref<6272xf32, #tpu.memory_space<vmem>>, vector<16xf32>,
      %get3A_121 = vector.shape_cast %get3A_120 : vector<16xf32> to vector<16xf32>
      %select_n3A_122 = arith.select %gt3A_118, %get3A_121, %broadcast_in_dim3A_21 : vector<16xi1>, vector<16xf32>
      %swap3A_123 = arith.index_cast %add3A_112 : i32 to index
      %swap3A_124 = tpu.vector_load %arg13[%swap3A_123] {strides = array<i32>} : memref<6272xf32, #tpu.memory_space<vmem>>, vector<16xf32>,
      %swap3A_125 = vector.shape_cast %swap3A_124 : vector<16xf32> to vector<16xf32>
      %swap3A_126 = vector.shape_cast %select_n3A_122 : vector<16xf32> to vector<16xf32>
      tpu.vector_store %arg13[%swap3A_123], %swap3A_126 {strides = array<i32>} : memref<6272xf32, #tpu.memory_space<vmem>>, vector<16xf32>,
      %mul3A_127 = arith.constant 128 : i32
      %mul3A_128 = arith.muli %while3A_52, %mul3A_127 : i32
      %add3A_129 = arith.constant 64 : i32
      %add3A_130 = arith.addi %mul3A_128, %add3A_129 : i32
      %get3A_131 = arith.index_cast %add3A_130 : i32 to index
      %get3A_132 = tpu.vector_load %arg11[%get3A_131] {strides = array<i32>} : memref<6272xi32, #tpu.memory_space<vmem>>, vector<16xi32>,
      %get3A_133 = vector.shape_cast %get3A_132 : vector<16xi32> to vector<16xi32>
      %gt3A_134 = arith.constant 0 : i32
      %gt3A_135 = vector.broadcast %gt3A_134 : i32 to vector<16xi32>
      %gt3A_136 = arith.cmpi sgt, %get3A_133, %gt3A_135 : vector<16xi32>
      %get3A_137 = arith.index_cast %add3A_130 : i32 to index
      %get3A_138 = tpu.vector_load %arg13[%get3A_137] {strides = array<i32>} : memref<6272xf32, #tpu.memory_space<vmem>>, vector<16xf32>,
      %get3A_139 = vector.shape_cast %get3A_138 : vector<16xf32> to vector<16xf32>
      %select_n3A_140 = arith.select %gt3A_136, %get3A_139, %broadcast_in_dim3A_21 : vector<16xi1>, vector<16xf32>
      %swap3A_141 = arith.index_cast %add3A_130 : i32 to index
      %swap3A_142 = tpu.vector_load %arg13[%swap3A_141] {strides = array<i32>} : memref<6272xf32, #tpu.memory_space<vmem>>, vector<16xf32>,
      %swap3A_143 = vector.shape_cast %swap3A_142 : vector<16xf32> to vector<16xf32>
      %swap3A_144 = vector.shape_cast %select_n3A_140 : vector<16xf32> to vector<16xf32>
      tpu.vector_store %arg13[%swap3A_141], %swap3A_144 {strides = array<i32>} : memref<6272xf32, #tpu.memory_space<vmem>>, vector<16xf32>,
      %mul3A_145 = arith.constant 128 : i32
      %mul3A_146 = arith.muli %while3A_52, %mul3A_145 : i32
      %add3A_147 = arith.constant 80 : i32
      %add3A_148 = arith.addi %mul3A_146, %add3A_147 : i32
      %get3A_149 = arith.index_cast %add3A_148 : i32 to index
      %get3A_150 = tpu.vector_load %arg11[%get3A_149] {strides = array<i32>} : memref<6272xi32, #tpu.memory_space<vmem>>, vector<16xi32>,
      %get3A_151 = vector.shape_cast %get3A_150 : vector<16xi32> to vector<16xi32>
      %gt3A_152 = arith.constant 0 : i32
      %gt3A_153 = vector.broadcast %gt3A_152 : i32 to vector<16xi32>
      %gt3A_154 = arith.cmpi sgt, %get3A_151, %gt3A_153 : vector<16xi32>
      %get3A_155 = arith.index_cast %add3A_148 : i32 to index
      %get3A_156 = tpu.vector_load %arg13[%get3A_155] {strides = array<i32>} : memref<6272xf32, #tpu.memory_space<vmem>>, vector<16xf32>,
      %get3A_157 = vector.shape_cast %get3A_156 : vector<16xf32> to vector<16xf32>
      %select_n3A_158 = arith.select %gt3A_154, %get3A_157, %broadcast_in_dim3A_21 : vector<16xi1>, vector<16xf32>
      %swap3A_159 = arith.index_cast %add3A_148 : i32 to index
      %swap3A_160 = tpu.vector_load %arg13[%swap3A_159] {strides = array<i32>} : memref<6272xf32, #tpu.memory_space<vmem>>, vector<16xf32>,
      %swap3A_161 = vector.shape_cast %swap3A_160 : vector<16xf32> to vector<16xf32>
      %swap3A_162 = vector.shape_cast %select_n3A_158 : vector<16xf32> to vector<16xf32>
      tpu.vector_store %arg13[%swap3A_159], %swap3A_162 {strides = array<i32>} : memref<6272xf32, #tpu.memory_space<vmem>>, vector<16xf32>,
      %mul3A_163 = arith.constant 128 : i32
      %mul3A_164 = arith.muli %while3A_52, %mul3A_163 : i32
      %add3A_165 = arith.constant 96 : i32
      %add3A_166 = arith.addi %mul3A_164, %add3A_165 : i32
      %get3A_167 = arith.index_cast %add3A_166 : i32 to index
      %get3A_168 = tpu.vector_load %arg11[%get3A_167] {strides = array<i32>} : memref<6272xi32, #tpu.memory_space<vmem>>, vector<16xi32>,
      %get3A_169 = vector.shape_cast %get3A_168 : vector<16xi32> to vector<16xi32>
      %gt3A_170 = arith.constant 0 : i32
      %gt3A_171 = vector.broadcast %gt3A_170 : i32 to vector<16xi32>
      %gt3A_172 = arith.cmpi sgt, %get3A_169, %gt3A_171 : vector<16xi32>
      %get3A_173 = arith.index_cast %add3A_166 : i32 to index
      %get3A_174 = tpu.vector_load %arg13[%get3A_173] {strides = array<i32>} : memref<6272xf32, #tpu.memory_space<vmem>>, vector<16xf32>,
      %get3A_175 = vector.shape_cast %get3A_174 : vector<16xf32> to vector<16xf32>
      %select_n3A_176 = arith.select %gt3A_172, %get3A_175, %broadcast_in_dim3A_21 : vector<16xi1>, vector<16xf32>
      %swap3A_177 = arith.index_cast %add3A_166 : i32 to index
      %swap3A_178 = tpu.vector_load %arg13[%swap3A_177] {strides = array<i32>} : memref<6272xf32, #tpu.memory_space<vmem>>, vector<16xf32>,
      %swap3A_179 = vector.shape_cast %swap3A_178 : vector<16xf32> to vector<16xf32>
      %swap3A_180 = vector.shape_cast %select_n3A_176 : vector<16xf32> to vector<16xf32>
      tpu.vector_store %arg13[%swap3A_177], %swap3A_180 {strides = array<i32>} : memref<6272xf32, #tpu.memory_space<vmem>>, vector<16xf32>,
      %mul3A_181 = arith.constant 128 : i32
      %mul3A_182 = arith.muli %while3A_52, %mul3A_181 : i32
      %add3A_183 = arith.constant 112 : i32
      %add3A_184 = arith.addi %mul3A_182, %add3A_183 : i32
      %get3A_185 = arith.index_cast %add3A_184 : i32 to index
      %get3A_186 = tpu.vector_load %arg11[%get3A_185] {strides = array<i32>} : memref<6272xi32, #tpu.memory_space<vmem>>, vector<16xi32>,
      %get3A_187 = vector.shape_cast %get3A_186 : vector<16xi32> to vector<16xi32>
      %gt3A_188 = arith.constant 0 : i32
      %gt3A_189 = vector.broadcast %gt3A_188 : i32 to vector<16xi32>
      %gt3A_190 = arith.cmpi sgt, %get3A_187, %gt3A_189 : vector<16xi32>
      %get3A_191 = arith.index_cast %add3A_184 : i32 to index
      %get3A_192 = tpu.vector_load %arg13[%get3A_191] {strides = array<i32>} : memref<6272xf32, #tpu.memory_space<vmem>>, vector<16xf32>,
      %get3A_193 = vector.shape_cast %get3A_192 : vector<16xf32> to vector<16xf32>
      %select_n3A_194 = arith.select %gt3A_190, %get3A_193, %broadcast_in_dim3A_21 : vector<16xi1>, vector<16xf32>
      %swap3A_195 = arith.index_cast %add3A_184 : i32 to index
      %swap3A_196 = tpu.vector_load %arg13[%swap3A_195] {strides = array<i32>} : memref<6272xf32, #tpu.memory_space<vmem>>, vector<16xf32>,
      %swap3A_197 = vector.shape_cast %swap3A_196 : vector<16xf32> to vector<16xf32>
      %swap3A_198 = vector.shape_cast %select_n3A_194 : vector<16xf32> to vector<16xf32>
      tpu.vector_store %arg13[%swap3A_195], %swap3A_198 {strides = array<i32>} : memref<6272xf32, #tpu.memory_space<vmem>>, vector<16xf32>,
    }
    %while3A_36 = arith.constant 1 : i32
    scf.for %while3A_52 = %while3A_34 to %while3A_30 step %while3A_36  : i32 {
      %mul3A_53 = arith.constant 128 : i32
      %mul3A_54 = arith.muli %while3A_52, %mul3A_53 : i32
      %dma_wait3A = tpu.memref_slice %arg13[%mul3A_54] : memref<6272xf32, #tpu.memory_space<vmem>> -> memref<128xf32, #tpu.memory_space<vmem>>
      %dma_wait3A_55 = tpu.memref_slice %arg12[%mul3A_54] : memref<6272xi32, #tpu.memory_space<vmem>> -> memref<128xi32, #tpu.memory_space<vmem>>
      %dma_wait3A_56 = arith.constant 0 : i32
      %dma_wait3A_57 = tpu.memref_slice %arg2[%dma_wait3A_56] : memref<2097152xf32, #tpu.memory_space<hbm>> -> memref<2097152xf32, #tpu.memory_space<hbm>>
      tpu.wait_indirect_dma semaphore(%arg14 : memref<!tpu.dma_semaphore, #tpu.memory_space<semaphore_mem>>) src(%dma_wait3A_57 : memref<2097152xf32, #tpu.memory_space<hbm>>) dst(%dma_wait3A : memref<128xf32, #tpu.memory_space<vmem>>)
      %mul3A_58 = arith.constant 128 : i32
      %mul3A_59 = arith.muli %while3A_52, %mul3A_58 : i32
      %add3A_60 = arith.constant 0 : i32
      %add3A_61 = arith.addi %mul3A_59, %add3A_60 : i32
      %get3A = arith.index_cast %add3A_61 : i32 to index
      %get3A_62 = tpu.vector_load %arg11[%get3A] {strides = array<i32>} : memref<6272xi32, #tpu.memory_space<vmem>>, vector<16xi32>,
      %get3A_63 = vector.shape_cast %get3A_62 : vector<16xi32> to vector<16xi32>
      %gt3A = arith.constant 0 : i32
      %gt3A_64 = vector.broadcast %gt3A : i32 to vector<16xi32>
      %gt3A_65 = arith.cmpi sgt, %get3A_63, %gt3A_64 : vector<16xi32>
      %get3A_66 = arith.index_cast %add3A_61 : i32 to index
      %get3A_67 = tpu.vector_load %arg13[%get3A_66] {strides = array<i32>} : memref<6272xf32, #tpu.memory_space<vmem>>, vector<16xf32>,
      %get3A_68 = vector.shape_cast %get3A_67 : vector<16xf32> to vector<16xf32>
      %select_n3A_69 = arith.select %gt3A_65, %get3A_68, %broadcast_in_dim3A_21 : vector<16xi1>, vector<16xf32>
      %swap3A = arith.index_cast %add3A_61 : i32 to index
      %swap3A_70 = tpu.vector_load %arg13[%swap3A] {strides = array<i32>} : memref<6272xf32, #tpu.memory_space<vmem>>, vector<16xf32>,
      %swap3A_71 = vector.shape_cast %swap3A_70 : vector<16xf32> to vector<16xf32>
      %swap3A_72 = vector.shape_cast %select_n3A_69 : vector<16xf32> to vector<16xf32>
      tpu.vector_store %arg13[%swap3A], %swap3A_72 {strides = array<i32>} : memref<6272xf32, #tpu.memory_space<vmem>>, vector<16xf32>,
      %mul3A_73 = arith.constant 128 : i32
      %mul3A_74 = arith.muli %while3A_52, %mul3A_73 : i32
      %add3A_75 = arith.constant 16 : i32
      %add3A_76 = arith.addi %mul3A_74, %add3A_75 : i32
      %get3A_77 = arith.index_cast %add3A_76 : i32 to index
      %get3A_78 = tpu.vector_load %arg11[%get3A_77] {strides = array<i32>} : memref<6272xi32, #tpu.memory_space<vmem>>, vector<16xi32>,
      %get3A_79 = vector.shape_cast %get3A_78 : vector<16xi32> to vector<16xi32>
      %gt3A_80 = arith.constant 0 : i32
      %gt3A_81 = vector.broadcast %gt3A_80 : i32 to vector<16xi32>
      %gt3A_82 = arith.cmpi sgt, %get3A_79, %gt3A_81 : vector<16xi32>
      %get3A_83 = arith.index_cast %add3A_76 : i32 to index
      %get3A_84 = tpu.vector_load %arg13[%get3A_83] {strides = array<i32>} : memref<6272xf32, #tpu.memory_space<vmem>>, vector<16xf32>,
      %get3A_85 = vector.shape_cast %get3A_84 : vector<16xf32> to vector<16xf32>
      %select_n3A_86 = arith.select %gt3A_82, %get3A_85, %broadcast_in_dim3A_21 : vector<16xi1>, vector<16xf32>
      %swap3A_87 = arith.index_cast %add3A_76 : i32 to index
      %swap3A_88 = tpu.vector_load %arg13[%swap3A_87] {strides = array<i32>} : memref<6272xf32, #tpu.memory_space<vmem>>, vector<16xf32>,
      %swap3A_89 = vector.shape_cast %swap3A_88 : vector<16xf32> to vector<16xf32>
      %swap3A_90 = vector.shape_cast %select_n3A_86 : vector<16xf32> to vector<16xf32>
      tpu.vector_store %arg13[%swap3A_87], %swap3A_90 {strides = array<i32>} : memref<6272xf32, #tpu.memory_space<vmem>>, vector<16xf32>,
      %mul3A_91 = arith.constant 128 : i32
      %mul3A_92 = arith.muli %while3A_52, %mul3A_91 : i32
      %add3A_93 = arith.constant 32 : i32
      %add3A_94 = arith.addi %mul3A_92, %add3A_93 : i32
      %get3A_95 = arith.index_cast %add3A_94 : i32 to index
      %get3A_96 = tpu.vector_load %arg11[%get3A_95] {strides = array<i32>} : memref<6272xi32, #tpu.memory_space<vmem>>, vector<16xi32>,
      %get3A_97 = vector.shape_cast %get3A_96 : vector<16xi32> to vector<16xi32>
      %gt3A_98 = arith.constant 0 : i32
      %gt3A_99 = vector.broadcast %gt3A_98 : i32 to vector<16xi32>
      %gt3A_100 = arith.cmpi sgt, %get3A_97, %gt3A_99 : vector<16xi32>
      %get3A_101 = arith.index_cast %add3A_94 : i32 to index
      %get3A_102 = tpu.vector_load %arg13[%get3A_101] {strides = array<i32>} : memref<6272xf32, #tpu.memory_space<vmem>>, vector<16xf32>,
      %get3A_103 = vector.shape_cast %get3A_102 : vector<16xf32> to vector<16xf32>
      %select_n3A_104 = arith.select %gt3A_100, %get3A_103, %broadcast_in_dim3A_21 : vector<16xi1>, vector<16xf32>
      %swap3A_105 = arith.index_cast %add3A_94 : i32 to index
      %swap3A_106 = tpu.vector_load %arg13[%swap3A_105] {strides = array<i32>} : memref<6272xf32, #tpu.memory_space<vmem>>, vector<16xf32>,
      %swap3A_107 = vector.shape_cast %swap3A_106 : vector<16xf32> to vector<16xf32>
      %swap3A_108 = vector.shape_cast %select_n3A_104 : vector<16xf32> to vector<16xf32>
      tpu.vector_store %arg13[%swap3A_105], %swap3A_108 {strides = array<i32>} : memref<6272xf32, #tpu.memory_space<vmem>>, vector<16xf32>,
      %mul3A_109 = arith.constant 128 : i32
      %mul3A_110 = arith.muli %while3A_52, %mul3A_109 : i32
      %add3A_111 = arith.constant 48 : i32
      %add3A_112 = arith.addi %mul3A_110, %add3A_111 : i32
      %get3A_113 = arith.index_cast %add3A_112 : i32 to index
      %get3A_114 = tpu.vector_load %arg11[%get3A_113] {strides = array<i32>} : memref<6272xi32, #tpu.memory_space<vmem>>, vector<16xi32>,
      %get3A_115 = vector.shape_cast %get3A_114 : vector<16xi32> to vector<16xi32>
      %gt3A_116 = arith.constant 0 : i32
      %gt3A_117 = vector.broadcast %gt3A_116 : i32 to vector<16xi32>
      %gt3A_118 = arith.cmpi sgt, %get3A_115, %gt3A_117 : vector<16xi32>
      %get3A_119 = arith.index_cast %add3A_112 : i32 to index
      %get3A_120 = tpu.vector_load %arg13[%get3A_119] {strides = array<i32>} : memref<6272xf32, #tpu.memory_space<vmem>>, vector<16xf32>,
      %get3A_121 = vector.shape_cast %get3A_120 : vector<16xf32> to vector<16xf32>
      %select_n3A_122 = arith.select %gt3A_118, %get3A_121, %broadcast_in_dim3A_21 : vector<16xi1>, vector<16xf32>
      %swap3A_123 = arith.index_cast %add3A_112 : i32 to index
      %swap3A_124 = tpu.vector_load %arg13[%swap3A_123] {strides = array<i32>} : memref<6272xf32, #tpu.memory_space<vmem>>, vector<16xf32>,
      %swap3A_125 = vector.shape_cast %swap3A_124 : vector<16xf32> to vector<16xf32>
      %swap3A_126 = vector.shape_cast %select_n3A_122 : vector<16xf32> to vector<16xf32>
      tpu.vector_store %arg13[%swap3A_123], %swap3A_126 {strides = array<i32>} : memref<6272xf32, #tpu.memory_space<vmem>>, vector<16xf32>,
      %mul3A_127 = arith.constant 128 : i32
      %mul3A_128 = arith.muli %while3A_52, %mul3A_127 : i32
      %add3A_129 = arith.constant 64 : i32
      %add3A_130 = arith.addi %mul3A_128, %add3A_129 : i32
      %get3A_131 = arith.index_cast %add3A_130 : i32 to index
      %get3A_132 = tpu.vector_load %arg11[%get3A_131] {strides = array<i32>} : memref<6272xi32, #tpu.memory_space<vmem>>, vector<16xi32>,
      %get3A_133 = vector.shape_cast %get3A_132 : vector<16xi32> to vector<16xi32>
      %gt3A_134 = arith.constant 0 : i32
      %gt3A_135 = vector.broadcast %gt3A_134 : i32 to vector<16xi32>
      %gt3A_136 = arith.cmpi sgt, %get3A_133, %gt3A_135 : vector<16xi32>
      %get3A_137 = arith.index_cast %add3A_130 : i32 to index
      %get3A_138 = tpu.vector_load %arg13[%get3A_137] {strides = array<i32>} : memref<6272xf32, #tpu.memory_space<vmem>>, vector<16xf32>,
      %get3A_139 = vector.shape_cast %get3A_138 : vector<16xf32> to vector<16xf32>
      %select_n3A_140 = arith.select %gt3A_136, %get3A_139, %broadcast_in_dim3A_21 : vector<16xi1>, vector<16xf32>
      %swap3A_141 = arith.index_cast %add3A_130 : i32 to index
      %swap3A_142 = tpu.vector_load %arg13[%swap3A_141] {strides = array<i32>} : memref<6272xf32, #tpu.memory_space<vmem>>, vector<16xf32>,
      %swap3A_143 = vector.shape_cast %swap3A_142 : vector<16xf32> to vector<16xf32>
      %swap3A_144 = vector.shape_cast %select_n3A_140 : vector<16xf32> to vector<16xf32>
      tpu.vector_store %arg13[%swap3A_141], %swap3A_144 {strides = array<i32>} : memref<6272xf32, #tpu.memory_space<vmem>>, vector<16xf32>,
      %mul3A_145 = arith.constant 128 : i32
      %mul3A_146 = arith.muli %while3A_52, %mul3A_145 : i32
      %add3A_147 = arith.constant 80 : i32
      %add3A_148 = arith.addi %mul3A_146, %add3A_147 : i32
      %get3A_149 = arith.index_cast %add3A_148 : i32 to index
      %get3A_150 = tpu.vector_load %arg11[%get3A_149] {strides = array<i32>} : memref<6272xi32, #tpu.memory_space<vmem>>, vector<16xi32>,
      %get3A_151 = vector.shape_cast %get3A_150 : vector<16xi32> to vector<16xi32>
      %gt3A_152 = arith.constant 0 : i32
      %gt3A_153 = vector.broadcast %gt3A_152 : i32 to vector<16xi32>
      %gt3A_154 = arith.cmpi sgt, %get3A_151, %gt3A_153 : vector<16xi32>
      %get3A_155 = arith.index_cast %add3A_148 : i32 to index
      %get3A_156 = tpu.vector_load %arg13[%get3A_155] {strides = array<i32>} : memref<6272xf32, #tpu.memory_space<vmem>>, vector<16xf32>,
      %get3A_157 = vector.shape_cast %get3A_156 : vector<16xf32> to vector<16xf32>
      %select_n3A_158 = arith.select %gt3A_154, %get3A_157, %broadcast_in_dim3A_21 : vector<16xi1>, vector<16xf32>
      %swap3A_159 = arith.index_cast %add3A_148 : i32 to index
      %swap3A_160 = tpu.vector_load %arg13[%swap3A_159] {strides = array<i32>} : memref<6272xf32, #tpu.memory_space<vmem>>, vector<16xf32>,
      %swap3A_161 = vector.shape_cast %swap3A_160 : vector<16xf32> to vector<16xf32>
      %swap3A_162 = vector.shape_cast %select_n3A_158 : vector<16xf32> to vector<16xf32>
      tpu.vector_store %arg13[%swap3A_159], %swap3A_162 {strides = array<i32>} : memref<6272xf32, #tpu.memory_space<vmem>>, vector<16xf32>,
      %mul3A_163 = arith.constant 128 : i32
      %mul3A_164 = arith.muli %while3A_52, %mul3A_163 : i32
      %add3A_165 = arith.constant 96 : i32
      %add3A_166 = arith.addi %mul3A_164, %add3A_165 : i32
      %get3A_167 = arith.index_cast %add3A_166 : i32 to index
      %get3A_168 = tpu.vector_load %arg11[%get3A_167] {strides = array<i32>} : memref<6272xi32, #tpu.memory_space<vmem>>, vector<16xi32>,
      %get3A_169 = vector.shape_cast %get3A_168 : vector<16xi32> to vector<16xi32>
      %gt3A_170 = arith.constant 0 : i32
      %gt3A_171 = vector.broadcast %gt3A_170 : i32 to vector<16xi32>
      %gt3A_172 = arith.cmpi sgt, %get3A_169, %gt3A_171 : vector<16xi32>
      %get3A_173 = arith.index_cast %add3A_166 : i32 to index
      %get3A_174 = tpu.vector_load %arg13[%get3A_173] {strides = array<i32>} : memref<6272xf32, #tpu.memory_space<vmem>>, vector<16xf32>,
      %get3A_175 = vector.shape_cast %get3A_174 : vector<16xf32> to vector<16xf32>
      %select_n3A_176 = arith.select %gt3A_172, %get3A_175, %broadcast_in_dim3A_21 : vector<16xi1>, vector<16xf32>
      %swap3A_177 = arith.index_cast %add3A_166 : i32 to index
      %swap3A_178 = tpu.vector_load %arg13[%swap3A_177] {strides = array<i32>} : memref<6272xf32, #tpu.memory_space<vmem>>, vector<16xf32>,
      %swap3A_179 = vector.shape_cast %swap3A_178 : vector<16xf32> to vector<16xf32>
      %swap3A_180 = vector.shape_cast %select_n3A_176 : vector<16xf32> to vector<16xf32>
      tpu.vector_store %arg13[%swap3A_177], %swap3A_180 {strides = array<i32>} : memref<6272xf32, #tpu.memory_space<vmem>>, vector<16xf32>,
      %mul3A_181 = arith.constant 128 : i32
      %mul3A_182 = arith.muli %while3A_52, %mul3A_181 : i32
      %add3A_183 = arith.constant 112 : i32
      %add3A_184 = arith.addi %mul3A_182, %add3A_183 : i32
      %get3A_185 = arith.index_cast %add3A_184 : i32 to index
      %get3A_186 = tpu.vector_load %arg11[%get3A_185] {strides = array<i32>} : memref<6272xi32, #tpu.memory_space<vmem>>, vector<16xi32>,
      %get3A_187 = vector.shape_cast %get3A_186 : vector<16xi32> to vector<16xi32>
      %gt3A_188 = arith.constant 0 : i32
      %gt3A_189 = vector.broadcast %gt3A_188 : i32 to vector<16xi32>
      %gt3A_190 = arith.cmpi sgt, %get3A_187, %gt3A_189 : vector<16xi32>
      %get3A_191 = arith.index_cast %add3A_184 : i32 to index
      %get3A_192 = tpu.vector_load %arg13[%get3A_191] {strides = array<i32>} : memref<6272xf32, #tpu.memory_space<vmem>>, vector<16xf32>,
      %get3A_193 = vector.shape_cast %get3A_192 : vector<16xf32> to vector<16xf32>
      %select_n3A_194 = arith.select %gt3A_190, %get3A_193, %broadcast_in_dim3A_21 : vector<16xi1>, vector<16xf32>
      %swap3A_195 = arith.index_cast %add3A_184 : i32 to index
      %swap3A_196 = tpu.vector_load %arg13[%swap3A_195] {strides = array<i32>} : memref<6272xf32, #tpu.memory_space<vmem>>, vector<16xf32>,
      %swap3A_197 = vector.shape_cast %swap3A_196 : vector<16xf32> to vector<16xf32>
      %swap3A_198 = vector.shape_cast %select_n3A_194 : vector<16xf32> to vector<16xf32>
      tpu.vector_store %arg13[%swap3A_195], %swap3A_198 {strides = array<i32>} : memref<6272xf32, #tpu.memory_space<vmem>>, vector<16xf32>,
    }
    %eq3A_37 = arith.constant 31 : i32
    %eq3A_38 = arith.cmpi eq, %add3A, %eq3A_37 : i32
    %convert_element_type3A_39 = arith.extui %eq3A_38 : i1 to i32
    %cond3A_40 = arith.constant 0 : i32
    %cond3A_41 = arith.cmpi ne, %convert_element_type3A_39, %cond3A_40 : i32
    scf.if %cond3A_41 {
      %dma_wait3A = arith.constant 5504 : i32
      %dma_wait3A_52 = tpu.memref_slice %arg13[%dma_wait3A] : memref<6272xf32, #tpu.memory_space<vmem>> -> memref<64xf32, #tpu.memory_space<vmem>>
      %dma_wait3A_53 = arith.constant 5504 : i32
      %dma_wait3A_54 = tpu.memref_slice %arg12[%dma_wait3A_53] : memref<6272xi32, #tpu.memory_space<vmem>> -> memref<64xi32, #tpu.memory_space<vmem>>
      %dma_wait3A_55 = arith.constant 0 : i32
      %dma_wait3A_56 = tpu.memref_slice %arg2[%dma_wait3A_55] : memref<2097152xf32, #tpu.memory_space<hbm>> -> memref<2097152xf32, #tpu.memory_space<hbm>>
      tpu.wait_indirect_dma semaphore(%arg14 : memref<!tpu.dma_semaphore, #tpu.memory_space<semaphore_mem>>) src(%dma_wait3A_56 : memref<2097152xf32, #tpu.memory_space<hbm>>) dst(%dma_wait3A_52 : memref<64xf32, #tpu.memory_space<vmem>>)
      %get3A = arith.constant 5504 : index
      %get3A_57 = tpu.vector_load %arg11[%get3A] {strides = array<i32>} : memref<6272xi32, #tpu.memory_space<vmem>>, vector<16xi32>,
      %get3A_58 = vector.shape_cast %get3A_57 : vector<16xi32> to vector<16xi32>
      %gt3A = arith.constant 0 : i32
      %gt3A_59 = vector.broadcast %gt3A : i32 to vector<16xi32>
      %gt3A_60 = arith.cmpi sgt, %get3A_58, %gt3A_59 : vector<16xi32>
      %get3A_61 = arith.constant 5504 : index
      %get3A_62 = tpu.vector_load %arg13[%get3A_61] {strides = array<i32>} : memref<6272xf32, #tpu.memory_space<vmem>>, vector<16xf32>,
      %get3A_63 = vector.shape_cast %get3A_62 : vector<16xf32> to vector<16xf32>
      %select_n3A_64 = arith.select %gt3A_60, %get3A_63, %broadcast_in_dim3A_21 : vector<16xi1>, vector<16xf32>
      %swap3A = arith.constant 5504 : index
      %swap3A_65 = tpu.vector_load %arg13[%swap3A] {strides = array<i32>} : memref<6272xf32, #tpu.memory_space<vmem>>, vector<16xf32>,
      %swap3A_66 = vector.shape_cast %swap3A_65 : vector<16xf32> to vector<16xf32>
      %swap3A_67 = vector.shape_cast %select_n3A_64 : vector<16xf32> to vector<16xf32>
      tpu.vector_store %arg13[%swap3A], %swap3A_67 {strides = array<i32>} : memref<6272xf32, #tpu.memory_space<vmem>>, vector<16xf32>,
      %get3A_68 = arith.constant 5520 : index
      %get3A_69 = tpu.vector_load %arg11[%get3A_68] {strides = array<i32>} : memref<6272xi32, #tpu.memory_space<vmem>>, vector<16xi32>,
      %get3A_70 = vector.shape_cast %get3A_69 : vector<16xi32> to vector<16xi32>
      %gt3A_71 = arith.constant 0 : i32
      %gt3A_72 = vector.broadcast %gt3A_71 : i32 to vector<16xi32>
      %gt3A_73 = arith.cmpi sgt, %get3A_70, %gt3A_72 : vector<16xi32>
      %get3A_74 = arith.constant 5520 : index
      %get3A_75 = tpu.vector_load %arg13[%get3A_74] {strides = array<i32>} : memref<6272xf32, #tpu.memory_space<vmem>>, vector<16xf32>,
      %get3A_76 = vector.shape_cast %get3A_75 : vector<16xf32> to vector<16xf32>
      %select_n3A_77 = arith.select %gt3A_73, %get3A_76, %broadcast_in_dim3A_21 : vector<16xi1>, vector<16xf32>
      %swap3A_78 = arith.constant 5520 : index
      %swap3A_79 = tpu.vector_load %arg13[%swap3A_78] {strides = array<i32>} : memref<6272xf32, #tpu.memory_space<vmem>>, vector<16xf32>,
      %swap3A_80 = vector.shape_cast %swap3A_79 : vector<16xf32> to vector<16xf32>
      %swap3A_81 = vector.shape_cast %select_n3A_77 : vector<16xf32> to vector<16xf32>
      tpu.vector_store %arg13[%swap3A_78], %swap3A_81 {strides = array<i32>} : memref<6272xf32, #tpu.memory_space<vmem>>, vector<16xf32>,
      %get3A_82 = arith.constant 5536 : index
      %get3A_83 = tpu.vector_load %arg11[%get3A_82] {strides = array<i32>} : memref<6272xi32, #tpu.memory_space<vmem>>, vector<16xi32>,
      %get3A_84 = vector.shape_cast %get3A_83 : vector<16xi32> to vector<16xi32>
      %gt3A_85 = arith.constant 0 : i32
      %gt3A_86 = vector.broadcast %gt3A_85 : i32 to vector<16xi32>
      %gt3A_87 = arith.cmpi sgt, %get3A_84, %gt3A_86 : vector<16xi32>
      %get3A_88 = arith.constant 5536 : index
      %get3A_89 = tpu.vector_load %arg13[%get3A_88] {strides = array<i32>} : memref<6272xf32, #tpu.memory_space<vmem>>, vector<16xf32>,
      %get3A_90 = vector.shape_cast %get3A_89 : vector<16xf32> to vector<16xf32>
      %select_n3A_91 = arith.select %gt3A_87, %get3A_90, %broadcast_in_dim3A_21 : vector<16xi1>, vector<16xf32>
      %swap3A_92 = arith.constant 5536 : index
      %swap3A_93 = tpu.vector_load %arg13[%swap3A_92] {strides = array<i32>} : memref<6272xf32, #tpu.memory_space<vmem>>, vector<16xf32>,
      %swap3A_94 = vector.shape_cast %swap3A_93 : vector<16xf32> to vector<16xf32>
      %swap3A_95 = vector.shape_cast %select_n3A_91 : vector<16xf32> to vector<16xf32>
      tpu.vector_store %arg13[%swap3A_92], %swap3A_95 {strides = array<i32>} : memref<6272xf32, #tpu.memory_space<vmem>>, vector<16xf32>,
      %get3A_96 = arith.constant 5552 : index
      %get3A_97 = tpu.vector_load %arg11[%get3A_96] {strides = array<i32>} : memref<6272xi32, #tpu.memory_space<vmem>>, vector<16xi32>,
      %get3A_98 = vector.shape_cast %get3A_97 : vector<16xi32> to vector<16xi32>
      %gt3A_99 = arith.constant 0 : i32
      %gt3A_100 = vector.broadcast %gt3A_99 : i32 to vector<16xi32>
      %gt3A_101 = arith.cmpi sgt, %get3A_98, %gt3A_100 : vector<16xi32>
      %get3A_102 = arith.constant 5552 : index
      %get3A_103 = tpu.vector_load %arg13[%get3A_102] {strides = array<i32>} : memref<6272xf32, #tpu.memory_space<vmem>>, vector<16xf32>,
      %get3A_104 = vector.shape_cast %get3A_103 : vector<16xf32> to vector<16xf32>
      %select_n3A_105 = arith.select %gt3A_101, %get3A_104, %broadcast_in_dim3A_21 : vector<16xi1>, vector<16xf32>
      %swap3A_106 = arith.constant 5552 : index
      %swap3A_107 = tpu.vector_load %arg13[%swap3A_106] {strides = array<i32>} : memref<6272xf32, #tpu.memory_space<vmem>>, vector<16xf32>,
      %swap3A_108 = vector.shape_cast %swap3A_107 : vector<16xf32> to vector<16xf32>
      %swap3A_109 = vector.shape_cast %select_n3A_105 : vector<16xf32> to vector<16xf32>
      tpu.vector_store %arg13[%swap3A_106], %swap3A_109 {strides = array<i32>} : memref<6272xf32, #tpu.memory_space<vmem>>, vector<16xf32>,
    } else {
    }
    %lt3A_42 = arith.constant 31 : i32
    %lt3A_43 = arith.cmpi slt, %add3A, %lt3A_42 : i32
    %convert_element_type3A_44 = arith.extui %lt3A_43 : i1 to i32
    %cond3A_45 = arith.constant 0 : i32
    %cond3A_46 = arith.cmpi ne, %convert_element_type3A_44, %cond3A_45 : i32
    scf.if %cond3A_46 {
      "tpu.region"() ({
        %run_scoped3A = tpu.sem_alloc : memref<!tpu.dma_semaphore, #tpu.memory_space<semaphore_mem>>
        %dma_start3A = tpu.memref_slice %arg7[%mul3A_2] : memref<200000xf32, #tpu.memory_space<hbm>> -> memref<6272xf32, #tpu.memory_space<hbm>>
        %dma_start3A_52 = tpu.memref_slice %arg7[%mul3A_2] : memref<200000xf32, #tpu.memory_space<hbm>> -> memref<6272xf32, #tpu.memory_space<hbm>>
        tpu.enqueue_dma source(%arg13 : memref<6272xf32, #tpu.memory_space<vmem>>) target(%dma_start3A_52 : memref<6272xf32, #tpu.memory_space<hbm>>) target_semaphore(%run_scoped3A : memref<!tpu.dma_semaphore, #tpu.memory_space<semaphore_mem>>)
        %dma_wait3A = tpu.memref_slice %arg7[%mul3A_2] : memref<200000xf32, #tpu.memory_space<hbm>> -> memref<6272xf32, #tpu.memory_space<hbm>>
        %dma_wait3A_53 = tpu.memref_slice %arg7[%mul3A_2] : memref<200000xf32, #tpu.memory_space<hbm>> -> memref<6272xf32, #tpu.memory_space<hbm>>
        tpu.wait_dma2 semaphore(%run_scoped3A : memref<!tpu.dma_semaphore, #tpu.memory_space<semaphore_mem>>) src(%arg13 : memref<6272xf32, #tpu.memory_space<vmem>>) dst(%dma_wait3A_53 : memref<6272xf32, #tpu.memory_space<hbm>>)
        tpu.yield
      }) : () -> ()
    } else {
    }
    %eq3A_47 = arith.constant 31 : i32
    %eq3A_48 = arith.cmpi eq, %add3A, %eq3A_47 : i32
    %convert_element_type3A_49 = arith.extui %eq3A_48 : i1 to i32
    %cond3A_50 = arith.constant 0 : i32
    %cond3A_51 = arith.cmpi ne, %convert_element_type3A_49, %cond3A_50 : i32
    scf.if %cond3A_51 {
      "tpu.region"() ({
        %run_scoped3A = tpu.sem_alloc : memref<!tpu.dma_semaphore, #tpu.memory_space<semaphore_mem>>
        %dma_start3A = arith.constant 0 : i32
        %dma_start3A_52 = tpu.memref_slice %arg13[%dma_start3A] : memref<6272xf32, #tpu.memory_space<vmem>> -> memref<5568xf32, #tpu.memory_space<vmem>>
        %dma_start3A_53 = arith.constant 194432 : i32
        %dma_start3A_54 = tpu.memref_slice %arg7[%dma_start3A_53] : memref<200000xf32, #tpu.memory_space<hbm>> -> memref<5568xf32, #tpu.memory_space<hbm>>
        %dma_start3A_55 = arith.constant 194432 : i32
        %dma_start3A_56 = tpu.memref_slice %arg7[%dma_start3A_55] : memref<200000xf32, #tpu.memory_space<hbm>> -> memref<5568xf32, #tpu.memory_space<hbm>>
        %dma_start3A_57 = arith.constant 0 : i32
        %dma_start3A_58 = tpu.memref_slice %arg13[%dma_start3A_57] : memref<6272xf32, #tpu.memory_space<vmem>> -> memref<5568xf32, #tpu.memory_space<vmem>>
        tpu.enqueue_dma source(%dma_start3A_58 : memref<5568xf32, #tpu.memory_space<vmem>>) target(%dma_start3A_56 : memref<5568xf32, #tpu.memory_space<hbm>>) target_semaphore(%run_scoped3A : memref<!tpu.dma_semaphore, #tpu.memory_space<semaphore_mem>>)
        %dma_wait3A = arith.constant 0 : i32
        %dma_wait3A_59 = tpu.memref_slice %arg13[%dma_wait3A] : memref<6272xf32, #tpu.memory_space<vmem>> -> memref<5568xf32, #tpu.memory_space<vmem>>
        %dma_wait3A_60 = arith.constant 194432 : i32
        %dma_wait3A_61 = tpu.memref_slice %arg7[%dma_wait3A_60] : memref<200000xf32, #tpu.memory_space<hbm>> -> memref<5568xf32, #tpu.memory_space<hbm>>
        %dma_wait3A_62 = arith.constant 194432 : i32
        %dma_wait3A_63 = tpu.memref_slice %arg7[%dma_wait3A_62] : memref<200000xf32, #tpu.memory_space<hbm>> -> memref<5568xf32, #tpu.memory_space<hbm>>
        %dma_wait3A_64 = arith.constant 0 : i32
        %dma_wait3A_65 = tpu.memref_slice %arg13[%dma_wait3A_64] : memref<6272xf32, #tpu.memory_space<vmem>> -> memref<5568xf32, #tpu.memory_space<vmem>>
        tpu.wait_dma2 semaphore(%run_scoped3A : memref<!tpu.dma_semaphore, #tpu.memory_space<semaphore_mem>>) src(%dma_wait3A_65 : memref<5568xf32, #tpu.memory_space<vmem>>) dst(%dma_wait3A_63 : memref<5568xf32, #tpu.memory_space<hbm>>)
        tpu.yield
      }) : () -> ()
    } else {
    }
    return
  }
}

module attributes {stable_mosaic.version = 14 : i64} {
  func.func @_proj_body(%arg0: memref<512x256xf32, #tpu.memory_space<vmem>>, %arg1: memref<256x8xf32, #tpu.memory_space<vmem>>, %arg2: memref<256x8xf32, #tpu.memory_space<vmem>>, %arg3: memref<256x1xf32, #tpu.memory_space<vmem>>, %arg4: memref<1x8xf32, #tpu.memory_space<vmem>>, %arg5: memref<1x1xf32, #tpu.memory_space<vmem>>, %arg6: memref<1x1xi32, #tpu.memory_space<vmem>>, %arg7: memref<512x8xf32, #tpu.memory_space<vmem>>, %arg8: memref<8x512xf32, #tpu.memory_space<vmem>>, %arg9: memref<1x1xf32, #tpu.memory_space<vmem>>) attributes {dimension_semantics = [], scalar_prefetch = 0 : i64, scratch_operands = 0 : i64, tpu.core_type = #tpu.core_type<tc>} {
    %get3A = arith.constant 0 : index
    %get3A_0 = arith.constant 0 : index
    %get3A_1 = vector.load %arg0[%get3A, %get3A_0] : memref<512x256xf32, #tpu.memory_space<vmem>>, vector<512x256xf32>
    %get3A_2 = arith.constant 0 : index
    %get3A_3 = arith.constant 0 : index
    %get3A_4 = vector.load %arg1[%get3A_2, %get3A_3] : memref<256x8xf32, #tpu.memory_space<vmem>>, vector<256x8xf32>
    %dot_general3A = arith.constant dense<0.000000e+00> : vector<512x8xf32>
    %dot_general3A_5 = tpu.matmul %get3A_1, %get3A_4, %dot_general3A {dimension_numbers = #tpu.dot_dimension_numbers<[1], [0], [0], [1], [0, 0, 1, 1], [], []>, transpose_lhs_hint = false} : vector<512x256xf32>, vector<256x8xf32>, vector<512x8xf32> -> vector<512x8xf32>
    %get3A_6 = arith.constant 0 : index
    %get3A_7 = arith.constant 0 : index
    %get3A_8 = vector.load %arg4[%get3A_6, %get3A_7] : memref<1x8xf32, #tpu.memory_space<vmem>>, vector<1x8xf32>
    %add3A = vector.broadcast %get3A_8 : vector<1x8xf32> to vector<512x8xf32>
    %add3A_9 = arith.addf %dot_general3A_5, %add3A : vector<512x8xf32>
    %swap3A = arith.constant 0 : index
    %swap3A_10 = arith.constant 0 : index
    %swap3A_11 = vector.load %arg7[%swap3A, %swap3A_10] : memref<512x8xf32, #tpu.memory_space<vmem>>, vector<512x8xf32>
    tpu.vector_store %arg7[%swap3A, %swap3A_10], %add3A_9 {strides = array<i32>} : memref<512x8xf32, #tpu.memory_space<vmem>>, vector<512x8xf32>,
    %get3A_12 = arith.constant 0 : index
    %get3A_13 = arith.constant 0 : index
    %get3A_14 = vector.load %arg2[%get3A_12, %get3A_13] : memref<256x8xf32, #tpu.memory_space<vmem>>, vector<256x8xf32>
    %dot_general3A_15 = arith.constant dense<0.000000e+00> : vector<8x512xf32>
    %dot_general3A_16 = tpu.matmul %get3A_14, %get3A_1, %dot_general3A_15 {dimension_numbers = #tpu.dot_dimension_numbers<[0], [1], [1], [0], [0, 1, 1, 0], [], []>, transpose_lhs_hint = false} : vector<256x8xf32>, vector<512x256xf32>, vector<8x512xf32> -> vector<8x512xf32>
    %swap3A_17 = arith.constant 0 : index
    %swap3A_18 = arith.constant 0 : index
    %swap3A_19 = vector.load %arg8[%swap3A_17, %swap3A_18] : memref<8x512xf32, #tpu.memory_space<vmem>>, vector<8x512xf32>
    tpu.vector_store %arg8[%swap3A_17, %swap3A_18], %dot_general3A_16 {strides = array<i32>} : memref<8x512xf32, #tpu.memory_space<vmem>>, vector<8x512xf32>,
    %reduce_sum3A = arith.constant dense<0.000000e+00> : vector<256xf32>
    %reduce_sum3A_20 = vector.multi_reduction <add>, %get3A_1, %reduce_sum3A [0] : vector<512x256xf32> to vector<256xf32>
    %broadcast_in_dim3A = vector.shape_cast %reduce_sum3A_20 : vector<256xf32> to vector<1x256xf32>
    %div3A = arith.constant 5.120000e+02 : f32
    %div3A_21 = vector.broadcast %div3A : f32 to vector<1x256xf32>
    %div3A_22 = arith.divf %broadcast_in_dim3A, %div3A_21 : vector<1x256xf32>
    %get3A_23 = arith.constant 0 : index
    %get3A_24 = arith.constant 0 : index
    %get3A_25 = vector.load %arg3[%get3A_23, %get3A_24] : memref<256x1xf32, #tpu.memory_space<vmem>>, vector<256x1xf32>
    %dot_general3A_26 = arith.constant dense<0.000000e+00> : vector<1x1xf32>
    %dot_general3A_27 = tpu.matmul %div3A_22, %get3A_25, %dot_general3A_26 {dimension_numbers = #tpu.dot_dimension_numbers<[1], [0], [0], [1], [0, 0, 1, 1], [], []>, transpose_lhs_hint = false} : vector<1x256xf32>, vector<256x1xf32>, vector<1x1xf32> -> vector<1x1xf32>
    %get3A_28 = arith.constant 0 : index
    %get3A_29 = arith.constant 0 : index
    %get3A_30 = vector.load %arg5[%get3A_28, %get3A_29] : memref<1x1xf32, #tpu.memory_space<vmem>>, vector<1x1xf32>
    %add3A_31 = arith.addf %dot_general3A_27, %get3A_30 : vector<1x1xf32>
    %get3A_32 = arith.constant 0 : index
    %get3A_33 = arith.constant 0 : index
    %get3A_34 = vector.load %arg6[%get3A_32, %get3A_33] : memref<1x1xi32, #tpu.memory_space<vmem>>, vector<1x1xi32>
    %get3A_35 = vector.extract %get3A_34[0, 0] : i32 from vector<1x1xi32>
    %gt3A = arith.constant 0 : i32
    %gt3A_36 = arith.cmpi sgt, %get3A_35, %gt3A : i32
    %jit3A = arith.constant 0xFF800000 : f32
    %broadcast_in_dim3A_37 = vector.broadcast %jit3A : f32 to vector<1x1xf32>
    %select_n3A = arith.select %gt3A_36, %add3A_31, %broadcast_in_dim3A_37 : vector<1x1xf32>
    %swap3A_38 = arith.constant 0 : index
    %swap3A_39 = arith.constant 0 : index
    %swap3A_40 = vector.load %arg9[%swap3A_38, %swap3A_39] : memref<1x1xf32, #tpu.memory_space<vmem>>, vector<1x1xf32>
    tpu.vector_store %arg9[%swap3A_38, %swap3A_39], %select_n3A {strides = array<i32>} : memref<1x1xf32, #tpu.memory_space<vmem>>, vector<1x1xf32>,
    return
  }
}

module attributes {stable_mosaic.version = 14 : i64} {
  func.func @_table_body(%arg0: i32, %arg1: memref<32x512x128xf32, #tpu.memory_space<vmem>>, %arg2: memref<128x8xf32, #tpu.memory_space<vmem>>, %arg3: memref<32x8xf32, #tpu.memory_space<vmem>>, %arg4: memref<8x512xf32, #tpu.memory_space<vmem>>, %arg5: memref<16384x32xf32, #tpu.memory_space<vmem>>, %arg6: memref<128x8x128xf32, #tpu.memory_space<vmem>>) attributes {dimension_semantics = [#tpu.dimension_semantics<arbitrary>], iteration_bounds = array<i64: 16>, scalar_prefetch = 0 : i64, scratch_operands = 0 : i64, tpu.core_type = #tpu.core_type<tc>, window_params = [{transform_indices = @transform_0, window_bounds = array<i64: 32, 512, 128>}, {pipeline_mode = #tpu.pipeline_mode<synchronous>, transform_indices = @transform_1, window_bounds = array<i64: 128, 8>}, {transform_indices = @transform_2, window_bounds = array<i64: 32, 8>}, {pipeline_mode = #tpu.pipeline_mode<synchronous>, transform_indices = @transform_3, window_bounds = array<i64: 8, 512>}, {pipeline_mode = #tpu.pipeline_mode<synchronous>, transform_indices = @transform_4, window_bounds = array<i64: 16384, 32>}, {transform_indices = @transform_5, window_bounds = array<i64: 128, 8, 128>}]} {
    %get3A = arith.constant 0 : index
    %get3A_0 = arith.constant 0 : index
    %get3A_1 = arith.constant 0 : index
    %get3A_2 = vector.load %arg1[%get3A, %get3A_0, %get3A_1] : memref<32x512x128xf32, #tpu.memory_space<vmem>>, vector<32x512x128xf32>
    %reshape3A = vector.shape_cast %get3A_2 : vector<32x512x128xf32> to vector<16384x128xf32>
    %get3A_3 = arith.constant 0 : index
    %get3A_4 = arith.constant 0 : index
    %get3A_5 = vector.load %arg2[%get3A_3, %get3A_4] : memref<128x8xf32, #tpu.memory_space<vmem>>, vector<128x8xf32>
    %dot_general3A = arith.constant dense<0.000000e+00> : vector<8x16384xf32>
    %dot_general3A_6 = tpu.matmul %get3A_5, %reshape3A, %dot_general3A {dimension_numbers = #tpu.dot_dimension_numbers<[0], [1], [1], [0], [0, 1, 1, 0], [], []>, transpose_lhs_hint = false} : vector<128x8xf32>, vector<16384x128xf32>, vector<8x16384xf32> -> vector<8x16384xf32>
    %get3A_7 = arith.constant 0 : index
    %get3A_8 = arith.constant 0 : index
    %get3A_9 = vector.load %arg3[%get3A_7, %get3A_8] : memref<32x8xf32, #tpu.memory_space<vmem>>, vector<32x8xf32>
    %get3A_10 = arith.constant 0 : index
    %get3A_11 = arith.constant 0 : index
    %get3A_12 = vector.load %arg5[%get3A_10, %get3A_11] : memref<16384x32xf32, #tpu.memory_space<vmem>>, vector<16384x32xf32>
    %dot_general3A_13 = arith.constant dense<0.000000e+00> : vector<8x16384xf32>
    %dot_general3A_14 = tpu.matmul %get3A_9, %get3A_12, %dot_general3A_13 {dimension_numbers = #tpu.dot_dimension_numbers<[0], [1], [1], [0], [0, 1, 1, 0], [], []>, transpose_lhs_hint = false} : vector<32x8xf32>, vector<16384x32xf32>, vector<8x16384xf32> -> vector<8x16384xf32>
    %get3A_15 = arith.constant 0 : index
    %get3A_16 = arith.constant 0 : index
    %get3A_17 = vector.load %arg4[%get3A_15, %get3A_16] : memref<8x512xf32, #tpu.memory_space<vmem>>, vector<8x512xf32>
    %concatenate3A = tpu.concatenate %get3A_17, %get3A_17, %get3A_17, %get3A_17, %get3A_17, %get3A_17, %get3A_17, %get3A_17, %get3A_17, %get3A_17, %get3A_17, %get3A_17, %get3A_17, %get3A_17, %get3A_17, %get3A_17, %get3A_17, %get3A_17, %get3A_17, %get3A_17, %get3A_17, %get3A_17, %get3A_17, %get3A_17, %get3A_17, %get3A_17, %get3A_17, %get3A_17, %get3A_17, %get3A_17, %get3A_17, %get3A_17 in 1 : vector<8x512xf32>, vector<8x512xf32>, vector<8x512xf32>, vector<8x512xf32>, vector<8x512xf32>, vector<8x512xf32>, vector<8x512xf32>, vector<8x512xf32>, vector<8x512xf32>, vector<8x512xf32>, vector<8x512xf32>, vector<8x512xf32>, vector<8x512xf32>, vector<8x512xf32>, vector<8x512xf32>, vector<8x512xf32>, vector<8x512xf32>, vector<8x512xf32>, vector<8x512xf32>, vector<8x512xf32>, vector<8x512xf32>, vector<8x512xf32>, vector<8x512xf32>, vector<8x512xf32>, vector<8x512xf32>, vector<8x512xf32>, vector<8x512xf32>, vector<8x512xf32>, vector<8x512xf32>, vector<8x512xf32>, vector<8x512xf32>, vector<8x512xf32> -> vector<8x16384xf32>
    %add3A = arith.addf %dot_general3A_6, %dot_general3A_14 : vector<8x16384xf32>
    %add3A_18 = arith.addf %add3A, %concatenate3A : vector<8x16384xf32>
    %slice3A = vector.extract_strided_slice %add3A_18 {offsets = [0, 0], sizes = [8, 128], strides = [1, 1]} : vector<8x16384xf32> to vector<8x128xf32>
    %swap3A = arith.constant 0 : index
    %swap3A_19 = arith.constant 0 : index
    %swap3A_20 = arith.constant 0 : index
    %swap3A_21 = vector.load %arg6[%swap3A, %swap3A_19, %swap3A_20] : memref<128x8x128xf32, #tpu.memory_space<vmem>>, vector<1x8x128xf32>
    %swap3A_22 = vector.shape_cast %swap3A_21 : vector<1x8x128xf32> to vector<8x128xf32>
    %swap3A_23 = vector.shape_cast %slice3A : vector<8x128xf32> to vector<1x8x128xf32>
    tpu.vector_store %arg6[%swap3A, %swap3A_19, %swap3A_20], %swap3A_23 {strides = array<i32>} : memref<128x8x128xf32, #tpu.memory_space<vmem>>, vector<1x8x128xf32>,
    %slice3A_24 = vector.extract_strided_slice %add3A_18 {offsets = [0, 128], sizes = [8, 128], strides = [1, 1]} : vector<8x16384xf32> to vector<8x128xf32>
    %swap3A_25 = arith.constant 1 : index
    %swap3A_26 = arith.constant 0 : index
    %swap3A_27 = arith.constant 0 : index
    %swap3A_28 = vector.load %arg6[%swap3A_25, %swap3A_26, %swap3A_27] : memref<128x8x128xf32, #tpu.memory_space<vmem>>, vector<1x8x128xf32>
    %swap3A_29 = vector.shape_cast %swap3A_28 : vector<1x8x128xf32> to vector<8x128xf32>
    %swap3A_30 = vector.shape_cast %slice3A_24 : vector<8x128xf32> to vector<1x8x128xf32>
    tpu.vector_store %arg6[%swap3A_25, %swap3A_26, %swap3A_27], %swap3A_30 {strides = array<i32>} : memref<128x8x128xf32, #tpu.memory_space<vmem>>, vector<1x8x128xf32>,
    %slice3A_31 = vector.extract_strided_slice %add3A_18 {offsets = [0, 256], sizes = [8, 128], strides = [1, 1]} : vector<8x16384xf32> to vector<8x128xf32>
    %swap3A_32 = arith.constant 2 : index
    %swap3A_33 = arith.constant 0 : index
    %swap3A_34 = arith.constant 0 : index
    %swap3A_35 = vector.load %arg6[%swap3A_32, %swap3A_33, %swap3A_34] : memref<128x8x128xf32, #tpu.memory_space<vmem>>, vector<1x8x128xf32>
    %swap3A_36 = vector.shape_cast %swap3A_35 : vector<1x8x128xf32> to vector<8x128xf32>
    %swap3A_37 = vector.shape_cast %slice3A_31 : vector<8x128xf32> to vector<1x8x128xf32>
    tpu.vector_store %arg6[%swap3A_32, %swap3A_33, %swap3A_34], %swap3A_37 {strides = array<i32>} : memref<128x8x128xf32, #tpu.memory_space<vmem>>, vector<1x8x128xf32>,
    %slice3A_38 = vector.extract_strided_slice %add3A_18 {offsets = [0, 384], sizes = [8, 128], strides = [1, 1]} : vector<8x16384xf32> to vector<8x128xf32>
    %swap3A_39 = arith.constant 3 : index
    %swap3A_40 = arith.constant 0 : index
    %swap3A_41 = arith.constant 0 : index
    %swap3A_42 = vector.load %arg6[%swap3A_39, %swap3A_40, %swap3A_41] : memref<128x8x128xf32, #tpu.memory_space<vmem>>, vector<1x8x128xf32>
    %swap3A_43 = vector.shape_cast %swap3A_42 : vector<1x8x128xf32> to vector<8x128xf32>
    %swap3A_44 = vector.shape_cast %slice3A_38 : vector<8x128xf32> to vector<1x8x128xf32>
    tpu.vector_store %arg6[%swap3A_39, %swap3A_40, %swap3A_41], %swap3A_44 {strides = array<i32>} : memref<128x8x128xf32, #tpu.memory_space<vmem>>, vector<1x8x128xf32>,
    %slice3A_45 = vector.extract_strided_slice %add3A_18 {offsets = [0, 512], sizes = [8, 128], strides = [1, 1]} : vector<8x16384xf32> to vector<8x128xf32>
    %swap3A_46 = arith.constant 4 : index
    %swap3A_47 = arith.constant 0 : index
    %swap3A_48 = arith.constant 0 : index
    %swap3A_49 = vector.load %arg6[%swap3A_46, %swap3A_47, %swap3A_48] : memref<128x8x128xf32, #tpu.memory_space<vmem>>, vector<1x8x128xf32>
    %swap3A_50 = vector.shape_cast %swap3A_49 : vector<1x8x128xf32> to vector<8x128xf32>
    %swap3A_51 = vector.shape_cast %slice3A_45 : vector<8x128xf32> to vector<1x8x128xf32>
    tpu.vector_store %arg6[%swap3A_46, %swap3A_47, %swap3A_48], %swap3A_51 {strides = array<i32>} : memref<128x8x128xf32, #tpu.memory_space<vmem>>, vector<1x8x128xf32>,
    %slice3A_52 = vector.extract_strided_slice %add3A_18 {offsets = [0, 640], sizes = [8, 128], strides = [1, 1]} : vector<8x16384xf32> to vector<8x128xf32>
    %swap3A_53 = arith.constant 5 : index
    %swap3A_54 = arith.constant 0 : index
    %swap3A_55 = arith.constant 0 : index
    %swap3A_56 = vector.load %arg6[%swap3A_53, %swap3A_54, %swap3A_55] : memref<128x8x128xf32, #tpu.memory_space<vmem>>, vector<1x8x128xf32>
    %swap3A_57 = vector.shape_cast %swap3A_56 : vector<1x8x128xf32> to vector<8x128xf32>
    %swap3A_58 = vector.shape_cast %slice3A_52 : vector<8x128xf32> to vector<1x8x128xf32>
    tpu.vector_store %arg6[%swap3A_53, %swap3A_54, %swap3A_55], %swap3A_58 {strides = array<i32>} : memref<128x8x128xf32, #tpu.memory_space<vmem>>, vector<1x8x128xf32>,
    %slice3A_59 = vector.extract_strided_slice %add3A_18 {offsets = [0, 768], sizes = [8, 128], strides = [1, 1]} : vector<8x16384xf32> to vector<8x128xf32>
    %swap3A_60 = arith.constant 6 : index
    %swap3A_61 = arith.constant 0 : index
    %swap3A_62 = arith.constant 0 : index
    %swap3A_63 = vector.load %arg6[%swap3A_60, %swap3A_61, %swap3A_62] : memref<128x8x128xf32, #tpu.memory_space<vmem>>, vector<1x8x128xf32>
    %swap3A_64 = vector.shape_cast %swap3A_63 : vector<1x8x128xf32> to vector<8x128xf32>
    %swap3A_65 = vector.shape_cast %slice3A_59 : vector<8x128xf32> to vector<1x8x128xf32>
    tpu.vector_store %arg6[%swap3A_60, %swap3A_61, %swap3A_62], %swap3A_65 {strides = array<i32>} : memref<128x8x128xf32, #tpu.memory_space<vmem>>, vector<1x8x128xf32>,
    %slice3A_66 = vector.extract_strided_slice %add3A_18 {offsets = [0, 896], sizes = [8, 128], strides = [1, 1]} : vector<8x16384xf32> to vector<8x128xf32>
    %swap3A_67 = arith.constant 7 : index
    %swap3A_68 = arith.constant 0 : index
    %swap3A_69 = arith.constant 0 : index
    %swap3A_70 = vector.load %arg6[%swap3A_67, %swap3A_68, %swap3A_69] : memref<128x8x128xf32, #tpu.memory_space<vmem>>, vector<1x8x128xf32>
    %swap3A_71 = vector.shape_cast %swap3A_70 : vector<1x8x128xf32> to vector<8x128xf32>
    %swap3A_72 = vector.shape_cast %slice3A_66 : vector<8x128xf32> to vector<1x8x128xf32>
    tpu.vector_store %arg6[%swap3A_67, %swap3A_68, %swap3A_69], %swap3A_72 {strides = array<i32>} : memref<128x8x128xf32, #tpu.memory_space<vmem>>, vector<1x8x128xf32>,
    %slice3A_73 = vector.extract_strided_slice %add3A_18 {offsets = [0, 1024], sizes = [8, 128], strides = [1, 1]} : vector<8x16384xf32> to vector<8x128xf32>
    %swap3A_74 = arith.constant 8 : index
    %swap3A_75 = arith.constant 0 : index
    %swap3A_76 = arith.constant 0 : index
    %swap3A_77 = vector.load %arg6[%swap3A_74, %swap3A_75, %swap3A_76] : memref<128x8x128xf32, #tpu.memory_space<vmem>>, vector<1x8x128xf32>
    %swap3A_78 = vector.shape_cast %swap3A_77 : vector<1x8x128xf32> to vector<8x128xf32>
    %swap3A_79 = vector.shape_cast %slice3A_73 : vector<8x128xf32> to vector<1x8x128xf32>
    tpu.vector_store %arg6[%swap3A_74, %swap3A_75, %swap3A_76], %swap3A_79 {strides = array<i32>} : memref<128x8x128xf32, #tpu.memory_space<vmem>>, vector<1x8x128xf32>,
    %slice3A_80 = vector.extract_strided_slice %add3A_18 {offsets = [0, 1152], sizes = [8, 128], strides = [1, 1]} : vector<8x16384xf32> to vector<8x128xf32>
    %swap3A_81 = arith.constant 9 : index
    %swap3A_82 = arith.constant 0 : index
    %swap3A_83 = arith.constant 0 : index
    %swap3A_84 = vector.load %arg6[%swap3A_81, %swap3A_82, %swap3A_83] : memref<128x8x128xf32, #tpu.memory_space<vmem>>, vector<1x8x128xf32>
    %swap3A_85 = vector.shape_cast %swap3A_84 : vector<1x8x128xf32> to vector<8x128xf32>
    %swap3A_86 = vector.shape_cast %slice3A_80 : vector<8x128xf32> to vector<1x8x128xf32>
    tpu.vector_store %arg6[%swap3A_81, %swap3A_82, %swap3A_83], %swap3A_86 {strides = array<i32>} : memref<128x8x128xf32, #tpu.memory_space<vmem>>, vector<1x8x128xf32>,
    %slice3A_87 = vector.extract_strided_slice %add3A_18 {offsets = [0, 1280], sizes = [8, 128], strides = [1, 1]} : vector<8x16384xf32> to vector<8x128xf32>
    %swap3A_88 = arith.constant 10 : index
    %swap3A_89 = arith.constant 0 : index
    %swap3A_90 = arith.constant 0 : index
    %swap3A_91 = vector.load %arg6[%swap3A_88, %swap3A_89, %swap3A_90] : memref<128x8x128xf32, #tpu.memory_space<vmem>>, vector<1x8x128xf32>
    %swap3A_92 = vector.shape_cast %swap3A_91 : vector<1x8x128xf32> to vector<8x128xf32>
    %swap3A_93 = vector.shape_cast %slice3A_87 : vector<8x128xf32> to vector<1x8x128xf32>
    tpu.vector_store %arg6[%swap3A_88, %swap3A_89, %swap3A_90], %swap3A_93 {strides = array<i32>} : memref<128x8x128xf32, #tpu.memory_space<vmem>>, vector<1x8x128xf32>,
    %slice3A_94 = vector.extract_strided_slice %add3A_18 {offsets = [0, 1408], sizes = [8, 128], strides = [1, 1]} : vector<8x16384xf32> to vector<8x128xf32>
    %swap3A_95 = arith.constant 11 : index
    %swap3A_96 = arith.constant 0 : index
    %swap3A_97 = arith.constant 0 : index
    %swap3A_98 = vector.load %arg6[%swap3A_95, %swap3A_96, %swap3A_97] : memref<128x8x128xf32, #tpu.memory_space<vmem>>, vector<1x8x128xf32>
    %swap3A_99 = vector.shape_cast %swap3A_98 : vector<1x8x128xf32> to vector<8x128xf32>
    %swap3A_100 = vector.shape_cast %slice3A_94 : vector<8x128xf32> to vector<1x8x128xf32>
    tpu.vector_store %arg6[%swap3A_95, %swap3A_96, %swap3A_97], %swap3A_100 {strides = array<i32>} : memref<128x8x128xf32, #tpu.memory_space<vmem>>, vector<1x8x128xf32>,
    %slice3A_101 = vector.extract_strided_slice %add3A_18 {offsets = [0, 1536], sizes = [8, 128], strides = [1, 1]} : vector<8x16384xf32> to vector<8x128xf32>
    %swap3A_102 = arith.constant 12 : index
    %swap3A_103 = arith.constant 0 : index
    %swap3A_104 = arith.constant 0 : index
    %swap3A_105 = vector.load %arg6[%swap3A_102, %swap3A_103, %swap3A_104] : memref<128x8x128xf32, #tpu.memory_space<vmem>>, vector<1x8x128xf32>
    %swap3A_106 = vector.shape_cast %swap3A_105 : vector<1x8x128xf32> to vector<8x128xf32>
    %swap3A_107 = vector.shape_cast %slice3A_101 : vector<8x128xf32> to vector<1x8x128xf32>
    tpu.vector_store %arg6[%swap3A_102, %swap3A_103, %swap3A_104], %swap3A_107 {strides = array<i32>} : memref<128x8x128xf32, #tpu.memory_space<vmem>>, vector<1x8x128xf32>,
    %slice3A_108 = vector.extract_strided_slice %add3A_18 {offsets = [0, 1664], sizes = [8, 128], strides = [1, 1]} : vector<8x16384xf32> to vector<8x128xf32>
    %swap3A_109 = arith.constant 13 : index
    %swap3A_110 = arith.constant 0 : index
    %swap3A_111 = arith.constant 0 : index
    %swap3A_112 = vector.load %arg6[%swap3A_109, %swap3A_110, %swap3A_111] : memref<128x8x128xf32, #tpu.memory_space<vmem>>, vector<1x8x128xf32>
    %swap3A_113 = vector.shape_cast %swap3A_112 : vector<1x8x128xf32> to vector<8x128xf32>
    %swap3A_114 = vector.shape_cast %slice3A_108 : vector<8x128xf32> to vector<1x8x128xf32>
    tpu.vector_store %arg6[%swap3A_109, %swap3A_110, %swap3A_111], %swap3A_114 {strides = array<i32>} : memref<128x8x128xf32, #tpu.memory_space<vmem>>, vector<1x8x128xf32>,
    %slice3A_115 = vector.extract_strided_slice %add3A_18 {offsets = [0, 1792], sizes = [8, 128], strides = [1, 1]} : vector<8x16384xf32> to vector<8x128xf32>
    %swap3A_116 = arith.constant 14 : index
    %swap3A_117 = arith.constant 0 : index
    %swap3A_118 = arith.constant 0 : index
    %swap3A_119 = vector.load %arg6[%swap3A_116, %swap3A_117, %swap3A_118] : memref<128x8x128xf32, #tpu.memory_space<vmem>>, vector<1x8x128xf32>
    %swap3A_120 = vector.shape_cast %swap3A_119 : vector<1x8x128xf32> to vector<8x128xf32>
    %swap3A_121 = vector.shape_cast %slice3A_115 : vector<8x128xf32> to vector<1x8x128xf32>
    tpu.vector_store %arg6[%swap3A_116, %swap3A_117, %swap3A_118], %swap3A_121 {strides = array<i32>} : memref<128x8x128xf32, #tpu.memory_space<vmem>>, vector<1x8x128xf32>,
    %slice3A_122 = vector.extract_strided_slice %add3A_18 {offsets = [0, 1920], sizes = [8, 128], strides = [1, 1]} : vector<8x16384xf32> to vector<8x128xf32>
    %swap3A_123 = arith.constant 15 : index
    %swap3A_124 = arith.constant 0 : index
    %swap3A_125 = arith.constant 0 : index
    %swap3A_126 = vector.load %arg6[%swap3A_123, %swap3A_124, %swap3A_125] : memref<128x8x128xf32, #tpu.memory_space<vmem>>, vector<1x8x128xf32>
    %swap3A_127 = vector.shape_cast %swap3A_126 : vector<1x8x128xf32> to vector<8x128xf32>
    %swap3A_128 = vector.shape_cast %slice3A_122 : vector<8x128xf32> to vector<1x8x128xf32>
    tpu.vector_store %arg6[%swap3A_123, %swap3A_124, %swap3A_125], %swap3A_128 {strides = array<i32>} : memref<128x8x128xf32, #tpu.memory_space<vmem>>, vector<1x8x128xf32>,
    %slice3A_129 = vector.extract_strided_slice %add3A_18 {offsets = [0, 2048], sizes = [8, 128], strides = [1, 1]} : vector<8x16384xf32> to vector<8x128xf32>
    %swap3A_130 = arith.constant 16 : index
    %swap3A_131 = arith.constant 0 : index
    %swap3A_132 = arith.constant 0 : index
    %swap3A_133 = vector.load %arg6[%swap3A_130, %swap3A_131, %swap3A_132] : memref<128x8x128xf32, #tpu.memory_space<vmem>>, vector<1x8x128xf32>
    %swap3A_134 = vector.shape_cast %swap3A_133 : vector<1x8x128xf32> to vector<8x128xf32>
    %swap3A_135 = vector.shape_cast %slice3A_129 : vector<8x128xf32> to vector<1x8x128xf32>
    tpu.vector_store %arg6[%swap3A_130, %swap3A_131, %swap3A_132], %swap3A_135 {strides = array<i32>} : memref<128x8x128xf32, #tpu.memory_space<vmem>>, vector<1x8x128xf32>,
    %slice3A_136 = vector.extract_strided_slice %add3A_18 {offsets = [0, 2176], sizes = [8, 128], strides = [1, 1]} : vector<8x16384xf32> to vector<8x128xf32>
    %swap3A_137 = arith.constant 17 : index
    %swap3A_138 = arith.constant 0 : index
    %swap3A_139 = arith.constant 0 : index
    %swap3A_140 = vector.load %arg6[%swap3A_137, %swap3A_138, %swap3A_139] : memref<128x8x128xf32, #tpu.memory_space<vmem>>, vector<1x8x128xf32>
    %swap3A_141 = vector.shape_cast %swap3A_140 : vector<1x8x128xf32> to vector<8x128xf32>
    %swap3A_142 = vector.shape_cast %slice3A_136 : vector<8x128xf32> to vector<1x8x128xf32>
    tpu.vector_store %arg6[%swap3A_137, %swap3A_138, %swap3A_139], %swap3A_142 {strides = array<i32>} : memref<128x8x128xf32, #tpu.memory_space<vmem>>, vector<1x8x128xf32>,
    %slice3A_143 = vector.extract_strided_slice %add3A_18 {offsets = [0, 2304], sizes = [8, 128], strides = [1, 1]} : vector<8x16384xf32> to vector<8x128xf32>
    %swap3A_144 = arith.constant 18 : index
    %swap3A_145 = arith.constant 0 : index
    %swap3A_146 = arith.constant 0 : index
    %swap3A_147 = vector.load %arg6[%swap3A_144, %swap3A_145, %swap3A_146] : memref<128x8x128xf32, #tpu.memory_space<vmem>>, vector<1x8x128xf32>
    %swap3A_148 = vector.shape_cast %swap3A_147 : vector<1x8x128xf32> to vector<8x128xf32>
    %swap3A_149 = vector.shape_cast %slice3A_143 : vector<8x128xf32> to vector<1x8x128xf32>
    tpu.vector_store %arg6[%swap3A_144, %swap3A_145, %swap3A_146], %swap3A_149 {strides = array<i32>} : memref<128x8x128xf32, #tpu.memory_space<vmem>>, vector<1x8x128xf32>,
    %slice3A_150 = vector.extract_strided_slice %add3A_18 {offsets = [0, 2432], sizes = [8, 128], strides = [1, 1]} : vector<8x16384xf32> to vector<8x128xf32>
    %swap3A_151 = arith.constant 19 : index
    %swap3A_152 = arith.constant 0 : index
    %swap3A_153 = arith.constant 0 : index
    %swap3A_154 = vector.load %arg6[%swap3A_151, %swap3A_152, %swap3A_153] : memref<128x8x128xf32, #tpu.memory_space<vmem>>, vector<1x8x128xf32>
    %swap3A_155 = vector.shape_cast %swap3A_154 : vector<1x8x128xf32> to vector<8x128xf32>
    %swap3A_156 = vector.shape_cast %slice3A_150 : vector<8x128xf32> to vector<1x8x128xf32>
    tpu.vector_store %arg6[%swap3A_151, %swap3A_152, %swap3A_153], %swap3A_156 {strides = array<i32>} : memref<128x8x128xf32, #tpu.memory_space<vmem>>, vector<1x8x128xf32>,
    %slice3A_157 = vector.extract_strided_slice %add3A_18 {offsets = [0, 2560], sizes = [8, 128], strides = [1, 1]} : vector<8x16384xf32> to vector<8x128xf32>
    %swap3A_158 = arith.constant 20 : index
    %swap3A_159 = arith.constant 0 : index
    %swap3A_160 = arith.constant 0 : index
    %swap3A_161 = vector.load %arg6[%swap3A_158, %swap3A_159, %swap3A_160] : memref<128x8x128xf32, #tpu.memory_space<vmem>>, vector<1x8x128xf32>
    %swap3A_162 = vector.shape_cast %swap3A_161 : vector<1x8x128xf32> to vector<8x128xf32>
    %swap3A_163 = vector.shape_cast %slice3A_157 : vector<8x128xf32> to vector<1x8x128xf32>
    tpu.vector_store %arg6[%swap3A_158, %swap3A_159, %swap3A_160], %swap3A_163 {strides = array<i32>} : memref<128x8x128xf32, #tpu.memory_space<vmem>>, vector<1x8x128xf32>,
    %slice3A_164 = vector.extract_strided_slice %add3A_18 {offsets = [0, 2688], sizes = [8, 128], strides = [1, 1]} : vector<8x16384xf32> to vector<8x128xf32>
    %swap3A_165 = arith.constant 21 : index
    %swap3A_166 = arith.constant 0 : index
    %swap3A_167 = arith.constant 0 : index
    %swap3A_168 = vector.load %arg6[%swap3A_165, %swap3A_166, %swap3A_167] : memref<128x8x128xf32, #tpu.memory_space<vmem>>, vector<1x8x128xf32>
    %swap3A_169 = vector.shape_cast %swap3A_168 : vector<1x8x128xf32> to vector<8x128xf32>
    %swap3A_170 = vector.shape_cast %slice3A_164 : vector<8x128xf32> to vector<1x8x128xf32>
    tpu.vector_store %arg6[%swap3A_165, %swap3A_166, %swap3A_167], %swap3A_170 {strides = array<i32>} : memref<128x8x128xf32, #tpu.memory_space<vmem>>, vector<1x8x128xf32>,
    %slice3A_171 = vector.extract_strided_slice %add3A_18 {offsets = [0, 2816], sizes = [8, 128], strides = [1, 1]} : vector<8x16384xf32> to vector<8x128xf32>
    %swap3A_172 = arith.constant 22 : index
    %swap3A_173 = arith.constant 0 : index
    %swap3A_174 = arith.constant 0 : index
    %swap3A_175 = vector.load %arg6[%swap3A_172, %swap3A_173, %swap3A_174] : memref<128x8x128xf32, #tpu.memory_space<vmem>>, vector<1x8x128xf32>
    %swap3A_176 = vector.shape_cast %swap3A_175 : vector<1x8x128xf32> to vector<8x128xf32>
    %swap3A_177 = vector.shape_cast %slice3A_171 : vector<8x128xf32> to vector<1x8x128xf32>
    tpu.vector_store %arg6[%swap3A_172, %swap3A_173, %swap3A_174], %swap3A_177 {strides = array<i32>} : memref<128x8x128xf32, #tpu.memory_space<vmem>>, vector<1x8x128xf32>,
    %slice3A_178 = vector.extract_strided_slice %add3A_18 {offsets = [0, 2944], sizes = [8, 128], strides = [1, 1]} : vector<8x16384xf32> to vector<8x128xf32>
    %swap3A_179 = arith.constant 23 : index
    %swap3A_180 = arith.constant 0 : index
    %swap3A_181 = arith.constant 0 : index
    %swap3A_182 = vector.load %arg6[%swap3A_179, %swap3A_180, %swap3A_181] : memref<128x8x128xf32, #tpu.memory_space<vmem>>, vector<1x8x128xf32>
    %swap3A_183 = vector.shape_cast %swap3A_182 : vector<1x8x128xf32> to vector<8x128xf32>
    %swap3A_184 = vector.shape_cast %slice3A_178 : vector<8x128xf32> to vector<1x8x128xf32>
    tpu.vector_store %arg6[%swap3A_179, %swap3A_180, %swap3A_181], %swap3A_184 {strides = array<i32>} : memref<128x8x128xf32, #tpu.memory_space<vmem>>, vector<1x8x128xf32>,
    %slice3A_185 = vector.extract_strided_slice %add3A_18 {offsets = [0, 3072], sizes = [8, 128], strides = [1, 1]} : vector<8x16384xf32> to vector<8x128xf32>
    %swap3A_186 = arith.constant 24 : index
    %swap3A_187 = arith.constant 0 : index
    %swap3A_188 = arith.constant 0 : index
    %swap3A_189 = vector.load %arg6[%swap3A_186, %swap3A_187, %swap3A_188] : memref<128x8x128xf32, #tpu.memory_space<vmem>>, vector<1x8x128xf32>
    %swap3A_190 = vector.shape_cast %swap3A_189 : vector<1x8x128xf32> to vector<8x128xf32>
    %swap3A_191 = vector.shape_cast %slice3A_185 : vector<8x128xf32> to vector<1x8x128xf32>
    tpu.vector_store %arg6[%swap3A_186, %swap3A_187, %swap3A_188], %swap3A_191 {strides = array<i32>} : memref<128x8x128xf32, #tpu.memory_space<vmem>>, vector<1x8x128xf32>,
    %slice3A_192 = vector.extract_strided_slice %add3A_18 {offsets = [0, 3200], sizes = [8, 128], strides = [1, 1]} : vector<8x16384xf32> to vector<8x128xf32>
    %swap3A_193 = arith.constant 25 : index
    %swap3A_194 = arith.constant 0 : index
    %swap3A_195 = arith.constant 0 : index
    %swap3A_196 = vector.load %arg6[%swap3A_193, %swap3A_194, %swap3A_195] : memref<128x8x128xf32, #tpu.memory_space<vmem>>, vector<1x8x128xf32>
    %swap3A_197 = vector.shape_cast %swap3A_196 : vector<1x8x128xf32> to vector<8x128xf32>
    %swap3A_198 = vector.shape_cast %slice3A_192 : vector<8x128xf32> to vector<1x8x128xf32>
    tpu.vector_store %arg6[%swap3A_193, %swap3A_194, %swap3A_195], %swap3A_198 {strides = array<i32>} : memref<128x8x128xf32, #tpu.memory_space<vmem>>, vector<1x8x128xf32>,
    %slice3A_199 = vector.extract_strided_slice %add3A_18 {offsets = [0, 3328], sizes = [8, 128], strides = [1, 1]} : vector<8x16384xf32> to vector<8x128xf32>
    %swap3A_200 = arith.constant 26 : index
    %swap3A_201 = arith.constant 0 : index
    %swap3A_202 = arith.constant 0 : index
    %swap3A_203 = vector.load %arg6[%swap3A_200, %swap3A_201, %swap3A_202] : memref<128x8x128xf32, #tpu.memory_space<vmem>>, vector<1x8x128xf32>
    %swap3A_204 = vector.shape_cast %swap3A_203 : vector<1x8x128xf32> to vector<8x128xf32>
    %swap3A_205 = vector.shape_cast %slice3A_199 : vector<8x128xf32> to vector<1x8x128xf32>
    tpu.vector_store %arg6[%swap3A_200, %swap3A_201, %swap3A_202], %swap3A_205 {strides = array<i32>} : memref<128x8x128xf32, #tpu.memory_space<vmem>>, vector<1x8x128xf32>,
    %slice3A_206 = vector.extract_strided_slice %add3A_18 {offsets = [0, 3456], sizes = [8, 128], strides = [1, 1]} : vector<8x16384xf32> to vector<8x128xf32>
    %swap3A_207 = arith.constant 27 : index
    %swap3A_208 = arith.constant 0 : index
    %swap3A_209 = arith.constant 0 : index
    %swap3A_210 = vector.load %arg6[%swap3A_207, %swap3A_208, %swap3A_209] : memref<128x8x128xf32, #tpu.memory_space<vmem>>, vector<1x8x128xf32>
    %swap3A_211 = vector.shape_cast %swap3A_210 : vector<1x8x128xf32> to vector<8x128xf32>
    %swap3A_212 = vector.shape_cast %slice3A_206 : vector<8x128xf32> to vector<1x8x128xf32>
    tpu.vector_store %arg6[%swap3A_207, %swap3A_208, %swap3A_209], %swap3A_212 {strides = array<i32>} : memref<128x8x128xf32, #tpu.memory_space<vmem>>, vector<1x8x128xf32>,
    %slice3A_213 = vector.extract_strided_slice %add3A_18 {offsets = [0, 3584], sizes = [8, 128], strides = [1, 1]} : vector<8x16384xf32> to vector<8x128xf32>
    %swap3A_214 = arith.constant 28 : index
    %swap3A_215 = arith.constant 0 : index
    %swap3A_216 = arith.constant 0 : index
    %swap3A_217 = vector.load %arg6[%swap3A_214, %swap3A_215, %swap3A_216] : memref<128x8x128xf32, #tpu.memory_space<vmem>>, vector<1x8x128xf32>
    %swap3A_218 = vector.shape_cast %swap3A_217 : vector<1x8x128xf32> to vector<8x128xf32>
    %swap3A_219 = vector.shape_cast %slice3A_213 : vector<8x128xf32> to vector<1x8x128xf32>
    tpu.vector_store %arg6[%swap3A_214, %swap3A_215, %swap3A_216], %swap3A_219 {strides = array<i32>} : memref<128x8x128xf32, #tpu.memory_space<vmem>>, vector<1x8x128xf32>,
    %slice3A_220 = vector.extract_strided_slice %add3A_18 {offsets = [0, 3712], sizes = [8, 128], strides = [1, 1]} : vector<8x16384xf32> to vector<8x128xf32>
    %swap3A_221 = arith.constant 29 : index
    %swap3A_222 = arith.constant 0 : index
    %swap3A_223 = arith.constant 0 : index
    %swap3A_224 = vector.load %arg6[%swap3A_221, %swap3A_222, %swap3A_223] : memref<128x8x128xf32, #tpu.memory_space<vmem>>, vector<1x8x128xf32>
    %swap3A_225 = vector.shape_cast %swap3A_224 : vector<1x8x128xf32> to vector<8x128xf32>
    %swap3A_226 = vector.shape_cast %slice3A_220 : vector<8x128xf32> to vector<1x8x128xf32>
    tpu.vector_store %arg6[%swap3A_221, %swap3A_222, %swap3A_223], %swap3A_226 {strides = array<i32>} : memref<128x8x128xf32, #tpu.memory_space<vmem>>, vector<1x8x128xf32>,
    %slice3A_227 = vector.extract_strided_slice %add3A_18 {offsets = [0, 3840], sizes = [8, 128], strides = [1, 1]} : vector<8x16384xf32> to vector<8x128xf32>
    %swap3A_228 = arith.constant 30 : index
    %swap3A_229 = arith.constant 0 : index
    %swap3A_230 = arith.constant 0 : index
    %swap3A_231 = vector.load %arg6[%swap3A_228, %swap3A_229, %swap3A_230] : memref<128x8x128xf32, #tpu.memory_space<vmem>>, vector<1x8x128xf32>
    %swap3A_232 = vector.shape_cast %swap3A_231 : vector<1x8x128xf32> to vector<8x128xf32>
    %swap3A_233 = vector.shape_cast %slice3A_227 : vector<8x128xf32> to vector<1x8x128xf32>
    tpu.vector_store %arg6[%swap3A_228, %swap3A_229, %swap3A_230], %swap3A_233 {strides = array<i32>} : memref<128x8x128xf32, #tpu.memory_space<vmem>>, vector<1x8x128xf32>,
    %slice3A_234 = vector.extract_strided_slice %add3A_18 {offsets = [0, 3968], sizes = [8, 128], strides = [1, 1]} : vector<8x16384xf32> to vector<8x128xf32>
    %swap3A_235 = arith.constant 31 : index
    %swap3A_236 = arith.constant 0 : index
    %swap3A_237 = arith.constant 0 : index
    %swap3A_238 = vector.load %arg6[%swap3A_235, %swap3A_236, %swap3A_237] : memref<128x8x128xf32, #tpu.memory_space<vmem>>, vector<1x8x128xf32>
    %swap3A_239 = vector.shape_cast %swap3A_238 : vector<1x8x128xf32> to vector<8x128xf32>
    %swap3A_240 = vector.shape_cast %slice3A_234 : vector<8x128xf32> to vector<1x8x128xf32>
    tpu.vector_store %arg6[%swap3A_235, %swap3A_236, %swap3A_237], %swap3A_240 {strides = array<i32>} : memref<128x8x128xf32, #tpu.memory_space<vmem>>, vector<1x8x128xf32>,
    %slice3A_241 = vector.extract_strided_slice %add3A_18 {offsets = [0, 4096], sizes = [8, 128], strides = [1, 1]} : vector<8x16384xf32> to vector<8x128xf32>
    %swap3A_242 = arith.constant 32 : index
    %swap3A_243 = arith.constant 0 : index
    %swap3A_244 = arith.constant 0 : index
    %swap3A_245 = vector.load %arg6[%swap3A_242, %swap3A_243, %swap3A_244] : memref<128x8x128xf32, #tpu.memory_space<vmem>>, vector<1x8x128xf32>
    %swap3A_246 = vector.shape_cast %swap3A_245 : vector<1x8x128xf32> to vector<8x128xf32>
    %swap3A_247 = vector.shape_cast %slice3A_241 : vector<8x128xf32> to vector<1x8x128xf32>
    tpu.vector_store %arg6[%swap3A_242, %swap3A_243, %swap3A_244], %swap3A_247 {strides = array<i32>} : memref<128x8x128xf32, #tpu.memory_space<vmem>>, vector<1x8x128xf32>,
    %slice3A_248 = vector.extract_strided_slice %add3A_18 {offsets = [0, 4224], sizes = [8, 128], strides = [1, 1]} : vector<8x16384xf32> to vector<8x128xf32>
    %swap3A_249 = arith.constant 33 : index
    %swap3A_250 = arith.constant 0 : index
    %swap3A_251 = arith.constant 0 : index
    %swap3A_252 = vector.load %arg6[%swap3A_249, %swap3A_250, %swap3A_251] : memref<128x8x128xf32, #tpu.memory_space<vmem>>, vector<1x8x128xf32>
    %swap3A_253 = vector.shape_cast %swap3A_252 : vector<1x8x128xf32> to vector<8x128xf32>
    %swap3A_254 = vector.shape_cast %slice3A_248 : vector<8x128xf32> to vector<1x8x128xf32>
    tpu.vector_store %arg6[%swap3A_249, %swap3A_250, %swap3A_251], %swap3A_254 {strides = array<i32>} : memref<128x8x128xf32, #tpu.memory_space<vmem>>, vector<1x8x128xf32>,
    %slice3A_255 = vector.extract_strided_slice %add3A_18 {offsets = [0, 4352], sizes = [8, 128], strides = [1, 1]} : vector<8x16384xf32> to vector<8x128xf32>
    %swap3A_256 = arith.constant 34 : index
    %swap3A_257 = arith.constant 0 : index
    %swap3A_258 = arith.constant 0 : index
    %swap3A_259 = vector.load %arg6[%swap3A_256, %swap3A_257, %swap3A_258] : memref<128x8x128xf32, #tpu.memory_space<vmem>>, vector<1x8x128xf32>
    %swap3A_260 = vector.shape_cast %swap3A_259 : vector<1x8x128xf32> to vector<8x128xf32>
    %swap3A_261 = vector.shape_cast %slice3A_255 : vector<8x128xf32> to vector<1x8x128xf32>
    tpu.vector_store %arg6[%swap3A_256, %swap3A_257, %swap3A_258], %swap3A_261 {strides = array<i32>} : memref<128x8x128xf32, #tpu.memory_space<vmem>>, vector<1x8x128xf32>,
    %slice3A_262 = vector.extract_strided_slice %add3A_18 {offsets = [0, 4480], sizes = [8, 128], strides = [1, 1]} : vector<8x16384xf32> to vector<8x128xf32>
    %swap3A_263 = arith.constant 35 : index
    %swap3A_264 = arith.constant 0 : index
    %swap3A_265 = arith.constant 0 : index
    %swap3A_266 = vector.load %arg6[%swap3A_263, %swap3A_264, %swap3A_265] : memref<128x8x128xf32, #tpu.memory_space<vmem>>, vector<1x8x128xf32>
    %swap3A_267 = vector.shape_cast %swap3A_266 : vector<1x8x128xf32> to vector<8x128xf32>
    %swap3A_268 = vector.shape_cast %slice3A_262 : vector<8x128xf32> to vector<1x8x128xf32>
    tpu.vector_store %arg6[%swap3A_263, %swap3A_264, %swap3A_265], %swap3A_268 {strides = array<i32>} : memref<128x8x128xf32, #tpu.memory_space<vmem>>, vector<1x8x128xf32>,
    %slice3A_269 = vector.extract_strided_slice %add3A_18 {offsets = [0, 4608], sizes = [8, 128], strides = [1, 1]} : vector<8x16384xf32> to vector<8x128xf32>
    %swap3A_270 = arith.constant 36 : index
    %swap3A_271 = arith.constant 0 : index
    %swap3A_272 = arith.constant 0 : index
    %swap3A_273 = vector.load %arg6[%swap3A_270, %swap3A_271, %swap3A_272] : memref<128x8x128xf32, #tpu.memory_space<vmem>>, vector<1x8x128xf32>
    %swap3A_274 = vector.shape_cast %swap3A_273 : vector<1x8x128xf32> to vector<8x128xf32>
    %swap3A_275 = vector.shape_cast %slice3A_269 : vector<8x128xf32> to vector<1x8x128xf32>
    tpu.vector_store %arg6[%swap3A_270, %swap3A_271, %swap3A_272], %swap3A_275 {strides = array<i32>} : memref<128x8x128xf32, #tpu.memory_space<vmem>>, vector<1x8x128xf32>,
    %slice3A_276 = vector.extract_strided_slice %add3A_18 {offsets = [0, 4736], sizes = [8, 128], strides = [1, 1]} : vector<8x16384xf32> to vector<8x128xf32>
    %swap3A_277 = arith.constant 37 : index
    %swap3A_278 = arith.constant 0 : index
    %swap3A_279 = arith.constant 0 : index
    %swap3A_280 = vector.load %arg6[%swap3A_277, %swap3A_278, %swap3A_279] : memref<128x8x128xf32, #tpu.memory_space<vmem>>, vector<1x8x128xf32>
    %swap3A_281 = vector.shape_cast %swap3A_280 : vector<1x8x128xf32> to vector<8x128xf32>
    %swap3A_282 = vector.shape_cast %slice3A_276 : vector<8x128xf32> to vector<1x8x128xf32>
    tpu.vector_store %arg6[%swap3A_277, %swap3A_278, %swap3A_279], %swap3A_282 {strides = array<i32>} : memref<128x8x128xf32, #tpu.memory_space<vmem>>, vector<1x8x128xf32>,
    %slice3A_283 = vector.extract_strided_slice %add3A_18 {offsets = [0, 4864], sizes = [8, 128], strides = [1, 1]} : vector<8x16384xf32> to vector<8x128xf32>
    %swap3A_284 = arith.constant 38 : index
    %swap3A_285 = arith.constant 0 : index
    %swap3A_286 = arith.constant 0 : index
    %swap3A_287 = vector.load %arg6[%swap3A_284, %swap3A_285, %swap3A_286] : memref<128x8x128xf32, #tpu.memory_space<vmem>>, vector<1x8x128xf32>
    %swap3A_288 = vector.shape_cast %swap3A_287 : vector<1x8x128xf32> to vector<8x128xf32>
    %swap3A_289 = vector.shape_cast %slice3A_283 : vector<8x128xf32> to vector<1x8x128xf32>
    tpu.vector_store %arg6[%swap3A_284, %swap3A_285, %swap3A_286], %swap3A_289 {strides = array<i32>} : memref<128x8x128xf32, #tpu.memory_space<vmem>>, vector<1x8x128xf32>,
    %slice3A_290 = vector.extract_strided_slice %add3A_18 {offsets = [0, 4992], sizes = [8, 128], strides = [1, 1]} : vector<8x16384xf32> to vector<8x128xf32>
    %swap3A_291 = arith.constant 39 : index
    %swap3A_292 = arith.constant 0 : index
    %swap3A_293 = arith.constant 0 : index
    %swap3A_294 = vector.load %arg6[%swap3A_291, %swap3A_292, %swap3A_293] : memref<128x8x128xf32, #tpu.memory_space<vmem>>, vector<1x8x128xf32>
    %swap3A_295 = vector.shape_cast %swap3A_294 : vector<1x8x128xf32> to vector<8x128xf32>
    %swap3A_296 = vector.shape_cast %slice3A_290 : vector<8x128xf32> to vector<1x8x128xf32>
    tpu.vector_store %arg6[%swap3A_291, %swap3A_292, %swap3A_293], %swap3A_296 {strides = array<i32>} : memref<128x8x128xf32, #tpu.memory_space<vmem>>, vector<1x8x128xf32>,
    %slice3A_297 = vector.extract_strided_slice %add3A_18 {offsets = [0, 5120], sizes = [8, 128], strides = [1, 1]} : vector<8x16384xf32> to vector<8x128xf32>
    %swap3A_298 = arith.constant 40 : index
    %swap3A_299 = arith.constant 0 : index
    %swap3A_300 = arith.constant 0 : index
    %swap3A_301 = vector.load %arg6[%swap3A_298, %swap3A_299, %swap3A_300] : memref<128x8x128xf32, #tpu.memory_space<vmem>>, vector<1x8x128xf32>
    %swap3A_302 = vector.shape_cast %swap3A_301 : vector<1x8x128xf32> to vector<8x128xf32>
    %swap3A_303 = vector.shape_cast %slice3A_297 : vector<8x128xf32> to vector<1x8x128xf32>
    tpu.vector_store %arg6[%swap3A_298, %swap3A_299, %swap3A_300], %swap3A_303 {strides = array<i32>} : memref<128x8x128xf32, #tpu.memory_space<vmem>>, vector<1x8x128xf32>,
    %slice3A_304 = vector.extract_strided_slice %add3A_18 {offsets = [0, 5248], sizes = [8, 128], strides = [1, 1]} : vector<8x16384xf32> to vector<8x128xf32>
    %swap3A_305 = arith.constant 41 : index
    %swap3A_306 = arith.constant 0 : index
    %swap3A_307 = arith.constant 0 : index
    %swap3A_308 = vector.load %arg6[%swap3A_305, %swap3A_306, %swap3A_307] : memref<128x8x128xf32, #tpu.memory_space<vmem>>, vector<1x8x128xf32>
    %swap3A_309 = vector.shape_cast %swap3A_308 : vector<1x8x128xf32> to vector<8x128xf32>
    %swap3A_310 = vector.shape_cast %slice3A_304 : vector<8x128xf32> to vector<1x8x128xf32>
    tpu.vector_store %arg6[%swap3A_305, %swap3A_306, %swap3A_307], %swap3A_310 {strides = array<i32>} : memref<128x8x128xf32, #tpu.memory_space<vmem>>, vector<1x8x128xf32>,
    %slice3A_311 = vector.extract_strided_slice %add3A_18 {offsets = [0, 5376], sizes = [8, 128], strides = [1, 1]} : vector<8x16384xf32> to vector<8x128xf32>
    %swap3A_312 = arith.constant 42 : index
    %swap3A_313 = arith.constant 0 : index
    %swap3A_314 = arith.constant 0 : index
    %swap3A_315 = vector.load %arg6[%swap3A_312, %swap3A_313, %swap3A_314] : memref<128x8x128xf32, #tpu.memory_space<vmem>>, vector<1x8x128xf32>
    %swap3A_316 = vector.shape_cast %swap3A_315 : vector<1x8x128xf32> to vector<8x128xf32>
    %swap3A_317 = vector.shape_cast %slice3A_311 : vector<8x128xf32> to vector<1x8x128xf32>
    tpu.vector_store %arg6[%swap3A_312, %swap3A_313, %swap3A_314], %swap3A_317 {strides = array<i32>} : memref<128x8x128xf32, #tpu.memory_space<vmem>>, vector<1x8x128xf32>,
    %slice3A_318 = vector.extract_strided_slice %add3A_18 {offsets = [0, 5504], sizes = [8, 128], strides = [1, 1]} : vector<8x16384xf32> to vector<8x128xf32>
    %swap3A_319 = arith.constant 43 : index
    %swap3A_320 = arith.constant 0 : index
    %swap3A_321 = arith.constant 0 : index
    %swap3A_322 = vector.load %arg6[%swap3A_319, %swap3A_320, %swap3A_321] : memref<128x8x128xf32, #tpu.memory_space<vmem>>, vector<1x8x128xf32>
    %swap3A_323 = vector.shape_cast %swap3A_322 : vector<1x8x128xf32> to vector<8x128xf32>
    %swap3A_324 = vector.shape_cast %slice3A_318 : vector<8x128xf32> to vector<1x8x128xf32>
    tpu.vector_store %arg6[%swap3A_319, %swap3A_320, %swap3A_321], %swap3A_324 {strides = array<i32>} : memref<128x8x128xf32, #tpu.memory_space<vmem>>, vector<1x8x128xf32>,
    %slice3A_325 = vector.extract_strided_slice %add3A_18 {offsets = [0, 5632], sizes = [8, 128], strides = [1, 1]} : vector<8x16384xf32> to vector<8x128xf32>
    %swap3A_326 = arith.constant 44 : index
    %swap3A_327 = arith.constant 0 : index
    %swap3A_328 = arith.constant 0 : index
    %swap3A_329 = vector.load %arg6[%swap3A_326, %swap3A_327, %swap3A_328] : memref<128x8x128xf32, #tpu.memory_space<vmem>>, vector<1x8x128xf32>
    %swap3A_330 = vector.shape_cast %swap3A_329 : vector<1x8x128xf32> to vector<8x128xf32>
    %swap3A_331 = vector.shape_cast %slice3A_325 : vector<8x128xf32> to vector<1x8x128xf32>
    tpu.vector_store %arg6[%swap3A_326, %swap3A_327, %swap3A_328], %swap3A_331 {strides = array<i32>} : memref<128x8x128xf32, #tpu.memory_space<vmem>>, vector<1x8x128xf32>,
    %slice3A_332 = vector.extract_strided_slice %add3A_18 {offsets = [0, 5760], sizes = [8, 128], strides = [1, 1]} : vector<8x16384xf32> to vector<8x128xf32>
    %swap3A_333 = arith.constant 45 : index
    %swap3A_334 = arith.constant 0 : index
    %swap3A_335 = arith.constant 0 : index
    %swap3A_336 = vector.load %arg6[%swap3A_333, %swap3A_334, %swap3A_335] : memref<128x8x128xf32, #tpu.memory_space<vmem>>, vector<1x8x128xf32>
    %swap3A_337 = vector.shape_cast %swap3A_336 : vector<1x8x128xf32> to vector<8x128xf32>
    %swap3A_338 = vector.shape_cast %slice3A_332 : vector<8x128xf32> to vector<1x8x128xf32>
    tpu.vector_store %arg6[%swap3A_333, %swap3A_334, %swap3A_335], %swap3A_338 {strides = array<i32>} : memref<128x8x128xf32, #tpu.memory_space<vmem>>, vector<1x8x128xf32>,
    %slice3A_339 = vector.extract_strided_slice %add3A_18 {offsets = [0, 5888], sizes = [8, 128], strides = [1, 1]} : vector<8x16384xf32> to vector<8x128xf32>
    %swap3A_340 = arith.constant 46 : index
    %swap3A_341 = arith.constant 0 : index
    %swap3A_342 = arith.constant 0 : index
    %swap3A_343 = vector.load %arg6[%swap3A_340, %swap3A_341, %swap3A_342] : memref<128x8x128xf32, #tpu.memory_space<vmem>>, vector<1x8x128xf32>
    %swap3A_344 = vector.shape_cast %swap3A_343 : vector<1x8x128xf32> to vector<8x128xf32>
    %swap3A_345 = vector.shape_cast %slice3A_339 : vector<8x128xf32> to vector<1x8x128xf32>
    tpu.vector_store %arg6[%swap3A_340, %swap3A_341, %swap3A_342], %swap3A_345 {strides = array<i32>} : memref<128x8x128xf32, #tpu.memory_space<vmem>>, vector<1x8x128xf32>,
    %slice3A_346 = vector.extract_strided_slice %add3A_18 {offsets = [0, 6016], sizes = [8, 128], strides = [1, 1]} : vector<8x16384xf32> to vector<8x128xf32>
    %swap3A_347 = arith.constant 47 : index
    %swap3A_348 = arith.constant 0 : index
    %swap3A_349 = arith.constant 0 : index
    %swap3A_350 = vector.load %arg6[%swap3A_347, %swap3A_348, %swap3A_349] : memref<128x8x128xf32, #tpu.memory_space<vmem>>, vector<1x8x128xf32>
    %swap3A_351 = vector.shape_cast %swap3A_350 : vector<1x8x128xf32> to vector<8x128xf32>
    %swap3A_352 = vector.shape_cast %slice3A_346 : vector<8x128xf32> to vector<1x8x128xf32>
    tpu.vector_store %arg6[%swap3A_347, %swap3A_348, %swap3A_349], %swap3A_352 {strides = array<i32>} : memref<128x8x128xf32, #tpu.memory_space<vmem>>, vector<1x8x128xf32>,
    %slice3A_353 = vector.extract_strided_slice %add3A_18 {offsets = [0, 6144], sizes = [8, 128], strides = [1, 1]} : vector<8x16384xf32> to vector<8x128xf32>
    %swap3A_354 = arith.constant 48 : index
    %swap3A_355 = arith.constant 0 : index
    %swap3A_356 = arith.constant 0 : index
    %swap3A_357 = vector.load %arg6[%swap3A_354, %swap3A_355, %swap3A_356] : memref<128x8x128xf32, #tpu.memory_space<vmem>>, vector<1x8x128xf32>
    %swap3A_358 = vector.shape_cast %swap3A_357 : vector<1x8x128xf32> to vector<8x128xf32>
    %swap3A_359 = vector.shape_cast %slice3A_353 : vector<8x128xf32> to vector<1x8x128xf32>
    tpu.vector_store %arg6[%swap3A_354, %swap3A_355, %swap3A_356], %swap3A_359 {strides = array<i32>} : memref<128x8x128xf32, #tpu.memory_space<vmem>>, vector<1x8x128xf32>,
    %slice3A_360 = vector.extract_strided_slice %add3A_18 {offsets = [0, 6272], sizes = [8, 128], strides = [1, 1]} : vector<8x16384xf32> to vector<8x128xf32>
    %swap3A_361 = arith.constant 49 : index
    %swap3A_362 = arith.constant 0 : index
    %swap3A_363 = arith.constant 0 : index
    %swap3A_364 = vector.load %arg6[%swap3A_361, %swap3A_362, %swap3A_363] : memref<128x8x128xf32, #tpu.memory_space<vmem>>, vector<1x8x128xf32>
    %swap3A_365 = vector.shape_cast %swap3A_364 : vector<1x8x128xf32> to vector<8x128xf32>
    %swap3A_366 = vector.shape_cast %slice3A_360 : vector<8x128xf32> to vector<1x8x128xf32>
    tpu.vector_store %arg6[%swap3A_361, %swap3A_362, %swap3A_363], %swap3A_366 {strides = array<i32>} : memref<128x8x128xf32, #tpu.memory_space<vmem>>, vector<1x8x128xf32>,
    %slice3A_367 = vector.extract_strided_slice %add3A_18 {offsets = [0, 6400], sizes = [8, 128], strides = [1, 1]} : vector<8x16384xf32> to vector<8x128xf32>
    %swap3A_368 = arith.constant 50 : index
    %swap3A_369 = arith.constant 0 : index
    %swap3A_370 = arith.constant 0 : index
    %swap3A_371 = vector.load %arg6[%swap3A_368, %swap3A_369, %swap3A_370] : memref<128x8x128xf32, #tpu.memory_space<vmem>>, vector<1x8x128xf32>
    %swap3A_372 = vector.shape_cast %swap3A_371 : vector<1x8x128xf32> to vector<8x128xf32>
    %swap3A_373 = vector.shape_cast %slice3A_367 : vector<8x128xf32> to vector<1x8x128xf32>
    tpu.vector_store %arg6[%swap3A_368, %swap3A_369, %swap3A_370], %swap3A_373 {strides = array<i32>} : memref<128x8x128xf32, #tpu.memory_space<vmem>>, vector<1x8x128xf32>,
    %slice3A_374 = vector.extract_strided_slice %add3A_18 {offsets = [0, 6528], sizes = [8, 128], strides = [1, 1]} : vector<8x16384xf32> to vector<8x128xf32>
    %swap3A_375 = arith.constant 51 : index
    %swap3A_376 = arith.constant 0 : index
    %swap3A_377 = arith.constant 0 : index
    %swap3A_378 = vector.load %arg6[%swap3A_375, %swap3A_376, %swap3A_377] : memref<128x8x128xf32, #tpu.memory_space<vmem>>, vector<1x8x128xf32>
    %swap3A_379 = vector.shape_cast %swap3A_378 : vector<1x8x128xf32> to vector<8x128xf32>
    %swap3A_380 = vector.shape_cast %slice3A_374 : vector<8x128xf32> to vector<1x8x128xf32>
    tpu.vector_store %arg6[%swap3A_375, %swap3A_376, %swap3A_377], %swap3A_380 {strides = array<i32>} : memref<128x8x128xf32, #tpu.memory_space<vmem>>, vector<1x8x128xf32>,
    %slice3A_381 = vector.extract_strided_slice %add3A_18 {offsets = [0, 6656], sizes = [8, 128], strides = [1, 1]} : vector<8x16384xf32> to vector<8x128xf32>
    %swap3A_382 = arith.constant 52 : index
    %swap3A_383 = arith.constant 0 : index
    %swap3A_384 = arith.constant 0 : index
    %swap3A_385 = vector.load %arg6[%swap3A_382, %swap3A_383, %swap3A_384] : memref<128x8x128xf32, #tpu.memory_space<vmem>>, vector<1x8x128xf32>
    %swap3A_386 = vector.shape_cast %swap3A_385 : vector<1x8x128xf32> to vector<8x128xf32>
    %swap3A_387 = vector.shape_cast %slice3A_381 : vector<8x128xf32> to vector<1x8x128xf32>
    tpu.vector_store %arg6[%swap3A_382, %swap3A_383, %swap3A_384], %swap3A_387 {strides = array<i32>} : memref<128x8x128xf32, #tpu.memory_space<vmem>>, vector<1x8x128xf32>,
    %slice3A_388 = vector.extract_strided_slice %add3A_18 {offsets = [0, 6784], sizes = [8, 128], strides = [1, 1]} : vector<8x16384xf32> to vector<8x128xf32>
    %swap3A_389 = arith.constant 53 : index
    %swap3A_390 = arith.constant 0 : index
    %swap3A_391 = arith.constant 0 : index
    %swap3A_392 = vector.load %arg6[%swap3A_389, %swap3A_390, %swap3A_391] : memref<128x8x128xf32, #tpu.memory_space<vmem>>, vector<1x8x128xf32>
    %swap3A_393 = vector.shape_cast %swap3A_392 : vector<1x8x128xf32> to vector<8x128xf32>
    %swap3A_394 = vector.shape_cast %slice3A_388 : vector<8x128xf32> to vector<1x8x128xf32>
    tpu.vector_store %arg6[%swap3A_389, %swap3A_390, %swap3A_391], %swap3A_394 {strides = array<i32>} : memref<128x8x128xf32, #tpu.memory_space<vmem>>, vector<1x8x128xf32>,
    %slice3A_395 = vector.extract_strided_slice %add3A_18 {offsets = [0, 6912], sizes = [8, 128], strides = [1, 1]} : vector<8x16384xf32> to vector<8x128xf32>
    %swap3A_396 = arith.constant 54 : index
    %swap3A_397 = arith.constant 0 : index
    %swap3A_398 = arith.constant 0 : index
    %swap3A_399 = vector.load %arg6[%swap3A_396, %swap3A_397, %swap3A_398] : memref<128x8x128xf32, #tpu.memory_space<vmem>>, vector<1x8x128xf32>
    %swap3A_400 = vector.shape_cast %swap3A_399 : vector<1x8x128xf32> to vector<8x128xf32>
    %swap3A_401 = vector.shape_cast %slice3A_395 : vector<8x128xf32> to vector<1x8x128xf32>
    tpu.vector_store %arg6[%swap3A_396, %swap3A_397, %swap3A_398], %swap3A_401 {strides = array<i32>} : memref<128x8x128xf32, #tpu.memory_space<vmem>>, vector<1x8x128xf32>,
    %slice3A_402 = vector.extract_strided_slice %add3A_18 {offsets = [0, 7040], sizes = [8, 128], strides = [1, 1]} : vector<8x16384xf32> to vector<8x128xf32>
    %swap3A_403 = arith.constant 55 : index
    %swap3A_404 = arith.constant 0 : index
    %swap3A_405 = arith.constant 0 : index
    %swap3A_406 = vector.load %arg6[%swap3A_403, %swap3A_404, %swap3A_405] : memref<128x8x128xf32, #tpu.memory_space<vmem>>, vector<1x8x128xf32>
    %swap3A_407 = vector.shape_cast %swap3A_406 : vector<1x8x128xf32> to vector<8x128xf32>
    %swap3A_408 = vector.shape_cast %slice3A_402 : vector<8x128xf32> to vector<1x8x128xf32>
    tpu.vector_store %arg6[%swap3A_403, %swap3A_404, %swap3A_405], %swap3A_408 {strides = array<i32>} : memref<128x8x128xf32, #tpu.memory_space<vmem>>, vector<1x8x128xf32>,
    %slice3A_409 = vector.extract_strided_slice %add3A_18 {offsets = [0, 7168], sizes = [8, 128], strides = [1, 1]} : vector<8x16384xf32> to vector<8x128xf32>
    %swap3A_410 = arith.constant 56 : index
    %swap3A_411 = arith.constant 0 : index
    %swap3A_412 = arith.constant 0 : index
    %swap3A_413 = vector.load %arg6[%swap3A_410, %swap3A_411, %swap3A_412] : memref<128x8x128xf32, #tpu.memory_space<vmem>>, vector<1x8x128xf32>
    %swap3A_414 = vector.shape_cast %swap3A_413 : vector<1x8x128xf32> to vector<8x128xf32>
    %swap3A_415 = vector.shape_cast %slice3A_409 : vector<8x128xf32> to vector<1x8x128xf32>
    tpu.vector_store %arg6[%swap3A_410, %swap3A_411, %swap3A_412], %swap3A_415 {strides = array<i32>} : memref<128x8x128xf32, #tpu.memory_space<vmem>>, vector<1x8x128xf32>,
    %slice3A_416 = vector.extract_strided_slice %add3A_18 {offsets = [0, 7296], sizes = [8, 128], strides = [1, 1]} : vector<8x16384xf32> to vector<8x128xf32>
    %swap3A_417 = arith.constant 57 : index
    %swap3A_418 = arith.constant 0 : index
    %swap3A_419 = arith.constant 0 : index
    %swap3A_420 = vector.load %arg6[%swap3A_417, %swap3A_418, %swap3A_419] : memref<128x8x128xf32, #tpu.memory_space<vmem>>, vector<1x8x128xf32>
    %swap3A_421 = vector.shape_cast %swap3A_420 : vector<1x8x128xf32> to vector<8x128xf32>
    %swap3A_422 = vector.shape_cast %slice3A_416 : vector<8x128xf32> to vector<1x8x128xf32>
    tpu.vector_store %arg6[%swap3A_417, %swap3A_418, %swap3A_419], %swap3A_422 {strides = array<i32>} : memref<128x8x128xf32, #tpu.memory_space<vmem>>, vector<1x8x128xf32>,
    %slice3A_423 = vector.extract_strided_slice %add3A_18 {offsets = [0, 7424], sizes = [8, 128], strides = [1, 1]} : vector<8x16384xf32> to vector<8x128xf32>
    %swap3A_424 = arith.constant 58 : index
    %swap3A_425 = arith.constant 0 : index
    %swap3A_426 = arith.constant 0 : index
    %swap3A_427 = vector.load %arg6[%swap3A_424, %swap3A_425, %swap3A_426] : memref<128x8x128xf32, #tpu.memory_space<vmem>>, vector<1x8x128xf32>
    %swap3A_428 = vector.shape_cast %swap3A_427 : vector<1x8x128xf32> to vector<8x128xf32>
    %swap3A_429 = vector.shape_cast %slice3A_423 : vector<8x128xf32> to vector<1x8x128xf32>
    tpu.vector_store %arg6[%swap3A_424, %swap3A_425, %swap3A_426], %swap3A_429 {strides = array<i32>} : memref<128x8x128xf32, #tpu.memory_space<vmem>>, vector<1x8x128xf32>,
    %slice3A_430 = vector.extract_strided_slice %add3A_18 {offsets = [0, 7552], sizes = [8, 128], strides = [1, 1]} : vector<8x16384xf32> to vector<8x128xf32>
    %swap3A_431 = arith.constant 59 : index
    %swap3A_432 = arith.constant 0 : index
    %swap3A_433 = arith.constant 0 : index
    %swap3A_434 = vector.load %arg6[%swap3A_431, %swap3A_432, %swap3A_433] : memref<128x8x128xf32, #tpu.memory_space<vmem>>, vector<1x8x128xf32>
    %swap3A_435 = vector.shape_cast %swap3A_434 : vector<1x8x128xf32> to vector<8x128xf32>
    %swap3A_436 = vector.shape_cast %slice3A_430 : vector<8x128xf32> to vector<1x8x128xf32>
    tpu.vector_store %arg6[%swap3A_431, %swap3A_432, %swap3A_433], %swap3A_436 {strides = array<i32>} : memref<128x8x128xf32, #tpu.memory_space<vmem>>, vector<1x8x128xf32>,
    %slice3A_437 = vector.extract_strided_slice %add3A_18 {offsets = [0, 7680], sizes = [8, 128], strides = [1, 1]} : vector<8x16384xf32> to vector<8x128xf32>
    %swap3A_438 = arith.constant 60 : index
    %swap3A_439 = arith.constant 0 : index
    %swap3A_440 = arith.constant 0 : index
    %swap3A_441 = vector.load %arg6[%swap3A_438, %swap3A_439, %swap3A_440] : memref<128x8x128xf32, #tpu.memory_space<vmem>>, vector<1x8x128xf32>
    %swap3A_442 = vector.shape_cast %swap3A_441 : vector<1x8x128xf32> to vector<8x128xf32>
    %swap3A_443 = vector.shape_cast %slice3A_437 : vector<8x128xf32> to vector<1x8x128xf32>
    tpu.vector_store %arg6[%swap3A_438, %swap3A_439, %swap3A_440], %swap3A_443 {strides = array<i32>} : memref<128x8x128xf32, #tpu.memory_space<vmem>>, vector<1x8x128xf32>,
    %slice3A_444 = vector.extract_strided_slice %add3A_18 {offsets = [0, 7808], sizes = [8, 128], strides = [1, 1]} : vector<8x16384xf32> to vector<8x128xf32>
    %swap3A_445 = arith.constant 61 : index
    %swap3A_446 = arith.constant 0 : index
    %swap3A_447 = arith.constant 0 : index
    %swap3A_448 = vector.load %arg6[%swap3A_445, %swap3A_446, %swap3A_447] : memref<128x8x128xf32, #tpu.memory_space<vmem>>, vector<1x8x128xf32>
    %swap3A_449 = vector.shape_cast %swap3A_448 : vector<1x8x128xf32> to vector<8x128xf32>
    %swap3A_450 = vector.shape_cast %slice3A_444 : vector<8x128xf32> to vector<1x8x128xf32>
    tpu.vector_store %arg6[%swap3A_445, %swap3A_446, %swap3A_447], %swap3A_450 {strides = array<i32>} : memref<128x8x128xf32, #tpu.memory_space<vmem>>, vector<1x8x128xf32>,
    %slice3A_451 = vector.extract_strided_slice %add3A_18 {offsets = [0, 7936], sizes = [8, 128], strides = [1, 1]} : vector<8x16384xf32> to vector<8x128xf32>
    %swap3A_452 = arith.constant 62 : index
    %swap3A_453 = arith.constant 0 : index
    %swap3A_454 = arith.constant 0 : index
    %swap3A_455 = vector.load %arg6[%swap3A_452, %swap3A_453, %swap3A_454] : memref<128x8x128xf32, #tpu.memory_space<vmem>>, vector<1x8x128xf32>
    %swap3A_456 = vector.shape_cast %swap3A_455 : vector<1x8x128xf32> to vector<8x128xf32>
    %swap3A_457 = vector.shape_cast %slice3A_451 : vector<8x128xf32> to vector<1x8x128xf32>
    tpu.vector_store %arg6[%swap3A_452, %swap3A_453, %swap3A_454], %swap3A_457 {strides = array<i32>} : memref<128x8x128xf32, #tpu.memory_space<vmem>>, vector<1x8x128xf32>,
    %slice3A_458 = vector.extract_strided_slice %add3A_18 {offsets = [0, 8064], sizes = [8, 128], strides = [1, 1]} : vector<8x16384xf32> to vector<8x128xf32>
    %swap3A_459 = arith.constant 63 : index
    %swap3A_460 = arith.constant 0 : index
    %swap3A_461 = arith.constant 0 : index
    %swap3A_462 = vector.load %arg6[%swap3A_459, %swap3A_460, %swap3A_461] : memref<128x8x128xf32, #tpu.memory_space<vmem>>, vector<1x8x128xf32>
    %swap3A_463 = vector.shape_cast %swap3A_462 : vector<1x8x128xf32> to vector<8x128xf32>
    %swap3A_464 = vector.shape_cast %slice3A_458 : vector<8x128xf32> to vector<1x8x128xf32>
    tpu.vector_store %arg6[%swap3A_459, %swap3A_460, %swap3A_461], %swap3A_464 {strides = array<i32>} : memref<128x8x128xf32, #tpu.memory_space<vmem>>, vector<1x8x128xf32>,
    %slice3A_465 = vector.extract_strided_slice %add3A_18 {offsets = [0, 8192], sizes = [8, 128], strides = [1, 1]} : vector<8x16384xf32> to vector<8x128xf32>
    %swap3A_466 = arith.constant 64 : index
    %swap3A_467 = arith.constant 0 : index
    %swap3A_468 = arith.constant 0 : index
    %swap3A_469 = vector.load %arg6[%swap3A_466, %swap3A_467, %swap3A_468] : memref<128x8x128xf32, #tpu.memory_space<vmem>>, vector<1x8x128xf32>
    %swap3A_470 = vector.shape_cast %swap3A_469 : vector<1x8x128xf32> to vector<8x128xf32>
    %swap3A_471 = vector.shape_cast %slice3A_465 : vector<8x128xf32> to vector<1x8x128xf32>
    tpu.vector_store %arg6[%swap3A_466, %swap3A_467, %swap3A_468], %swap3A_471 {strides = array<i32>} : memref<128x8x128xf32, #tpu.memory_space<vmem>>, vector<1x8x128xf32>,
    %slice3A_472 = vector.extract_strided_slice %add3A_18 {offsets = [0, 8320], sizes = [8, 128], strides = [1, 1]} : vector<8x16384xf32> to vector<8x128xf32>
    %swap3A_473 = arith.constant 65 : index
    %swap3A_474 = arith.constant 0 : index
    %swap3A_475 = arith.constant 0 : index
    %swap3A_476 = vector.load %arg6[%swap3A_473, %swap3A_474, %swap3A_475] : memref<128x8x128xf32, #tpu.memory_space<vmem>>, vector<1x8x128xf32>
    %swap3A_477 = vector.shape_cast %swap3A_476 : vector<1x8x128xf32> to vector<8x128xf32>
    %swap3A_478 = vector.shape_cast %slice3A_472 : vector<8x128xf32> to vector<1x8x128xf32>
    tpu.vector_store %arg6[%swap3A_473, %swap3A_474, %swap3A_475], %swap3A_478 {strides = array<i32>} : memref<128x8x128xf32, #tpu.memory_space<vmem>>, vector<1x8x128xf32>,
    %slice3A_479 = vector.extract_strided_slice %add3A_18 {offsets = [0, 8448], sizes = [8, 128], strides = [1, 1]} : vector<8x16384xf32> to vector<8x128xf32>
    %swap3A_480 = arith.constant 66 : index
    %swap3A_481 = arith.constant 0 : index
    %swap3A_482 = arith.constant 0 : index
    %swap3A_483 = vector.load %arg6[%swap3A_480, %swap3A_481, %swap3A_482] : memref<128x8x128xf32, #tpu.memory_space<vmem>>, vector<1x8x128xf32>
    %swap3A_484 = vector.shape_cast %swap3A_483 : vector<1x8x128xf32> to vector<8x128xf32>
    %swap3A_485 = vector.shape_cast %slice3A_479 : vector<8x128xf32> to vector<1x8x128xf32>
    tpu.vector_store %arg6[%swap3A_480, %swap3A_481, %swap3A_482], %swap3A_485 {strides = array<i32>} : memref<128x8x128xf32, #tpu.memory_space<vmem>>, vector<1x8x128xf32>,
    %slice3A_486 = vector.extract_strided_slice %add3A_18 {offsets = [0, 8576], sizes = [8, 128], strides = [1, 1]} : vector<8x16384xf32> to vector<8x128xf32>
    %swap3A_487 = arith.constant 67 : index
    %swap3A_488 = arith.constant 0 : index
    %swap3A_489 = arith.constant 0 : index
    %swap3A_490 = vector.load %arg6[%swap3A_487, %swap3A_488, %swap3A_489] : memref<128x8x128xf32, #tpu.memory_space<vmem>>, vector<1x8x128xf32>
    %swap3A_491 = vector.shape_cast %swap3A_490 : vector<1x8x128xf32> to vector<8x128xf32>
    %swap3A_492 = vector.shape_cast %slice3A_486 : vector<8x128xf32> to vector<1x8x128xf32>
    tpu.vector_store %arg6[%swap3A_487, %swap3A_488, %swap3A_489], %swap3A_492 {strides = array<i32>} : memref<128x8x128xf32, #tpu.memory_space<vmem>>, vector<1x8x128xf32>,
    %slice3A_493 = vector.extract_strided_slice %add3A_18 {offsets = [0, 8704], sizes = [8, 128], strides = [1, 1]} : vector<8x16384xf32> to vector<8x128xf32>
    %swap3A_494 = arith.constant 68 : index
    %swap3A_495 = arith.constant 0 : index
    %swap3A_496 = arith.constant 0 : index
    %swap3A_497 = vector.load %arg6[%swap3A_494, %swap3A_495, %swap3A_496] : memref<128x8x128xf32, #tpu.memory_space<vmem>>, vector<1x8x128xf32>
    %swap3A_498 = vector.shape_cast %swap3A_497 : vector<1x8x128xf32> to vector<8x128xf32>
    %swap3A_499 = vector.shape_cast %slice3A_493 : vector<8x128xf32> to vector<1x8x128xf32>
    tpu.vector_store %arg6[%swap3A_494, %swap3A_495, %swap3A_496], %swap3A_499 {strides = array<i32>} : memref<128x8x128xf32, #tpu.memory_space<vmem>>, vector<1x8x128xf32>,
    %slice3A_500 = vector.extract_strided_slice %add3A_18 {offsets = [0, 8832], sizes = [8, 128], strides = [1, 1]} : vector<8x16384xf32> to vector<8x128xf32>
    %swap3A_501 = arith.constant 69 : index
    %swap3A_502 = arith.constant 0 : index
    %swap3A_503 = arith.constant 0 : index
    %swap3A_504 = vector.load %arg6[%swap3A_501, %swap3A_502, %swap3A_503] : memref<128x8x128xf32, #tpu.memory_space<vmem>>, vector<1x8x128xf32>
    %swap3A_505 = vector.shape_cast %swap3A_504 : vector<1x8x128xf32> to vector<8x128xf32>
    %swap3A_506 = vector.shape_cast %slice3A_500 : vector<8x128xf32> to vector<1x8x128xf32>
    tpu.vector_store %arg6[%swap3A_501, %swap3A_502, %swap3A_503], %swap3A_506 {strides = array<i32>} : memref<128x8x128xf32, #tpu.memory_space<vmem>>, vector<1x8x128xf32>,
    %slice3A_507 = vector.extract_strided_slice %add3A_18 {offsets = [0, 8960], sizes = [8, 128], strides = [1, 1]} : vector<8x16384xf32> to vector<8x128xf32>
    %swap3A_508 = arith.constant 70 : index
    %swap3A_509 = arith.constant 0 : index
    %swap3A_510 = arith.constant 0 : index
    %swap3A_511 = vector.load %arg6[%swap3A_508, %swap3A_509, %swap3A_510] : memref<128x8x128xf32, #tpu.memory_space<vmem>>, vector<1x8x128xf32>
    %swap3A_512 = vector.shape_cast %swap3A_511 : vector<1x8x128xf32> to vector<8x128xf32>
    %swap3A_513 = vector.shape_cast %slice3A_507 : vector<8x128xf32> to vector<1x8x128xf32>
    tpu.vector_store %arg6[%swap3A_508, %swap3A_509, %swap3A_510], %swap3A_513 {strides = array<i32>} : memref<128x8x128xf32, #tpu.memory_space<vmem>>, vector<1x8x128xf32>,
    %slice3A_514 = vector.extract_strided_slice %add3A_18 {offsets = [0, 9088], sizes = [8, 128], strides = [1, 1]} : vector<8x16384xf32> to vector<8x128xf32>
    %swap3A_515 = arith.constant 71 : index
    %swap3A_516 = arith.constant 0 : index
    %swap3A_517 = arith.constant 0 : index
    %swap3A_518 = vector.load %arg6[%swap3A_515, %swap3A_516, %swap3A_517] : memref<128x8x128xf32, #tpu.memory_space<vmem>>, vector<1x8x128xf32>
    %swap3A_519 = vector.shape_cast %swap3A_518 : vector<1x8x128xf32> to vector<8x128xf32>
    %swap3A_520 = vector.shape_cast %slice3A_514 : vector<8x128xf32> to vector<1x8x128xf32>
    tpu.vector_store %arg6[%swap3A_515, %swap3A_516, %swap3A_517], %swap3A_520 {strides = array<i32>} : memref<128x8x128xf32, #tpu.memory_space<vmem>>, vector<1x8x128xf32>,
    %slice3A_521 = vector.extract_strided_slice %add3A_18 {offsets = [0, 9216], sizes = [8, 128], strides = [1, 1]} : vector<8x16384xf32> to vector<8x128xf32>
    %swap3A_522 = arith.constant 72 : index
    %swap3A_523 = arith.constant 0 : index
    %swap3A_524 = arith.constant 0 : index
    %swap3A_525 = vector.load %arg6[%swap3A_522, %swap3A_523, %swap3A_524] : memref<128x8x128xf32, #tpu.memory_space<vmem>>, vector<1x8x128xf32>
    %swap3A_526 = vector.shape_cast %swap3A_525 : vector<1x8x128xf32> to vector<8x128xf32>
    %swap3A_527 = vector.shape_cast %slice3A_521 : vector<8x128xf32> to vector<1x8x128xf32>
    tpu.vector_store %arg6[%swap3A_522, %swap3A_523, %swap3A_524], %swap3A_527 {strides = array<i32>} : memref<128x8x128xf32, #tpu.memory_space<vmem>>, vector<1x8x128xf32>,
    %slice3A_528 = vector.extract_strided_slice %add3A_18 {offsets = [0, 9344], sizes = [8, 128], strides = [1, 1]} : vector<8x16384xf32> to vector<8x128xf32>
    %swap3A_529 = arith.constant 73 : index
    %swap3A_530 = arith.constant 0 : index
    %swap3A_531 = arith.constant 0 : index
    %swap3A_532 = vector.load %arg6[%swap3A_529, %swap3A_530, %swap3A_531] : memref<128x8x128xf32, #tpu.memory_space<vmem>>, vector<1x8x128xf32>
    %swap3A_533 = vector.shape_cast %swap3A_532 : vector<1x8x128xf32> to vector<8x128xf32>
    %swap3A_534 = vector.shape_cast %slice3A_528 : vector<8x128xf32> to vector<1x8x128xf32>
    tpu.vector_store %arg6[%swap3A_529, %swap3A_530, %swap3A_531], %swap3A_534 {strides = array<i32>} : memref<128x8x128xf32, #tpu.memory_space<vmem>>, vector<1x8x128xf32>,
    %slice3A_535 = vector.extract_strided_slice %add3A_18 {offsets = [0, 9472], sizes = [8, 128], strides = [1, 1]} : vector<8x16384xf32> to vector<8x128xf32>
    %swap3A_536 = arith.constant 74 : index
    %swap3A_537 = arith.constant 0 : index
    %swap3A_538 = arith.constant 0 : index
    %swap3A_539 = vector.load %arg6[%swap3A_536, %swap3A_537, %swap3A_538] : memref<128x8x128xf32, #tpu.memory_space<vmem>>, vector<1x8x128xf32>
    %swap3A_540 = vector.shape_cast %swap3A_539 : vector<1x8x128xf32> to vector<8x128xf32>
    %swap3A_541 = vector.shape_cast %slice3A_535 : vector<8x128xf32> to vector<1x8x128xf32>
    tpu.vector_store %arg6[%swap3A_536, %swap3A_537, %swap3A_538], %swap3A_541 {strides = array<i32>} : memref<128x8x128xf32, #tpu.memory_space<vmem>>, vector<1x8x128xf32>,
    %slice3A_542 = vector.extract_strided_slice %add3A_18 {offsets = [0, 9600], sizes = [8, 128], strides = [1, 1]} : vector<8x16384xf32> to vector<8x128xf32>
    %swap3A_543 = arith.constant 75 : index
    %swap3A_544 = arith.constant 0 : index
    %swap3A_545 = arith.constant 0 : index
    %swap3A_546 = vector.load %arg6[%swap3A_543, %swap3A_544, %swap3A_545] : memref<128x8x128xf32, #tpu.memory_space<vmem>>, vector<1x8x128xf32>
    %swap3A_547 = vector.shape_cast %swap3A_546 : vector<1x8x128xf32> to vector<8x128xf32>
    %swap3A_548 = vector.shape_cast %slice3A_542 : vector<8x128xf32> to vector<1x8x128xf32>
    tpu.vector_store %arg6[%swap3A_543, %swap3A_544, %swap3A_545], %swap3A_548 {strides = array<i32>} : memref<128x8x128xf32, #tpu.memory_space<vmem>>, vector<1x8x128xf32>,
    %slice3A_549 = vector.extract_strided_slice %add3A_18 {offsets = [0, 9728], sizes = [8, 128], strides = [1, 1]} : vector<8x16384xf32> to vector<8x128xf32>
    %swap3A_550 = arith.constant 76 : index
    %swap3A_551 = arith.constant 0 : index
    %swap3A_552 = arith.constant 0 : index
    %swap3A_553 = vector.load %arg6[%swap3A_550, %swap3A_551, %swap3A_552] : memref<128x8x128xf32, #tpu.memory_space<vmem>>, vector<1x8x128xf32>
    %swap3A_554 = vector.shape_cast %swap3A_553 : vector<1x8x128xf32> to vector<8x128xf32>
    %swap3A_555 = vector.shape_cast %slice3A_549 : vector<8x128xf32> to vector<1x8x128xf32>
    tpu.vector_store %arg6[%swap3A_550, %swap3A_551, %swap3A_552], %swap3A_555 {strides = array<i32>} : memref<128x8x128xf32, #tpu.memory_space<vmem>>, vector<1x8x128xf32>,
    %slice3A_556 = vector.extract_strided_slice %add3A_18 {offsets = [0, 9856], sizes = [8, 128], strides = [1, 1]} : vector<8x16384xf32> to vector<8x128xf32>
    %swap3A_557 = arith.constant 77 : index
    %swap3A_558 = arith.constant 0 : index
    %swap3A_559 = arith.constant 0 : index
    %swap3A_560 = vector.load %arg6[%swap3A_557, %swap3A_558, %swap3A_559] : memref<128x8x128xf32, #tpu.memory_space<vmem>>, vector<1x8x128xf32>
    %swap3A_561 = vector.shape_cast %swap3A_560 : vector<1x8x128xf32> to vector<8x128xf32>
    %swap3A_562 = vector.shape_cast %slice3A_556 : vector<8x128xf32> to vector<1x8x128xf32>
    tpu.vector_store %arg6[%swap3A_557, %swap3A_558, %swap3A_559], %swap3A_562 {strides = array<i32>} : memref<128x8x128xf32, #tpu.memory_space<vmem>>, vector<1x8x128xf32>,
    %slice3A_563 = vector.extract_strided_slice %add3A_18 {offsets = [0, 9984], sizes = [8, 128], strides = [1, 1]} : vector<8x16384xf32> to vector<8x128xf32>
    %swap3A_564 = arith.constant 78 : index
    %swap3A_565 = arith.constant 0 : index
    %swap3A_566 = arith.constant 0 : index
    %swap3A_567 = vector.load %arg6[%swap3A_564, %swap3A_565, %swap3A_566] : memref<128x8x128xf32, #tpu.memory_space<vmem>>, vector<1x8x128xf32>
    %swap3A_568 = vector.shape_cast %swap3A_567 : vector<1x8x128xf32> to vector<8x128xf32>
    %swap3A_569 = vector.shape_cast %slice3A_563 : vector<8x128xf32> to vector<1x8x128xf32>
    tpu.vector_store %arg6[%swap3A_564, %swap3A_565, %swap3A_566], %swap3A_569 {strides = array<i32>} : memref<128x8x128xf32, #tpu.memory_space<vmem>>, vector<1x8x128xf32>,
    %slice3A_570 = vector.extract_strided_slice %add3A_18 {offsets = [0, 10112], sizes = [8, 128], strides = [1, 1]} : vector<8x16384xf32> to vector<8x128xf32>
    %swap3A_571 = arith.constant 79 : index
    %swap3A_572 = arith.constant 0 : index
    %swap3A_573 = arith.constant 0 : index
    %swap3A_574 = vector.load %arg6[%swap3A_571, %swap3A_572, %swap3A_573] : memref<128x8x128xf32, #tpu.memory_space<vmem>>, vector<1x8x128xf32>
    %swap3A_575 = vector.shape_cast %swap3A_574 : vector<1x8x128xf32> to vector<8x128xf32>
    %swap3A_576 = vector.shape_cast %slice3A_570 : vector<8x128xf32> to vector<1x8x128xf32>
    tpu.vector_store %arg6[%swap3A_571, %swap3A_572, %swap3A_573], %swap3A_576 {strides = array<i32>} : memref<128x8x128xf32, #tpu.memory_space<vmem>>, vector<1x8x128xf32>,
    %slice3A_577 = vector.extract_strided_slice %add3A_18 {offsets = [0, 10240], sizes = [8, 128], strides = [1, 1]} : vector<8x16384xf32> to vector<8x128xf32>
    %swap3A_578 = arith.constant 80 : index
    %swap3A_579 = arith.constant 0 : index
    %swap3A_580 = arith.constant 0 : index
    %swap3A_581 = vector.load %arg6[%swap3A_578, %swap3A_579, %swap3A_580] : memref<128x8x128xf32, #tpu.memory_space<vmem>>, vector<1x8x128xf32>
    %swap3A_582 = vector.shape_cast %swap3A_581 : vector<1x8x128xf32> to vector<8x128xf32>
    %swap3A_583 = vector.shape_cast %slice3A_577 : vector<8x128xf32> to vector<1x8x128xf32>
    tpu.vector_store %arg6[%swap3A_578, %swap3A_579, %swap3A_580], %swap3A_583 {strides = array<i32>} : memref<128x8x128xf32, #tpu.memory_space<vmem>>, vector<1x8x128xf32>,
    %slice3A_584 = vector.extract_strided_slice %add3A_18 {offsets = [0, 10368], sizes = [8, 128], strides = [1, 1]} : vector<8x16384xf32> to vector<8x128xf32>
    %swap3A_585 = arith.constant 81 : index
    %swap3A_586 = arith.constant 0 : index
    %swap3A_587 = arith.constant 0 : index
    %swap3A_588 = vector.load %arg6[%swap3A_585, %swap3A_586, %swap3A_587] : memref<128x8x128xf32, #tpu.memory_space<vmem>>, vector<1x8x128xf32>
    %swap3A_589 = vector.shape_cast %swap3A_588 : vector<1x8x128xf32> to vector<8x128xf32>
    %swap3A_590 = vector.shape_cast %slice3A_584 : vector<8x128xf32> to vector<1x8x128xf32>
    tpu.vector_store %arg6[%swap3A_585, %swap3A_586, %swap3A_587], %swap3A_590 {strides = array<i32>} : memref<128x8x128xf32, #tpu.memory_space<vmem>>, vector<1x8x128xf32>,
    %slice3A_591 = vector.extract_strided_slice %add3A_18 {offsets = [0, 10496], sizes = [8, 128], strides = [1, 1]} : vector<8x16384xf32> to vector<8x128xf32>
    %swap3A_592 = arith.constant 82 : index
    %swap3A_593 = arith.constant 0 : index
    %swap3A_594 = arith.constant 0 : index
    %swap3A_595 = vector.load %arg6[%swap3A_592, %swap3A_593, %swap3A_594] : memref<128x8x128xf32, #tpu.memory_space<vmem>>, vector<1x8x128xf32>
    %swap3A_596 = vector.shape_cast %swap3A_595 : vector<1x8x128xf32> to vector<8x128xf32>
    %swap3A_597 = vector.shape_cast %slice3A_591 : vector<8x128xf32> to vector<1x8x128xf32>
    tpu.vector_store %arg6[%swap3A_592, %swap3A_593, %swap3A_594], %swap3A_597 {strides = array<i32>} : memref<128x8x128xf32, #tpu.memory_space<vmem>>, vector<1x8x128xf32>,
    %slice3A_598 = vector.extract_strided_slice %add3A_18 {offsets = [0, 10624], sizes = [8, 128], strides = [1, 1]} : vector<8x16384xf32> to vector<8x128xf32>
    %swap3A_599 = arith.constant 83 : index
    %swap3A_600 = arith.constant 0 : index
    %swap3A_601 = arith.constant 0 : index
    %swap3A_602 = vector.load %arg6[%swap3A_599, %swap3A_600, %swap3A_601] : memref<128x8x128xf32, #tpu.memory_space<vmem>>, vector<1x8x128xf32>
    %swap3A_603 = vector.shape_cast %swap3A_602 : vector<1x8x128xf32> to vector<8x128xf32>
    %swap3A_604 = vector.shape_cast %slice3A_598 : vector<8x128xf32> to vector<1x8x128xf32>
    tpu.vector_store %arg6[%swap3A_599, %swap3A_600, %swap3A_601], %swap3A_604 {strides = array<i32>} : memref<128x8x128xf32, #tpu.memory_space<vmem>>, vector<1x8x128xf32>,
    %slice3A_605 = vector.extract_strided_slice %add3A_18 {offsets = [0, 10752], sizes = [8, 128], strides = [1, 1]} : vector<8x16384xf32> to vector<8x128xf32>
    %swap3A_606 = arith.constant 84 : index
    %swap3A_607 = arith.constant 0 : index
    %swap3A_608 = arith.constant 0 : index
    %swap3A_609 = vector.load %arg6[%swap3A_606, %swap3A_607, %swap3A_608] : memref<128x8x128xf32, #tpu.memory_space<vmem>>, vector<1x8x128xf32>
    %swap3A_610 = vector.shape_cast %swap3A_609 : vector<1x8x128xf32> to vector<8x128xf32>
    %swap3A_611 = vector.shape_cast %slice3A_605 : vector<8x128xf32> to vector<1x8x128xf32>
    tpu.vector_store %arg6[%swap3A_606, %swap3A_607, %swap3A_608], %swap3A_611 {strides = array<i32>} : memref<128x8x128xf32, #tpu.memory_space<vmem>>, vector<1x8x128xf32>,
    %slice3A_612 = vector.extract_strided_slice %add3A_18 {offsets = [0, 10880], sizes = [8, 128], strides = [1, 1]} : vector<8x16384xf32> to vector<8x128xf32>
    %swap3A_613 = arith.constant 85 : index
    %swap3A_614 = arith.constant 0 : index
    %swap3A_615 = arith.constant 0 : index
    %swap3A_616 = vector.load %arg6[%swap3A_613, %swap3A_614, %swap3A_615] : memref<128x8x128xf32, #tpu.memory_space<vmem>>, vector<1x8x128xf32>
    %swap3A_617 = vector.shape_cast %swap3A_616 : vector<1x8x128xf32> to vector<8x128xf32>
    %swap3A_618 = vector.shape_cast %slice3A_612 : vector<8x128xf32> to vector<1x8x128xf32>
    tpu.vector_store %arg6[%swap3A_613, %swap3A_614, %swap3A_615], %swap3A_618 {strides = array<i32>} : memref<128x8x128xf32, #tpu.memory_space<vmem>>, vector<1x8x128xf32>,
    %slice3A_619 = vector.extract_strided_slice %add3A_18 {offsets = [0, 11008], sizes = [8, 128], strides = [1, 1]} : vector<8x16384xf32> to vector<8x128xf32>
    %swap3A_620 = arith.constant 86 : index
    %swap3A_621 = arith.constant 0 : index
    %swap3A_622 = arith.constant 0 : index
    %swap3A_623 = vector.load %arg6[%swap3A_620, %swap3A_621, %swap3A_622] : memref<128x8x128xf32, #tpu.memory_space<vmem>>, vector<1x8x128xf32>
    %swap3A_624 = vector.shape_cast %swap3A_623 : vector<1x8x128xf32> to vector<8x128xf32>
    %swap3A_625 = vector.shape_cast %slice3A_619 : vector<8x128xf32> to vector<1x8x128xf32>
    tpu.vector_store %arg6[%swap3A_620, %swap3A_621, %swap3A_622], %swap3A_625 {strides = array<i32>} : memref<128x8x128xf32, #tpu.memory_space<vmem>>, vector<1x8x128xf32>,
    %slice3A_626 = vector.extract_strided_slice %add3A_18 {offsets = [0, 11136], sizes = [8, 128], strides = [1, 1]} : vector<8x16384xf32> to vector<8x128xf32>
    %swap3A_627 = arith.constant 87 : index
    %swap3A_628 = arith.constant 0 : index
    %swap3A_629 = arith.constant 0 : index
    %swap3A_630 = vector.load %arg6[%swap3A_627, %swap3A_628, %swap3A_629] : memref<128x8x128xf32, #tpu.memory_space<vmem>>, vector<1x8x128xf32>
    %swap3A_631 = vector.shape_cast %swap3A_630 : vector<1x8x128xf32> to vector<8x128xf32>
    %swap3A_632 = vector.shape_cast %slice3A_626 : vector<8x128xf32> to vector<1x8x128xf32>
    tpu.vector_store %arg6[%swap3A_627, %swap3A_628, %swap3A_629], %swap3A_632 {strides = array<i32>} : memref<128x8x128xf32, #tpu.memory_space<vmem>>, vector<1x8x128xf32>,
    %slice3A_633 = vector.extract_strided_slice %add3A_18 {offsets = [0, 11264], sizes = [8, 128], strides = [1, 1]} : vector<8x16384xf32> to vector<8x128xf32>
    %swap3A_634 = arith.constant 88 : index
    %swap3A_635 = arith.constant 0 : index
    %swap3A_636 = arith.constant 0 : index
    %swap3A_637 = vector.load %arg6[%swap3A_634, %swap3A_635, %swap3A_636] : memref<128x8x128xf32, #tpu.memory_space<vmem>>, vector<1x8x128xf32>
    %swap3A_638 = vector.shape_cast %swap3A_637 : vector<1x8x128xf32> to vector<8x128xf32>
    %swap3A_639 = vector.shape_cast %slice3A_633 : vector<8x128xf32> to vector<1x8x128xf32>
    tpu.vector_store %arg6[%swap3A_634, %swap3A_635, %swap3A_636], %swap3A_639 {strides = array<i32>} : memref<128x8x128xf32, #tpu.memory_space<vmem>>, vector<1x8x128xf32>,
    %slice3A_640 = vector.extract_strided_slice %add3A_18 {offsets = [0, 11392], sizes = [8, 128], strides = [1, 1]} : vector<8x16384xf32> to vector<8x128xf32>
    %swap3A_641 = arith.constant 89 : index
    %swap3A_642 = arith.constant 0 : index
    %swap3A_643 = arith.constant 0 : index
    %swap3A_644 = vector.load %arg6[%swap3A_641, %swap3A_642, %swap3A_643] : memref<128x8x128xf32, #tpu.memory_space<vmem>>, vector<1x8x128xf32>
    %swap3A_645 = vector.shape_cast %swap3A_644 : vector<1x8x128xf32> to vector<8x128xf32>
    %swap3A_646 = vector.shape_cast %slice3A_640 : vector<8x128xf32> to vector<1x8x128xf32>
    tpu.vector_store %arg6[%swap3A_641, %swap3A_642, %swap3A_643], %swap3A_646 {strides = array<i32>} : memref<128x8x128xf32, #tpu.memory_space<vmem>>, vector<1x8x128xf32>,
    %slice3A_647 = vector.extract_strided_slice %add3A_18 {offsets = [0, 11520], sizes = [8, 128], strides = [1, 1]} : vector<8x16384xf32> to vector<8x128xf32>
    %swap3A_648 = arith.constant 90 : index
    %swap3A_649 = arith.constant 0 : index
    %swap3A_650 = arith.constant 0 : index
    %swap3A_651 = vector.load %arg6[%swap3A_648, %swap3A_649, %swap3A_650] : memref<128x8x128xf32, #tpu.memory_space<vmem>>, vector<1x8x128xf32>
    %swap3A_652 = vector.shape_cast %swap3A_651 : vector<1x8x128xf32> to vector<8x128xf32>
    %swap3A_653 = vector.shape_cast %slice3A_647 : vector<8x128xf32> to vector<1x8x128xf32>
    tpu.vector_store %arg6[%swap3A_648, %swap3A_649, %swap3A_650], %swap3A_653 {strides = array<i32>} : memref<128x8x128xf32, #tpu.memory_space<vmem>>, vector<1x8x128xf32>,
    %slice3A_654 = vector.extract_strided_slice %add3A_18 {offsets = [0, 11648], sizes = [8, 128], strides = [1, 1]} : vector<8x16384xf32> to vector<8x128xf32>
    %swap3A_655 = arith.constant 91 : index
    %swap3A_656 = arith.constant 0 : index
    %swap3A_657 = arith.constant 0 : index
    %swap3A_658 = vector.load %arg6[%swap3A_655, %swap3A_656, %swap3A_657] : memref<128x8x128xf32, #tpu.memory_space<vmem>>, vector<1x8x128xf32>
    %swap3A_659 = vector.shape_cast %swap3A_658 : vector<1x8x128xf32> to vector<8x128xf32>
    %swap3A_660 = vector.shape_cast %slice3A_654 : vector<8x128xf32> to vector<1x8x128xf32>
    tpu.vector_store %arg6[%swap3A_655, %swap3A_656, %swap3A_657], %swap3A_660 {strides = array<i32>} : memref<128x8x128xf32, #tpu.memory_space<vmem>>, vector<1x8x128xf32>,
    %slice3A_661 = vector.extract_strided_slice %add3A_18 {offsets = [0, 11776], sizes = [8, 128], strides = [1, 1]} : vector<8x16384xf32> to vector<8x128xf32>
    %swap3A_662 = arith.constant 92 : index
    %swap3A_663 = arith.constant 0 : index
    %swap3A_664 = arith.constant 0 : index
    %swap3A_665 = vector.load %arg6[%swap3A_662, %swap3A_663, %swap3A_664] : memref<128x8x128xf32, #tpu.memory_space<vmem>>, vector<1x8x128xf32>
    %swap3A_666 = vector.shape_cast %swap3A_665 : vector<1x8x128xf32> to vector<8x128xf32>
    %swap3A_667 = vector.shape_cast %slice3A_661 : vector<8x128xf32> to vector<1x8x128xf32>
    tpu.vector_store %arg6[%swap3A_662, %swap3A_663, %swap3A_664], %swap3A_667 {strides = array<i32>} : memref<128x8x128xf32, #tpu.memory_space<vmem>>, vector<1x8x128xf32>,
    %slice3A_668 = vector.extract_strided_slice %add3A_18 {offsets = [0, 11904], sizes = [8, 128], strides = [1, 1]} : vector<8x16384xf32> to vector<8x128xf32>
    %swap3A_669 = arith.constant 93 : index
    %swap3A_670 = arith.constant 0 : index
    %swap3A_671 = arith.constant 0 : index
    %swap3A_672 = vector.load %arg6[%swap3A_669, %swap3A_670, %swap3A_671] : memref<128x8x128xf32, #tpu.memory_space<vmem>>, vector<1x8x128xf32>
    %swap3A_673 = vector.shape_cast %swap3A_672 : vector<1x8x128xf32> to vector<8x128xf32>
    %swap3A_674 = vector.shape_cast %slice3A_668 : vector<8x128xf32> to vector<1x8x128xf32>
    tpu.vector_store %arg6[%swap3A_669, %swap3A_670, %swap3A_671], %swap3A_674 {strides = array<i32>} : memref<128x8x128xf32, #tpu.memory_space<vmem>>, vector<1x8x128xf32>,
    %slice3A_675 = vector.extract_strided_slice %add3A_18 {offsets = [0, 12032], sizes = [8, 128], strides = [1, 1]} : vector<8x16384xf32> to vector<8x128xf32>
    %swap3A_676 = arith.constant 94 : index
    %swap3A_677 = arith.constant 0 : index
    %swap3A_678 = arith.constant 0 : index
    %swap3A_679 = vector.load %arg6[%swap3A_676, %swap3A_677, %swap3A_678] : memref<128x8x128xf32, #tpu.memory_space<vmem>>, vector<1x8x128xf32>
    %swap3A_680 = vector.shape_cast %swap3A_679 : vector<1x8x128xf32> to vector<8x128xf32>
    %swap3A_681 = vector.shape_cast %slice3A_675 : vector<8x128xf32> to vector<1x8x128xf32>
    tpu.vector_store %arg6[%swap3A_676, %swap3A_677, %swap3A_678], %swap3A_681 {strides = array<i32>} : memref<128x8x128xf32, #tpu.memory_space<vmem>>, vector<1x8x128xf32>,
    %slice3A_682 = vector.extract_strided_slice %add3A_18 {offsets = [0, 12160], sizes = [8, 128], strides = [1, 1]} : vector<8x16384xf32> to vector<8x128xf32>
    %swap3A_683 = arith.constant 95 : index
    %swap3A_684 = arith.constant 0 : index
    %swap3A_685 = arith.constant 0 : index
    %swap3A_686 = vector.load %arg6[%swap3A_683, %swap3A_684, %swap3A_685] : memref<128x8x128xf32, #tpu.memory_space<vmem>>, vector<1x8x128xf32>
    %swap3A_687 = vector.shape_cast %swap3A_686 : vector<1x8x128xf32> to vector<8x128xf32>
    %swap3A_688 = vector.shape_cast %slice3A_682 : vector<8x128xf32> to vector<1x8x128xf32>
    tpu.vector_store %arg6[%swap3A_683, %swap3A_684, %swap3A_685], %swap3A_688 {strides = array<i32>} : memref<128x8x128xf32, #tpu.memory_space<vmem>>, vector<1x8x128xf32>,
    %slice3A_689 = vector.extract_strided_slice %add3A_18 {offsets = [0, 12288], sizes = [8, 128], strides = [1, 1]} : vector<8x16384xf32> to vector<8x128xf32>
    %swap3A_690 = arith.constant 96 : index
    %swap3A_691 = arith.constant 0 : index
    %swap3A_692 = arith.constant 0 : index
    %swap3A_693 = vector.load %arg6[%swap3A_690, %swap3A_691, %swap3A_692] : memref<128x8x128xf32, #tpu.memory_space<vmem>>, vector<1x8x128xf32>
    %swap3A_694 = vector.shape_cast %swap3A_693 : vector<1x8x128xf32> to vector<8x128xf32>
    %swap3A_695 = vector.shape_cast %slice3A_689 : vector<8x128xf32> to vector<1x8x128xf32>
    tpu.vector_store %arg6[%swap3A_690, %swap3A_691, %swap3A_692], %swap3A_695 {strides = array<i32>} : memref<128x8x128xf32, #tpu.memory_space<vmem>>, vector<1x8x128xf32>,
    %slice3A_696 = vector.extract_strided_slice %add3A_18 {offsets = [0, 12416], sizes = [8, 128], strides = [1, 1]} : vector<8x16384xf32> to vector<8x128xf32>
    %swap3A_697 = arith.constant 97 : index
    %swap3A_698 = arith.constant 0 : index
    %swap3A_699 = arith.constant 0 : index
    %swap3A_700 = vector.load %arg6[%swap3A_697, %swap3A_698, %swap3A_699] : memref<128x8x128xf32, #tpu.memory_space<vmem>>, vector<1x8x128xf32>
    %swap3A_701 = vector.shape_cast %swap3A_700 : vector<1x8x128xf32> to vector<8x128xf32>
    %swap3A_702 = vector.shape_cast %slice3A_696 : vector<8x128xf32> to vector<1x8x128xf32>
    tpu.vector_store %arg6[%swap3A_697, %swap3A_698, %swap3A_699], %swap3A_702 {strides = array<i32>} : memref<128x8x128xf32, #tpu.memory_space<vmem>>, vector<1x8x128xf32>,
    %slice3A_703 = vector.extract_strided_slice %add3A_18 {offsets = [0, 12544], sizes = [8, 128], strides = [1, 1]} : vector<8x16384xf32> to vector<8x128xf32>
    %swap3A_704 = arith.constant 98 : index
    %swap3A_705 = arith.constant 0 : index
    %swap3A_706 = arith.constant 0 : index
    %swap3A_707 = vector.load %arg6[%swap3A_704, %swap3A_705, %swap3A_706] : memref<128x8x128xf32, #tpu.memory_space<vmem>>, vector<1x8x128xf32>
    %swap3A_708 = vector.shape_cast %swap3A_707 : vector<1x8x128xf32> to vector<8x128xf32>
    %swap3A_709 = vector.shape_cast %slice3A_703 : vector<8x128xf32> to vector<1x8x128xf32>
    tpu.vector_store %arg6[%swap3A_704, %swap3A_705, %swap3A_706], %swap3A_709 {strides = array<i32>} : memref<128x8x128xf32, #tpu.memory_space<vmem>>, vector<1x8x128xf32>,
    %slice3A_710 = vector.extract_strided_slice %add3A_18 {offsets = [0, 12672], sizes = [8, 128], strides = [1, 1]} : vector<8x16384xf32> to vector<8x128xf32>
    %swap3A_711 = arith.constant 99 : index
    %swap3A_712 = arith.constant 0 : index
    %swap3A_713 = arith.constant 0 : index
    %swap3A_714 = vector.load %arg6[%swap3A_711, %swap3A_712, %swap3A_713] : memref<128x8x128xf32, #tpu.memory_space<vmem>>, vector<1x8x128xf32>
    %swap3A_715 = vector.shape_cast %swap3A_714 : vector<1x8x128xf32> to vector<8x128xf32>
    %swap3A_716 = vector.shape_cast %slice3A_710 : vector<8x128xf32> to vector<1x8x128xf32>
    tpu.vector_store %arg6[%swap3A_711, %swap3A_712, %swap3A_713], %swap3A_716 {strides = array<i32>} : memref<128x8x128xf32, #tpu.memory_space<vmem>>, vector<1x8x128xf32>,
    %slice3A_717 = vector.extract_strided_slice %add3A_18 {offsets = [0, 12800], sizes = [8, 128], strides = [1, 1]} : vector<8x16384xf32> to vector<8x128xf32>
    %swap3A_718 = arith.constant 100 : index
    %swap3A_719 = arith.constant 0 : index
    %swap3A_720 = arith.constant 0 : index
    %swap3A_721 = vector.load %arg6[%swap3A_718, %swap3A_719, %swap3A_720] : memref<128x8x128xf32, #tpu.memory_space<vmem>>, vector<1x8x128xf32>
    %swap3A_722 = vector.shape_cast %swap3A_721 : vector<1x8x128xf32> to vector<8x128xf32>
    %swap3A_723 = vector.shape_cast %slice3A_717 : vector<8x128xf32> to vector<1x8x128xf32>
    tpu.vector_store %arg6[%swap3A_718, %swap3A_719, %swap3A_720], %swap3A_723 {strides = array<i32>} : memref<128x8x128xf32, #tpu.memory_space<vmem>>, vector<1x8x128xf32>,
    %slice3A_724 = vector.extract_strided_slice %add3A_18 {offsets = [0, 12928], sizes = [8, 128], strides = [1, 1]} : vector<8x16384xf32> to vector<8x128xf32>
    %swap3A_725 = arith.constant 101 : index
    %swap3A_726 = arith.constant 0 : index
    %swap3A_727 = arith.constant 0 : index
    %swap3A_728 = vector.load %arg6[%swap3A_725, %swap3A_726, %swap3A_727] : memref<128x8x128xf32, #tpu.memory_space<vmem>>, vector<1x8x128xf32>
    %swap3A_729 = vector.shape_cast %swap3A_728 : vector<1x8x128xf32> to vector<8x128xf32>
    %swap3A_730 = vector.shape_cast %slice3A_724 : vector<8x128xf32> to vector<1x8x128xf32>
    tpu.vector_store %arg6[%swap3A_725, %swap3A_726, %swap3A_727], %swap3A_730 {strides = array<i32>} : memref<128x8x128xf32, #tpu.memory_space<vmem>>, vector<1x8x128xf32>,
    %slice3A_731 = vector.extract_strided_slice %add3A_18 {offsets = [0, 13056], sizes = [8, 128], strides = [1, 1]} : vector<8x16384xf32> to vector<8x128xf32>
    %swap3A_732 = arith.constant 102 : index
    %swap3A_733 = arith.constant 0 : index
    %swap3A_734 = arith.constant 0 : index
    %swap3A_735 = vector.load %arg6[%swap3A_732, %swap3A_733, %swap3A_734] : memref<128x8x128xf32, #tpu.memory_space<vmem>>, vector<1x8x128xf32>
    %swap3A_736 = vector.shape_cast %swap3A_735 : vector<1x8x128xf32> to vector<8x128xf32>
    %swap3A_737 = vector.shape_cast %slice3A_731 : vector<8x128xf32> to vector<1x8x128xf32>
    tpu.vector_store %arg6[%swap3A_732, %swap3A_733, %swap3A_734], %swap3A_737 {strides = array<i32>} : memref<128x8x128xf32, #tpu.memory_space<vmem>>, vector<1x8x128xf32>,
    %slice3A_738 = vector.extract_strided_slice %add3A_18 {offsets = [0, 13184], sizes = [8, 128], strides = [1, 1]} : vector<8x16384xf32> to vector<8x128xf32>
    %swap3A_739 = arith.constant 103 : index
    %swap3A_740 = arith.constant 0 : index
    %swap3A_741 = arith.constant 0 : index
    %swap3A_742 = vector.load %arg6[%swap3A_739, %swap3A_740, %swap3A_741] : memref<128x8x128xf32, #tpu.memory_space<vmem>>, vector<1x8x128xf32>
    %swap3A_743 = vector.shape_cast %swap3A_742 : vector<1x8x128xf32> to vector<8x128xf32>
    %swap3A_744 = vector.shape_cast %slice3A_738 : vector<8x128xf32> to vector<1x8x128xf32>
    tpu.vector_store %arg6[%swap3A_739, %swap3A_740, %swap3A_741], %swap3A_744 {strides = array<i32>} : memref<128x8x128xf32, #tpu.memory_space<vmem>>, vector<1x8x128xf32>,
    %slice3A_745 = vector.extract_strided_slice %add3A_18 {offsets = [0, 13312], sizes = [8, 128], strides = [1, 1]} : vector<8x16384xf32> to vector<8x128xf32>
    %swap3A_746 = arith.constant 104 : index
    %swap3A_747 = arith.constant 0 : index
    %swap3A_748 = arith.constant 0 : index
    %swap3A_749 = vector.load %arg6[%swap3A_746, %swap3A_747, %swap3A_748] : memref<128x8x128xf32, #tpu.memory_space<vmem>>, vector<1x8x128xf32>
    %swap3A_750 = vector.shape_cast %swap3A_749 : vector<1x8x128xf32> to vector<8x128xf32>
    %swap3A_751 = vector.shape_cast %slice3A_745 : vector<8x128xf32> to vector<1x8x128xf32>
    tpu.vector_store %arg6[%swap3A_746, %swap3A_747, %swap3A_748], %swap3A_751 {strides = array<i32>} : memref<128x8x128xf32, #tpu.memory_space<vmem>>, vector<1x8x128xf32>,
    %slice3A_752 = vector.extract_strided_slice %add3A_18 {offsets = [0, 13440], sizes = [8, 128], strides = [1, 1]} : vector<8x16384xf32> to vector<8x128xf32>
    %swap3A_753 = arith.constant 105 : index
    %swap3A_754 = arith.constant 0 : index
    %swap3A_755 = arith.constant 0 : index
    %swap3A_756 = vector.load %arg6[%swap3A_753, %swap3A_754, %swap3A_755] : memref<128x8x128xf32, #tpu.memory_space<vmem>>, vector<1x8x128xf32>
    %swap3A_757 = vector.shape_cast %swap3A_756 : vector<1x8x128xf32> to vector<8x128xf32>
    %swap3A_758 = vector.shape_cast %slice3A_752 : vector<8x128xf32> to vector<1x8x128xf32>
    tpu.vector_store %arg6[%swap3A_753, %swap3A_754, %swap3A_755], %swap3A_758 {strides = array<i32>} : memref<128x8x128xf32, #tpu.memory_space<vmem>>, vector<1x8x128xf32>,
    %slice3A_759 = vector.extract_strided_slice %add3A_18 {offsets = [0, 13568], sizes = [8, 128], strides = [1, 1]} : vector<8x16384xf32> to vector<8x128xf32>
    %swap3A_760 = arith.constant 106 : index
    %swap3A_761 = arith.constant 0 : index
    %swap3A_762 = arith.constant 0 : index
    %swap3A_763 = vector.load %arg6[%swap3A_760, %swap3A_761, %swap3A_762] : memref<128x8x128xf32, #tpu.memory_space<vmem>>, vector<1x8x128xf32>
    %swap3A_764 = vector.shape_cast %swap3A_763 : vector<1x8x128xf32> to vector<8x128xf32>
    %swap3A_765 = vector.shape_cast %slice3A_759 : vector<8x128xf32> to vector<1x8x128xf32>
    tpu.vector_store %arg6[%swap3A_760, %swap3A_761, %swap3A_762], %swap3A_765 {strides = array<i32>} : memref<128x8x128xf32, #tpu.memory_space<vmem>>, vector<1x8x128xf32>,
    %slice3A_766 = vector.extract_strided_slice %add3A_18 {offsets = [0, 13696], sizes = [8, 128], strides = [1, 1]} : vector<8x16384xf32> to vector<8x128xf32>
    %swap3A_767 = arith.constant 107 : index
    %swap3A_768 = arith.constant 0 : index
    %swap3A_769 = arith.constant 0 : index
    %swap3A_770 = vector.load %arg6[%swap3A_767, %swap3A_768, %swap3A_769] : memref<128x8x128xf32, #tpu.memory_space<vmem>>, vector<1x8x128xf32>
    %swap3A_771 = vector.shape_cast %swap3A_770 : vector<1x8x128xf32> to vector<8x128xf32>
    %swap3A_772 = vector.shape_cast %slice3A_766 : vector<8x128xf32> to vector<1x8x128xf32>
    tpu.vector_store %arg6[%swap3A_767, %swap3A_768, %swap3A_769], %swap3A_772 {strides = array<i32>} : memref<128x8x128xf32, #tpu.memory_space<vmem>>, vector<1x8x128xf32>,
    %slice3A_773 = vector.extract_strided_slice %add3A_18 {offsets = [0, 13824], sizes = [8, 128], strides = [1, 1]} : vector<8x16384xf32> to vector<8x128xf32>
    %swap3A_774 = arith.constant 108 : index
    %swap3A_775 = arith.constant 0 : index
    %swap3A_776 = arith.constant 0 : index
    %swap3A_777 = vector.load %arg6[%swap3A_774, %swap3A_775, %swap3A_776] : memref<128x8x128xf32, #tpu.memory_space<vmem>>, vector<1x8x128xf32>
    %swap3A_778 = vector.shape_cast %swap3A_777 : vector<1x8x128xf32> to vector<8x128xf32>
    %swap3A_779 = vector.shape_cast %slice3A_773 : vector<8x128xf32> to vector<1x8x128xf32>
    tpu.vector_store %arg6[%swap3A_774, %swap3A_775, %swap3A_776], %swap3A_779 {strides = array<i32>} : memref<128x8x128xf32, #tpu.memory_space<vmem>>, vector<1x8x128xf32>,
    %slice3A_780 = vector.extract_strided_slice %add3A_18 {offsets = [0, 13952], sizes = [8, 128], strides = [1, 1]} : vector<8x16384xf32> to vector<8x128xf32>
    %swap3A_781 = arith.constant 109 : index
    %swap3A_782 = arith.constant 0 : index
    %swap3A_783 = arith.constant 0 : index
    %swap3A_784 = vector.load %arg6[%swap3A_781, %swap3A_782, %swap3A_783] : memref<128x8x128xf32, #tpu.memory_space<vmem>>, vector<1x8x128xf32>
    %swap3A_785 = vector.shape_cast %swap3A_784 : vector<1x8x128xf32> to vector<8x128xf32>
    %swap3A_786 = vector.shape_cast %slice3A_780 : vector<8x128xf32> to vector<1x8x128xf32>
    tpu.vector_store %arg6[%swap3A_781, %swap3A_782, %swap3A_783], %swap3A_786 {strides = array<i32>} : memref<128x8x128xf32, #tpu.memory_space<vmem>>, vector<1x8x128xf32>,
    %slice3A_787 = vector.extract_strided_slice %add3A_18 {offsets = [0, 14080], sizes = [8, 128], strides = [1, 1]} : vector<8x16384xf32> to vector<8x128xf32>
    %swap3A_788 = arith.constant 110 : index
    %swap3A_789 = arith.constant 0 : index
    %swap3A_790 = arith.constant 0 : index
    %swap3A_791 = vector.load %arg6[%swap3A_788, %swap3A_789, %swap3A_790] : memref<128x8x128xf32, #tpu.memory_space<vmem>>, vector<1x8x128xf32>
    %swap3A_792 = vector.shape_cast %swap3A_791 : vector<1x8x128xf32> to vector<8x128xf32>
    %swap3A_793 = vector.shape_cast %slice3A_787 : vector<8x128xf32> to vector<1x8x128xf32>
    tpu.vector_store %arg6[%swap3A_788, %swap3A_789, %swap3A_790], %swap3A_793 {strides = array<i32>} : memref<128x8x128xf32, #tpu.memory_space<vmem>>, vector<1x8x128xf32>,
    %slice3A_794 = vector.extract_strided_slice %add3A_18 {offsets = [0, 14208], sizes = [8, 128], strides = [1, 1]} : vector<8x16384xf32> to vector<8x128xf32>
    %swap3A_795 = arith.constant 111 : index
    %swap3A_796 = arith.constant 0 : index
    %swap3A_797 = arith.constant 0 : index
    %swap3A_798 = vector.load %arg6[%swap3A_795, %swap3A_796, %swap3A_797] : memref<128x8x128xf32, #tpu.memory_space<vmem>>, vector<1x8x128xf32>
    %swap3A_799 = vector.shape_cast %swap3A_798 : vector<1x8x128xf32> to vector<8x128xf32>
    %swap3A_800 = vector.shape_cast %slice3A_794 : vector<8x128xf32> to vector<1x8x128xf32>
    tpu.vector_store %arg6[%swap3A_795, %swap3A_796, %swap3A_797], %swap3A_800 {strides = array<i32>} : memref<128x8x128xf32, #tpu.memory_space<vmem>>, vector<1x8x128xf32>,
    %slice3A_801 = vector.extract_strided_slice %add3A_18 {offsets = [0, 14336], sizes = [8, 128], strides = [1, 1]} : vector<8x16384xf32> to vector<8x128xf32>
    %swap3A_802 = arith.constant 112 : index
    %swap3A_803 = arith.constant 0 : index
    %swap3A_804 = arith.constant 0 : index
    %swap3A_805 = vector.load %arg6[%swap3A_802, %swap3A_803, %swap3A_804] : memref<128x8x128xf32, #tpu.memory_space<vmem>>, vector<1x8x128xf32>
    %swap3A_806 = vector.shape_cast %swap3A_805 : vector<1x8x128xf32> to vector<8x128xf32>
    %swap3A_807 = vector.shape_cast %slice3A_801 : vector<8x128xf32> to vector<1x8x128xf32>
    tpu.vector_store %arg6[%swap3A_802, %swap3A_803, %swap3A_804], %swap3A_807 {strides = array<i32>} : memref<128x8x128xf32, #tpu.memory_space<vmem>>, vector<1x8x128xf32>,
    %slice3A_808 = vector.extract_strided_slice %add3A_18 {offsets = [0, 14464], sizes = [8, 128], strides = [1, 1]} : vector<8x16384xf32> to vector<8x128xf32>
    %swap3A_809 = arith.constant 113 : index
    %swap3A_810 = arith.constant 0 : index
    %swap3A_811 = arith.constant 0 : index
    %swap3A_812 = vector.load %arg6[%swap3A_809, %swap3A_810, %swap3A_811] : memref<128x8x128xf32, #tpu.memory_space<vmem>>, vector<1x8x128xf32>
    %swap3A_813 = vector.shape_cast %swap3A_812 : vector<1x8x128xf32> to vector<8x128xf32>
    %swap3A_814 = vector.shape_cast %slice3A_808 : vector<8x128xf32> to vector<1x8x128xf32>
    tpu.vector_store %arg6[%swap3A_809, %swap3A_810, %swap3A_811], %swap3A_814 {strides = array<i32>} : memref<128x8x128xf32, #tpu.memory_space<vmem>>, vector<1x8x128xf32>,
    %slice3A_815 = vector.extract_strided_slice %add3A_18 {offsets = [0, 14592], sizes = [8, 128], strides = [1, 1]} : vector<8x16384xf32> to vector<8x128xf32>
    %swap3A_816 = arith.constant 114 : index
    %swap3A_817 = arith.constant 0 : index
    %swap3A_818 = arith.constant 0 : index
    %swap3A_819 = vector.load %arg6[%swap3A_816, %swap3A_817, %swap3A_818] : memref<128x8x128xf32, #tpu.memory_space<vmem>>, vector<1x8x128xf32>
    %swap3A_820 = vector.shape_cast %swap3A_819 : vector<1x8x128xf32> to vector<8x128xf32>
    %swap3A_821 = vector.shape_cast %slice3A_815 : vector<8x128xf32> to vector<1x8x128xf32>
    tpu.vector_store %arg6[%swap3A_816, %swap3A_817, %swap3A_818], %swap3A_821 {strides = array<i32>} : memref<128x8x128xf32, #tpu.memory_space<vmem>>, vector<1x8x128xf32>,
    %slice3A_822 = vector.extract_strided_slice %add3A_18 {offsets = [0, 14720], sizes = [8, 128], strides = [1, 1]} : vector<8x16384xf32> to vector<8x128xf32>
    %swap3A_823 = arith.constant 115 : index
    %swap3A_824 = arith.constant 0 : index
    %swap3A_825 = arith.constant 0 : index
    %swap3A_826 = vector.load %arg6[%swap3A_823, %swap3A_824, %swap3A_825] : memref<128x8x128xf32, #tpu.memory_space<vmem>>, vector<1x8x128xf32>
    %swap3A_827 = vector.shape_cast %swap3A_826 : vector<1x8x128xf32> to vector<8x128xf32>
    %swap3A_828 = vector.shape_cast %slice3A_822 : vector<8x128xf32> to vector<1x8x128xf32>
    tpu.vector_store %arg6[%swap3A_823, %swap3A_824, %swap3A_825], %swap3A_828 {strides = array<i32>} : memref<128x8x128xf32, #tpu.memory_space<vmem>>, vector<1x8x128xf32>,
    %slice3A_829 = vector.extract_strided_slice %add3A_18 {offsets = [0, 14848], sizes = [8, 128], strides = [1, 1]} : vector<8x16384xf32> to vector<8x128xf32>
    %swap3A_830 = arith.constant 116 : index
    %swap3A_831 = arith.constant 0 : index
    %swap3A_832 = arith.constant 0 : index
    %swap3A_833 = vector.load %arg6[%swap3A_830, %swap3A_831, %swap3A_832] : memref<128x8x128xf32, #tpu.memory_space<vmem>>, vector<1x8x128xf32>
    %swap3A_834 = vector.shape_cast %swap3A_833 : vector<1x8x128xf32> to vector<8x128xf32>
    %swap3A_835 = vector.shape_cast %slice3A_829 : vector<8x128xf32> to vector<1x8x128xf32>
    tpu.vector_store %arg6[%swap3A_830, %swap3A_831, %swap3A_832], %swap3A_835 {strides = array<i32>} : memref<128x8x128xf32, #tpu.memory_space<vmem>>, vector<1x8x128xf32>,
    %slice3A_836 = vector.extract_strided_slice %add3A_18 {offsets = [0, 14976], sizes = [8, 128], strides = [1, 1]} : vector<8x16384xf32> to vector<8x128xf32>
    %swap3A_837 = arith.constant 117 : index
    %swap3A_838 = arith.constant 0 : index
    %swap3A_839 = arith.constant 0 : index
    %swap3A_840 = vector.load %arg6[%swap3A_837, %swap3A_838, %swap3A_839] : memref<128x8x128xf32, #tpu.memory_space<vmem>>, vector<1x8x128xf32>
    %swap3A_841 = vector.shape_cast %swap3A_840 : vector<1x8x128xf32> to vector<8x128xf32>
    %swap3A_842 = vector.shape_cast %slice3A_836 : vector<8x128xf32> to vector<1x8x128xf32>
    tpu.vector_store %arg6[%swap3A_837, %swap3A_838, %swap3A_839], %swap3A_842 {strides = array<i32>} : memref<128x8x128xf32, #tpu.memory_space<vmem>>, vector<1x8x128xf32>,
    %slice3A_843 = vector.extract_strided_slice %add3A_18 {offsets = [0, 15104], sizes = [8, 128], strides = [1, 1]} : vector<8x16384xf32> to vector<8x128xf32>
    %swap3A_844 = arith.constant 118 : index
    %swap3A_845 = arith.constant 0 : index
    %swap3A_846 = arith.constant 0 : index
    %swap3A_847 = vector.load %arg6[%swap3A_844, %swap3A_845, %swap3A_846] : memref<128x8x128xf32, #tpu.memory_space<vmem>>, vector<1x8x128xf32>
    %swap3A_848 = vector.shape_cast %swap3A_847 : vector<1x8x128xf32> to vector<8x128xf32>
    %swap3A_849 = vector.shape_cast %slice3A_843 : vector<8x128xf32> to vector<1x8x128xf32>
    tpu.vector_store %arg6[%swap3A_844, %swap3A_845, %swap3A_846], %swap3A_849 {strides = array<i32>} : memref<128x8x128xf32, #tpu.memory_space<vmem>>, vector<1x8x128xf32>,
    %slice3A_850 = vector.extract_strided_slice %add3A_18 {offsets = [0, 15232], sizes = [8, 128], strides = [1, 1]} : vector<8x16384xf32> to vector<8x128xf32>
    %swap3A_851 = arith.constant 119 : index
    %swap3A_852 = arith.constant 0 : index
    %swap3A_853 = arith.constant 0 : index
    %swap3A_854 = vector.load %arg6[%swap3A_851, %swap3A_852, %swap3A_853] : memref<128x8x128xf32, #tpu.memory_space<vmem>>, vector<1x8x128xf32>
    %swap3A_855 = vector.shape_cast %swap3A_854 : vector<1x8x128xf32> to vector<8x128xf32>
    %swap3A_856 = vector.shape_cast %slice3A_850 : vector<8x128xf32> to vector<1x8x128xf32>
    tpu.vector_store %arg6[%swap3A_851, %swap3A_852, %swap3A_853], %swap3A_856 {strides = array<i32>} : memref<128x8x128xf32, #tpu.memory_space<vmem>>, vector<1x8x128xf32>,
    %slice3A_857 = vector.extract_strided_slice %add3A_18 {offsets = [0, 15360], sizes = [8, 128], strides = [1, 1]} : vector<8x16384xf32> to vector<8x128xf32>
    %swap3A_858 = arith.constant 120 : index
    %swap3A_859 = arith.constant 0 : index
    %swap3A_860 = arith.constant 0 : index
    %swap3A_861 = vector.load %arg6[%swap3A_858, %swap3A_859, %swap3A_860] : memref<128x8x128xf32, #tpu.memory_space<vmem>>, vector<1x8x128xf32>
    %swap3A_862 = vector.shape_cast %swap3A_861 : vector<1x8x128xf32> to vector<8x128xf32>
    %swap3A_863 = vector.shape_cast %slice3A_857 : vector<8x128xf32> to vector<1x8x128xf32>
    tpu.vector_store %arg6[%swap3A_858, %swap3A_859, %swap3A_860], %swap3A_863 {strides = array<i32>} : memref<128x8x128xf32, #tpu.memory_space<vmem>>, vector<1x8x128xf32>,
    %slice3A_864 = vector.extract_strided_slice %add3A_18 {offsets = [0, 15488], sizes = [8, 128], strides = [1, 1]} : vector<8x16384xf32> to vector<8x128xf32>
    %swap3A_865 = arith.constant 121 : index
    %swap3A_866 = arith.constant 0 : index
    %swap3A_867 = arith.constant 0 : index
    %swap3A_868 = vector.load %arg6[%swap3A_865, %swap3A_866, %swap3A_867] : memref<128x8x128xf32, #tpu.memory_space<vmem>>, vector<1x8x128xf32>
    %swap3A_869 = vector.shape_cast %swap3A_868 : vector<1x8x128xf32> to vector<8x128xf32>
    %swap3A_870 = vector.shape_cast %slice3A_864 : vector<8x128xf32> to vector<1x8x128xf32>
    tpu.vector_store %arg6[%swap3A_865, %swap3A_866, %swap3A_867], %swap3A_870 {strides = array<i32>} : memref<128x8x128xf32, #tpu.memory_space<vmem>>, vector<1x8x128xf32>,
    %slice3A_871 = vector.extract_strided_slice %add3A_18 {offsets = [0, 15616], sizes = [8, 128], strides = [1, 1]} : vector<8x16384xf32> to vector<8x128xf32>
    %swap3A_872 = arith.constant 122 : index
    %swap3A_873 = arith.constant 0 : index
    %swap3A_874 = arith.constant 0 : index
    %swap3A_875 = vector.load %arg6[%swap3A_872, %swap3A_873, %swap3A_874] : memref<128x8x128xf32, #tpu.memory_space<vmem>>, vector<1x8x128xf32>
    %swap3A_876 = vector.shape_cast %swap3A_875 : vector<1x8x128xf32> to vector<8x128xf32>
    %swap3A_877 = vector.shape_cast %slice3A_871 : vector<8x128xf32> to vector<1x8x128xf32>
    tpu.vector_store %arg6[%swap3A_872, %swap3A_873, %swap3A_874], %swap3A_877 {strides = array<i32>} : memref<128x8x128xf32, #tpu.memory_space<vmem>>, vector<1x8x128xf32>,
    %slice3A_878 = vector.extract_strided_slice %add3A_18 {offsets = [0, 15744], sizes = [8, 128], strides = [1, 1]} : vector<8x16384xf32> to vector<8x128xf32>
    %swap3A_879 = arith.constant 123 : index
    %swap3A_880 = arith.constant 0 : index
    %swap3A_881 = arith.constant 0 : index
    %swap3A_882 = vector.load %arg6[%swap3A_879, %swap3A_880, %swap3A_881] : memref<128x8x128xf32, #tpu.memory_space<vmem>>, vector<1x8x128xf32>
    %swap3A_883 = vector.shape_cast %swap3A_882 : vector<1x8x128xf32> to vector<8x128xf32>
    %swap3A_884 = vector.shape_cast %slice3A_878 : vector<8x128xf32> to vector<1x8x128xf32>
    tpu.vector_store %arg6[%swap3A_879, %swap3A_880, %swap3A_881], %swap3A_884 {strides = array<i32>} : memref<128x8x128xf32, #tpu.memory_space<vmem>>, vector<1x8x128xf32>,
    %slice3A_885 = vector.extract_strided_slice %add3A_18 {offsets = [0, 15872], sizes = [8, 128], strides = [1, 1]} : vector<8x16384xf32> to vector<8x128xf32>
    %swap3A_886 = arith.constant 124 : index
    %swap3A_887 = arith.constant 0 : index
    %swap3A_888 = arith.constant 0 : index
    %swap3A_889 = vector.load %arg6[%swap3A_886, %swap3A_887, %swap3A_888] : memref<128x8x128xf32, #tpu.memory_space<vmem>>, vector<1x8x128xf32>
    %swap3A_890 = vector.shape_cast %swap3A_889 : vector<1x8x128xf32> to vector<8x128xf32>
    %swap3A_891 = vector.shape_cast %slice3A_885 : vector<8x128xf32> to vector<1x8x128xf32>
    tpu.vector_store %arg6[%swap3A_886, %swap3A_887, %swap3A_888], %swap3A_891 {strides = array<i32>} : memref<128x8x128xf32, #tpu.memory_space<vmem>>, vector<1x8x128xf32>,
    %slice3A_892 = vector.extract_strided_slice %add3A_18 {offsets = [0, 16000], sizes = [8, 128], strides = [1, 1]} : vector<8x16384xf32> to vector<8x128xf32>
    %swap3A_893 = arith.constant 125 : index
    %swap3A_894 = arith.constant 0 : index
    %swap3A_895 = arith.constant 0 : index
    %swap3A_896 = vector.load %arg6[%swap3A_893, %swap3A_894, %swap3A_895] : memref<128x8x128xf32, #tpu.memory_space<vmem>>, vector<1x8x128xf32>
    %swap3A_897 = vector.shape_cast %swap3A_896 : vector<1x8x128xf32> to vector<8x128xf32>
    %swap3A_898 = vector.shape_cast %slice3A_892 : vector<8x128xf32> to vector<1x8x128xf32>
    tpu.vector_store %arg6[%swap3A_893, %swap3A_894, %swap3A_895], %swap3A_898 {strides = array<i32>} : memref<128x8x128xf32, #tpu.memory_space<vmem>>, vector<1x8x128xf32>,
    %slice3A_899 = vector.extract_strided_slice %add3A_18 {offsets = [0, 16128], sizes = [8, 128], strides = [1, 1]} : vector<8x16384xf32> to vector<8x128xf32>
    %swap3A_900 = arith.constant 126 : index
    %swap3A_901 = arith.constant 0 : index
    %swap3A_902 = arith.constant 0 : index
    %swap3A_903 = vector.load %arg6[%swap3A_900, %swap3A_901, %swap3A_902] : memref<128x8x128xf32, #tpu.memory_space<vmem>>, vector<1x8x128xf32>
    %swap3A_904 = vector.shape_cast %swap3A_903 : vector<1x8x128xf32> to vector<8x128xf32>
    %swap3A_905 = vector.shape_cast %slice3A_899 : vector<8x128xf32> to vector<1x8x128xf32>
    tpu.vector_store %arg6[%swap3A_900, %swap3A_901, %swap3A_902], %swap3A_905 {strides = array<i32>} : memref<128x8x128xf32, #tpu.memory_space<vmem>>, vector<1x8x128xf32>,
    %slice3A_906 = vector.extract_strided_slice %add3A_18 {offsets = [0, 16256], sizes = [8, 128], strides = [1, 1]} : vector<8x16384xf32> to vector<8x128xf32>
    %swap3A_907 = arith.constant 127 : index
    %swap3A_908 = arith.constant 0 : index
    %swap3A_909 = arith.constant 0 : index
    %swap3A_910 = vector.load %arg6[%swap3A_907, %swap3A_908, %swap3A_909] : memref<128x8x128xf32, #tpu.memory_space<vmem>>, vector<1x8x128xf32>
    %swap3A_911 = vector.shape_cast %swap3A_910 : vector<1x8x128xf32> to vector<8x128xf32>
    %swap3A_912 = vector.shape_cast %slice3A_906 : vector<8x128xf32> to vector<1x8x128xf32>
    tpu.vector_store %arg6[%swap3A_907, %swap3A_908, %swap3A_909], %swap3A_912 {strides = array<i32>} : memref<128x8x128xf32, #tpu.memory_space<vmem>>, vector<1x8x128xf32>,
    return
  }
  func.func @transform_0(%arg0: i32) -> (i32, i32, i32) {
    %c0_i32 = arith.constant 0 : i32
    %c0_i32_0 = arith.constant 0 : i32
    %c0_i32_1 = arith.constant 0 : i32
    return %arg0, %c0_i32, %c0_i32_0 : i32, i32, i32
  }
  func.func @transform_1(%arg0: i32) -> (i32, i32) {
    %c0_i32 = arith.constant 0 : i32
    %c0_i32_0 = arith.constant 0 : i32
    %c0_i32_1 = arith.constant 0 : i32
    return %c0_i32, %c0_i32_0 : i32, i32
  }
  func.func @transform_2(%arg0: i32) -> (i32, i32) {
    %c0_i32 = arith.constant 0 : i32
    %c0_i32_0 = arith.constant 0 : i32
    return %arg0, %c0_i32 : i32, i32
  }
  func.func @transform_3(%arg0: i32) -> (i32, i32) {
    %c0_i32 = arith.constant 0 : i32
    %c0_i32_0 = arith.constant 0 : i32
    %c0_i32_1 = arith.constant 0 : i32
    return %c0_i32, %c0_i32_0 : i32, i32
  }
  func.func @transform_4(%arg0: i32) -> (i32, i32) {
    %c0_i32 = arith.constant 0 : i32
    %c0_i32_0 = arith.constant 0 : i32
    %c0_i32_1 = arith.constant 0 : i32
    return %c0_i32, %c0_i32_0 : i32, i32
  }
  func.func @transform_5(%arg0: i32) -> (i32, i32, i32) {
    %c0_i32 = arith.constant 0 : i32
    %c0_i32_0 = arith.constant 0 : i32
    %c0_i32_1 = arith.constant 0 : i32
    return %arg0, %c0_i32, %c0_i32_0 : i32, i32, i32
  }
}

</mosaic_0001>

<sc_bundles>
// kernel: kernel.5.cloned.1.call-start
scs
__scs_entry_jumppad:
0x0: {  	(pc) =	sbr.rel $0x88, $3  }
0x1: {  	(tag) =	ssettag $0x0;
	lr =	simm.s32 $0x1  }
0x2: {  	[smem:$0x3F96] =	sst lr;
	_ =	strace $0xD0000000  }
0x3: {  	_ = 	snop  }
0x4: {  	_ = 	snop  }
0x5: {  	_ = 	snop  }
0x6: {  	_ = 	snop  }
0x7: {  	_ = 	snop  }
__scs_overlays_trampoline_lowered:
0x8: {  	[smem:$0x3FA5] =	sst s0  }
0x9: {  	[smem:$0x3FA6] =	sst s1  }
0xa: {  	[smem:$0x3FA7] =	sst s2  }
0xb: {  	[smem:$0x3FA8] =	sst s3  }
0xc: {  	[smem:$0x3FA9] =	sst s4  }
0xd: {  	[smem:$0x3FAA] =	sst s5  }
0xe: {  	[smem:$0x3FAB] =	sst s6  }
0xf: {  	[smem:$0x3FAC] =	sst s7  }
0x10: {  	[smem:$0x3FAD] =	sst s8  }
0x11: {  	[smem:$0x3FAE] =	sst s9;
	s0 =	simm.s32 @!p0 $0x0  }
0x12: {  	s1 =	sld [smem:$0x3F94];
	s0 =	simm.s32 @p0 $0x1  }
0x13: {  	[smem:$0x3FAF] =	sst s0;
	s0 =	simm.s32 @!p1 $0x0  }
0x14: {  	s2 =	sld [smem:$0x3F93];
	s0 =	simm.s32 @p1 $0x1  }
0x15: {  	[smem:$0x3FB0] =	sst s0;
	s0 =	simm.s32 @!p2 $0x0  }
0x16: {  	s3 =	sld [smem:$0x3FDB];
	s0 =	simm.s32 @p2 $0x1  }
0x17: {  	s4 =	simm.s32 $0x1BF5;
	[smem:$0x3FB2] =	sst s0  }
0x18: {  	s0 =	sld [smem:$0x3F95];
	_ =	swait.ge [sflag:s4], $0x0  }
0x19: {  	s7 =	sld [smem:$0x3F96]  }
0x1a: {  	s8 =	sadd.s32 $0xFFFFE003, lr  }
0x1b: {  	s9 =	sadd.s32 $0xFFFFFEF7, lr;
	s5 =	simm.s32 $0xFFFFFFFF;
	p2 =	slt.u32 s8, $0xFFFFF086  }
0x1c: {  	p1 =	slt.u32 s9, $0xF7A;
	s5 =	simm.s32 @!p2 $0x0  }
0x1d: {  	s5 =	simm.s32 @p1 $0x1;
	p0 =	seq.s32 s7, s2  }
0x1e: {  	s7 =	smul.u32 @!p0 $0xF7A, s2;
	p2 =	seq.s32 @!p0 s5, $0x0  }
0x1f: {  	s9 =	smul.u32 $0xF7A, s1;
	s8 =	simm.s32 @!p0 $0x1BF5;
	p2 =	por !p2, p0  }
0x20: {  	[sflag:s8] =	ssyncset.s32 @!p0 $0xFFFFF086;
	s6 =	sadd.s32 @!p0 s3, s7;
	s7 =	simm.s32 @!p0 $0x108  }
0x21: {  	s3 =	sadd.s32 s3, s9;
	s6 =	sadd.s32 @!p0 $0x88, s6;
	s7 =	simm.s32 @p2 $0x1082  }
0x22: {  	[simem:s7], [sflag:s8] =	dma.local @!p0 [hbm:s6], $0xF7A  }
0x23: {  	s9 =	sor.u32 $0xD0000000, s2;
	s6 =	simm.s32 $0x108;
	_ =	swait.ge @!p0 [sflag:s8], $0x0  }
0x24: {  	s3 =	sadd.s32 $0x88, s3;
	s6 =	simm.s32 @!p1 $0x1082;
	[sflag:s4] =	ssyncset.s32 $0xFFFFF086  }
0x25: {  	[simem:s6], [sflag:s4] =	dma.local [hbm:s3], $0xF7A  }
0x26: {  	[smem:$0x3F96] =	sst s1;
	(tag) =	ssettag s2;
	_ =	strace s9  }
0x27: {  	s1 =	sld [smem:$0x3FA6]  }
0x28: {  	s2 =	sld [smem:$0x3FA7]  }
0x29: {  	s4 =	sld [smem:$0x3FA9]  }
0x2a: {  	p0 =	seq.s32 s5, $0x0;
	s5 =	sld [smem:$0x3FAA]  }
0x2b: {  	s6 =	sld [smem:$0x3FAB]  }
0x2c: {  	s7 =	sld [smem:$0x3FAC]  }
0x2d: {  	s3 =	simm.s32 $0x108;
	s8 =	sld [smem:$0x3FAD]  }
0x2e: {  	s3 =	simm.s32 @!p0 $0x1082;
	s9 =	sld [smem:$0x3FAE]  }
0x2f: {  	lr =	sadd.s32 s0, s3;
	s0 =	sld [smem:$0x3FA5]  }
0x30: {  	s3 =	sld [smem:$0x3FA8]  }
0x31: {  	[smem:$0x3FB1] =	sst s10  }
0x32: {  	s10 =	sld [smem:$0x3FAF];
	_ =	sdelay $0x3  }
0x33: {  	p0 =	seq.s32 s10, $0x1;
	s10 =	sld [smem:$0x3FB1];
	_ =	sdelay $0x3  }
0x34: {  	[smem:$0x3FB1] =	sst s10  }
0x35: {  	s10 =	sld [smem:$0x3FB0];
	_ =	sdelay $0x3  }
0x36: {  	p1 =	seq.s32 s10, $0x1;
	s10 =	sld [smem:$0x3FB1];
	_ =	sdelay $0x3  }
0x37: {  	[smem:$0x3FB1] =	sst s10  }
0x38: {  	s10 =	sld [smem:$0x3FB2]  }
0x39: {  	_ = 	snop;
	(pc) =	sbr.ind lr, $3  }
0x3a: {  	_ = 	snop  }
0x3b: {  	_ = 	snop  }
0x3c: {  	p2 =	seq.s32 s10, $0x1;
	s10 =	sld [smem:$0x3FB1]  }
0x3d: {  	_ =	shalt  }
0x3e: {  	_ =	shalt  }
0x3f: {  	_ =	shalt  }
0x40: {  	_ =	shalt  }
0x41: {  	_ =	shalt  }
0x42: {  	_ =	shalt  }
0x43: {  	_ =	shalt  }
0x44: {  	_ =	shalt  }
0x45: {  	_ =	shalt  }
0x46: {  	_ =	shalt  }
0x47: {  	_ =	shalt  }
0x48: {  	_ =	shalt  }
0x49: {  	_ =	shalt  }
0x4a: {  	_ =	shalt  }
0x4b: {  	_ =	shalt  }
0x4c: {  	_ =	shalt  }
0x4d: {  	_ =	shalt  }
0x4e: {  	_ =	shalt  }
0x4f: {  	_ =	shalt  }
0x50: {  	_ =	shalt  }
0x51: {  	_ =	shalt  }
0x52: {  	_ =	shalt  }
0x53: {  	_ =	shalt  }
0x54: {  	_ =	shalt  }
0x55: {  	_ =	shalt  }
0x56: {  	_ =	shalt  }
0x57: {  	_ =	shalt  }
0x58: {  	_ =	shalt  }
0x59: {  	_ =	shalt  }
0x5a: {  	_ =	shalt  }
0x5b: {  	_ =	shalt  }
0x5c: {  	_ =	shalt  }
0x5d: {  	_ =	shalt  }
0x5e: {  	_ =	shalt  }
0x5f: {  	_ =	shalt  }
0x60: {  	_ =	shalt  }
0x61: {  	_ =	shalt  }
0x62: {  	_ =	shalt  }
0x63: {  	_ =	shalt  }
0x64: {  	_ =	shalt  }
0x65: {  	_ =	shalt  }
0x66: {  	_ =	shalt  }
0x67: {  	_ =	shalt  }
0x68: {  	_ =	shalt  }
0x69: {  	_ =	shalt  }
0x6a: {  	_ =	shalt  }
0x6b: {  	_ =	shalt  }
0x6c: {  	_ =	shalt  }
0x6d: {  	_ =	shalt  }
0x6e: {  	_ =	shalt  }
0x6f: {  	_ =	shalt  }
0x70: {  	_ =	shalt  }
0x71: {  	_ =	shalt  }
0x72: {  	_ =	shalt  }
0x73: {  	_ =	shalt  }
0x74: {  	_ =	shalt  }
0x75: {  	_ =	shalt  }
0x76: {  	_ =	shalt  }
0x77: {  	_ =	shalt  }
0x78: {  	_ =	shalt  }
0x79: {  	_ =	shalt  }
0x7a: {  	_ =	shalt  }
0x7b: {  	_ =	shalt  }
0x7c: {  	_ =	shalt  }
0x7d: {  	_ =	shalt  }
0x7e: {  	_ =	shalt  }
0x7f: {  	_ =	shalt  }
0x80: {  	_ =	shalt  }
0x81: {  	_ =	shalt  }
0x82: {  	_ =	shalt  }
0x83: {  	_ =	shalt  }
0x84: {  	_ =	shalt  }
0x85: {  	_ =	shalt  }
0x86: {  	_ =	shalt  }
0x87: {  	_ =	shalt  }
.Lfunc_end0:
.L_simem_size_0:
called_computation_lowered:
.L_overlay_start_0:
0x88: {  	s2 =	sld [smem:$0x3FD9]  }
0x89: {  	s3 =	sld [smem:$0x3FFE];
	_ =	sdelay $0x1  }
0x8a: {  	s1 =	srdreg.scid  }
0x8b: {  	s0 =	sand.u32 $0x1, s1  }
0x8c: {  	s17 =	sshll.u32 s0, $0xA;
	s2 =	sadd.s32 s3, s2  }
0x8d: {  	s2 =	sadd.s32 s2, s17  }
0x8e: {  	[smem:$0x3FBD] =	sst s2  }
0x8f: {  	_ = 	snop  }
0x90: {  	s2 =	sld [smem:$0x3FC7]  }
0x91: {  	s18 =	sld [smem:$0x3FC6]  }
0x92: {  	s4 =	sld [smem:$0x3FC5]  }
0x93: {  	s5 =	sld [smem:$0x3FC4];
	(tm) =	ssettm $0x1  }
0x94: {  	s6 =	sld [smem:$0x3FFB];
	_ =	sdelay $0x3  }
0x95: {  	_ =	strace s6  }
0x96: {  	s6 =	sld [smem:$0x3FFC];
	_ =	sdelay $0x3  }
0x97: {  	_ =	strace s6  }
0x98: {  	s6 =	sld [smem:$0x3FFD];
	_ =	sdelay $0x3  }
0x99: {  	_ =	strace s6  }
0x9a: {  	_ =	strace $0x8FFFFFFF  }
0x9b: {  	s19 =	sld [smem:$0x3FDB];
	_ =	sdelay $0x1  }
0x9c: {  	s7 =	simm.s32 $_scs_section_size  }
0x9d: {  	s8 =	simm.s32 $_size__tile_overlayer_lowered;
	s9 =	simm.s32 $_tile_overlayer_lowered  }
0x9e: {  	s22 =	simm.s32 $0x1BFF;
	s21 =	sshll.u32 s9, $0x1;
	s6 =	sadd.s32 s7, s19  }
0x9f: {  	s10 =	simm.s32 $0x0;
	s20 =	sshll.u32 s8, $0x1;
	s8 =	sadd.s32 s21, s6  }
0xa0: {  	[timem:s10], [sflag:s22] =	dma.local [hbm:s8], s20  }
0xa1: {  	_ =	swait.ge [sflag:s22], s20  }
0xa2: {  	s7 =	ssub.s32 $0x0, s20;
	[sflag:s22] =	ssyncset.done $0x0  }
0xa3: {  	[sflag:s22] =	ssyncadd.s32 s7;
	_ =	sdelay $0x1  }
0xa4: {  	s23 =	simm.s32 $0x1B8B  }
0xa5: {  	_ =	swait.ge [sflag:s23], $0x1  }
0xa6: {  	[sflag:s23] =	ssyncset.done $0x0  }
0xa7: {  	s25 =	simm.s32 $0x1B8E;
	s24 =	sld [smem:$0x3FFE];
	[sflag:s23] =	ssyncadd.s32 $0xFFFFFFFF  }
0xa8: {  	s26 =	simm.s32 $execute0_lowered;
	[smem:$0x3FD2] =	sst s25  }
0xa9: {  	s8 =	sshll.u32 s26, $0x1;
	_ =	strace $0x80000046;
	[dreg:$0x1] =	wrdreg $0xFFFFFFFF  }
0xaa: {  	s28 =	simm.s32 $_size_execute0_lowered;
	s6 =	sadd.s32 s6, s8;
	[dreg:$0x0] =	wrdreg $0x0  }
0xab: {  	s8 =	sshll.u32 s28, $0x1;
	[dreg:$0x2] =	wrdreg s6  }
0xac: {  	[dreg:$0x3] =	wrdreg s8  }
0xad: {  	[dreg:$0x4] =	wrdreg $0xC0  }
0xae: {  	_ =	task [dreg:s10], $0x5FFFF  }
0xaf: {  	[dreg:$0x1] =	wrdreg $0xFFFFFFFF  }
0xb0: {  	[dreg:$0x0] =	wrdreg $0x60  }
0xb1: {  	[dreg:$0x2] =	wrdreg s24  }
0xb2: {  	[dreg:$0x3] =	wrdreg s2  }
0xb3: {  	[dreg:$0x4] =	wrdreg s18  }
0xb4: {  	[dreg:$0x5] =	wrdreg s4  }
0xb5: {  	[dreg:$0x6] =	wrdreg s5  }
0xb6: {  	[dreg:$0x7] =	wrdreg $0x9  }
0xb7: {  	_ =	task.clear_ibuf [dreg:s10], $0x8FFFF;
	_ =	strace $0x90000046  }
0xb8: {  	s29 =	simm.s32 $0x9;
	_ =	strace $0x80000048  }
0xb9: {  	_ =	swait.ge [sflag:s29], $0x1  }
0xba: {  	[sflag:s29] =	ssyncadd.s32 $0xFFFFFFFF  }
0xbb: {  	_ =	strace $0x90000048  }
0xbc: {  	_ =	sfence  }
0xbd: {  	s30 =	sld [smem:$0x0];
	_ =	sdelay $0x2  }
0xbe: {  	s31 =	sshll.u32 s1, $0xD;
	s1 =	sshrl.u32 s1, $0x2  }
0xbf: {  	s3 =	sand.u32 $0x4000, s31;
	s1 =	sadd.s32 s1, s30  }
0xc0: {  	s0 =	sor.u32 s3, s0;
	s1 =	sshll.u32 s1, $0x11  }
0xc1: {  	s0 =	sor.u32 s1, s0  }
0xc2: {  	s0 =	sadd.s32 $0x8F2B, s0  }
0xc3: {  	[sflag:s0] =	ssyncadd.remote.s32 $0x1  }
0xc4: {  	_ =	sfence.sel $0xFFFF  }
0xc5: {  	[dreg:$0x0] =	wrdreg $0xFFFFFFFF;
	(pc) =	sbr.abs _section_cstart, $3  }
0xc6: {  	[dreg:$0x1] =	wrdreg $0xFFFFFFFF  }
0xc7: {  	_ =	task.clear_ibuf [dreg:s10], $0x2FFFF;
	_ =	strace $0x9FFFFFFF  }
0xc8: {  	(tm) =	ssettm $0x7FFFFFFF  }
0xc9: {  	_ =	shalt  }
tec
execute0_lowered:
.L_overlay_start_1:
0x0: {  	(tag) =	ssettag $0x1  }
0x1: {  	s14 =	rddreg [dreg:$0x0]  }
0x2: {  	s9 =	rddreg [dreg:$0x1]  }
0x3: {  	s10 =	rddreg [dreg:$0x2]  }
0x4: {  	s11 =	rddreg [dreg:$0x3];
	s1 =	srdreg.scid  }
0x5: {  	s0 =	stileid.u32;
	s12 =	rddreg [dreg:$0x4]  }
0x6: {  	s2 =	simm.s32 $0x0;
	s3 =	sand.u32 $0x1, s1;
	s1 =	rddreg [dreg:$0x5]  }
0x7: {  	s16 =	simm.s32 $0x80;
	s4 =	sshll.u32 s0, $0x1;
	[smem:$0x7FF] =	sst s2  }
0x8: {  	s17 =	sor.u32 s3, s4;
	_ =	strace $0x80000047;
	s31 =	ssub.s32 $0x2, s3  }
0x9: {  	s3 =	sadd.s32 $0x1000, s14;
	s4 =	simm.s32 $0x2B;
	s8 =	smul.u32 $0x310, s17  }
0xa: {  	s5 =	sshrl.u32 s31, $0x1;
	p0 =	seq.s32 s17, $0x1F;
	p1 =	sne.s32 s17, $0x1F  }
0xb: {  	s17 =	simm.s32 $0x1;
	s15 =	ssub.s32 s31, s5;
	s4 =	simm.s32 @!p0 $0x31  }
0xc: {  	s13 =	sadd.s32 s8, s14;
	s5 =	sadd.s32 s9, s8;
	s6 =	sadd.s32 s10, s8  }
0xd: {  	s7 =	sadd.s32 s11, s8;
	s8 =	sadd.s32 s12, s8;
	s9 =	sadd.s32 $0x5EF0, s9  }
0xe: {  	s10 =	sadd.s32 $0x5EF0, s10;
	s11 =	sadd.s32 $0x5EF0, s11;
	s12 =	sadd.s32 $0x5EF0, s12  }
0xf: {  	s14 =	sadd.s32 $0x46EF0, s14;
	s15 =	smax.u32 s15, $0x1;
	s13 =	sadd.s32 $0x41000, s13  }
.LBB2_1:
0x10: {  	s18 =	simm.s32 @p0 $0x0;
	s19 =	simm.s32 @p0 $0x2  }
0x11: {  	[tilespmem:s18], [sflag:$0x2] =	stream.linear.gather @p0 [hbm4b:s9+s18], $0x15C0, $0x38;
	[tilespmem:$0x9300] =	vst v63  }
0x12: {  	_ =	swait.ge @p0 [sflag:s19], $0x15C0  }
0x13: {  	[sflag:s19] =	ssyncset.done @p0 $0x0  }
0x14: {  	s20 =	simm.s32 @p0 $0x1880;
	[sflag:s19] =	ssyncadd.s32 @p0 $0xFFFFEA40  }
0x15: {  	[tilespmem:s20], [sflag:$0x2] =	stream.linear.gather @p0 [hbm4b:s10+s18], $0x15C0, $0x38;
	[tilespmem:$0x9300] =	vst v63  }
0x16: {  	_ =	swait.ge @p0 [sflag:s19], $0x15C0  }
0x17: {  	[sflag:s19] =	ssyncset.done @p0 $0x0  }
0x18: {  	s20 =	simm.s32 @p0 $0x3100;
	[sflag:s19] =	ssyncadd.s32 @p0 $0xFFFFEA40  }
0x19: {  	[tilespmem:s20], [sflag:$0x2] =	stream.linear.gather @p0 [hbm4b:s11+s18], $0x15C0, $0x38;
	[tilespmem:$0x9300] =	vst v63  }
0x1a: {  	_ =	swait.ge @p0 [sflag:s19], $0x15C0  }
0x1b: {  	[sflag:s19] =	ssyncset.done @p0 $0x0  }
0x1c: {  	s20 =	simm.s32 @p0 $0x4980;
	[sflag:s19] =	ssyncadd.s32 @p0 $0xFFFFEA40  }
0x1d: {  	[tilespmem:s20], [sflag:$0x2] =	stream.linear.gather @p0 [hbm4b:s12+s18], $0x15C0, $0x38;
	[tilespmem:$0x9300] =	vst v63  }
0x1e: {  	_ =	swait.ge @p0 [sflag:s19], $0x15C0  }
0x1f: {  	[sflag:s19] =	ssyncset.done @p0 $0x0  }
0x20: {  	s18 =	simm.s32 @!p0 $0x0;
	[sflag:s19] =	ssyncadd.s32 @p0 $0xFFFFEA40;
	s19 =	simm.s32 @!p0 $0x2  }
0x21: {  	[tilespmem:s18], [sflag:$0x2] =	stream.linear.gather @!p0 [hbm4b:s5+s18], $0x1880, $0x38;
	[tilespmem:$0x9300] =	vst v63  }
0x22: {  	_ =	swait.ge @!p0 [sflag:s19], $0x1880  }
0x23: {  	[sflag:s19] =	ssyncset.done @!p0 $0x0  }
0x24: {  	s20 =	simm.s32 @!p0 $0x1880;
	[sflag:s19] =	ssyncadd.s32 @!p0 $0xFFFFE780  }
0x25: {  	[tilespmem:s20], [sflag:$0x2] =	stream.linear.gather @!p0 [hbm4b:s6+s18], $0x1880, $0x38;
	[tilespmem:$0x9300] =	vst v63  }
0x26: {  	_ =	swait.ge @!p0 [sflag:s19], $0x1880  }
0x27: {  	[sflag:s19] =	ssyncset.done @!p0 $0x0  }
0x28: {  	s20 =	simm.s32 @!p0 $0x3100;
	[sflag:s19] =	ssyncadd.s32 @!p0 $0xFFFFE780  }
0x29: {  	[tilespmem:s20], [sflag:$0x2] =	stream.linear.gather @!p0 [hbm4b:s7+s18], $0x1880, $0x38;
	[tilespmem:$0x9300] =	vst v63  }
0x2a: {  	_ =	swait.ge @!p0 [sflag:s19], $0x1880  }
0x2b: {  	[sflag:s19] =	ssyncset.done @!p0 $0x0  }
0x2c: {  	s20 =	simm.s32 @!p0 $0x4980;
	[sflag:s19] =	ssyncadd.s32 @!p0 $0xFFFFE780  }
0x2d: {  	[tilespmem:s20], [sflag:$0x2] =	stream.linear.gather @!p0 [hbm4b:s8+s18], $0x1880, $0x38;
	[tilespmem:$0x9300] =	vst v63  }
0x2e: {  	_ =	swait.ge @!p0 [sflag:s19], $0x1880  }
0x2f: {  	[sflag:s19] =	ssyncset.done @!p0 $0x0  }
0x30: {  	s22 =	simm.s32 $0x18C0;
	[sflag:s19] =	ssyncadd.s32 @!p0 $0xFFFFE780  }
0x31: {  	s21 =	simm.s32 $0x40;
	v0 =	vld [tilespmem:s22+$0xFFFFFFC0]  }
0x32: {  	v1 =	vld [tilespmem:s21+$0xFFFFFFC0]  }
0x33: {  	s18 =	simm.s32 $0x3140  }
0x34: {  	v2 =	vld [tilespmem:s18+$0xFFFFFFC0];
	_ =	sdelay $0x2  }
0x35: {  	v3 =	vshll.u32 v0, $0x3;
	v0 =	vand.u32 $0x7F, v0;
	v1 =	vshll.u32 v1, $0xC  }
0x36: {  	v3 =	vand.u32 $0xFFFFFC00, v3;
	v0 =	vor.u32 v1, v0  }
0x37: {  	v1 =	vshll.u32 v2, $0x7;
	v0 =	vadd.s32 v3, v0  }
0x38: {  	s19 =	simm.s32 $0x6200;
	v0 =	vadd.s32 v1, v0  }
0x39: {  	[tilespmem:s19+$0x0] =	vst v0  }
0x3a: {  	v0 =	vld [tilespmem:s21+$0xFFFFFFD0]  }
0x3b: {  	v1 =	vld [tilespmem:s22+$0xFFFFFFD0];
	_ =	sdelay $0x1  }
0x3c: {  	v2 =	vld [tilespmem:s18+$0xFFFFFFD0];
	_ =	sdelay $0x2  }
0x3d: {  	v0 =	vshll.u32 v0, $0xC;
	v3 =	vshll.u32 v1, $0x3;
	v1 =	vand.u32 $0x7F, v1  }
0x3e: {  	v3 =	vand.u32 $0xFFFFFC00, v3;
	v0 =	vor.u32 v0, v1  }
0x3f: {  	v1 =	vshll.u32 v2, $0x7;
	v0 =	vadd.s32 v3, v0  }
0x40: {  	v0 =	vadd.s32 v1, v0  }
0x41: {  	[tilespmem:s19+$0x10] =	vst v0  }
0x42: {  	v0 =	vld [tilespmem:s21+$0xFFFFFFE0]  }
0x43: {  	v1 =	vld [tilespmem:s22+$0xFFFFFFE0];
	_ =	sdelay $0x1  }
0x44: {  	v2 =	vld [tilespmem:s18+$0xFFFFFFE0];
	_ =	sdelay $0x2  }
0x45: {  	v0 =	vshll.u32 v0, $0xC;
	v3 =	vshll.u32 v1, $0x3;
	v1 =	vand.u32 $0x7F, v1  }
0x46: {  	v3 =	vand.u32 $0xFFFFFC00, v3;
	v0 =	vor.u32 v0, v1  }
0x47: {  	v1 =	vshll.u32 v2, $0x7;
	v0 =	vadd.s32 v3, v0  }
0x48: {  	v0 =	vadd.s32 v1, v0  }
0x49: {  	[tilespmem:s19+$0x20] =	vst v0  }
0x4a: {  	v0 =	vld [tilespmem:s21+$0xFFFFFFF0]  }
0x4b: {  	v1 =	vld [tilespmem:s22+$0xFFFFFFF0];
	_ =	sdelay $0x1  }
0x4c: {  	v2 =	vld [tilespmem:s18+$0xFFFFFFF0];
	_ =	sdelay $0x2  }
0x4d: {  	v0 =	vshll.u32 v0, $0xC;
	v3 =	vshll.u32 v1, $0x3;
	v1 =	vand.u32 $0x7F, v1  }
0x4e: {  	v3 =	vand.u32 $0xFFFFFC00, v3;
	v0 =	vor.u32 v0, v1  }
0x4f: {  	v1 =	vshll.u32 v2, $0x7;
	v0 =	vadd.s32 v3, v0  }
0x50: {  	v0 =	vadd.s32 v1, v0  }
0x51: {  	[tilespmem:s19+$0x30] =	vst v0  }
0x52: {  	v0 =	vld [tilespmem:s21+$0x0]  }
0x53: {  	v1 =	vld [tilespmem:s22+$0x0];
	_ =	sdelay $0x1  }
0x54: {  	v2 =	vld [tilespmem:s18+$0x0];
	_ =	sdelay $0x2  }
0x55: {  	v0 =	vshll.u32 v0, $0xC;
	v3 =	vshll.u32 v1, $0x3;
	v1 =	vand.u32 $0x7F, v1  }
0x56: {  	v3 =	vand.u32 $0xFFFFFC00, v3;
	v0 =	vor.u32 v0, v1  }
0x57: {  	v1 =	vshll.u32 v2, $0x7;
	v0 =	vadd.s32 v3, v0  }
0x58: {  	v0 =	vadd.s32 v1, v0  }
0x59: {  	[tilespmem:s19+$0x40] =	vst v0  }
0x5a: {  	v0 =	vld [tilespmem:s21+$0x10]  }
0x5b: {  	v1 =	vld [tilespmem:s22+$0x10];
	_ =	sdelay $0x1  }
0x5c: {  	v2 =	vld [tilespmem:s18+$0x10];
	_ =	sdelay $0x2  }
0x5d: {  	v0 =	vshll.u32 v0, $0xC;
	v3 =	vshll.u32 v1, $0x3;
	v1 =	vand.u32 $0x7F, v1  }
0x5e: {  	v3 =	vand.u32 $0xFFFFFC00, v3;
	v0 =	vor.u32 v0, v1  }
0x5f: {  	v1 =	vshll.u32 v2, $0x7;
	v0 =	vadd.s32 v3, v0  }
0x60: {  	v0 =	vadd.s32 v1, v0  }
0x61: {  	[tilespmem:s19+$0x50] =	vst v0  }
0x62: {  	v0 =	vld [tilespmem:s21+$0x20]  }
0x63: {  	v1 =	vld [tilespmem:s22+$0x20];
	_ =	sdelay $0x1  }
0x64: {  	v2 =	vld [tilespmem:s18+$0x20];
	_ =	sdelay $0x2  }
0x65: {  	v0 =	vshll.u32 v0, $0xC;
	v3 =	vshll.u32 v1, $0x3;
	v1 =	vand.u32 $0x7F, v1  }
0x66: {  	v3 =	vand.u32 $0xFFFFFC00, v3;
	v0 =	vor.u32 v0, v1  }
0x67: {  	p2 =	sne.s32 s4, $0x1;
	v1 =	vshll.u32 v2, $0x7;
	v0 =	vadd.s32 v3, v0  }
.Ltmp0:
0x68: {  	v0 =	vadd.s32 v1, v0;
	(pc) =	sbr.rel @!p2 .LBB2_3-.Ltmp0, $4  }
0x69: {  	[tilespmem:s19+$0x60] =	vst v0  }
0x6a: {  	v1 =	vld [tilespmem:s21+$0x30]  }
0x6b: {  	s23 =	simm.s32 $0xC0;
	s24 =	simm.s32 $0x7A80;
	s25 =	simm.s32 $0x6200;
	v2 =	vld [tilespmem:s22+$0x30]  }
0x6c: {  	s20 =	simm.s32 $0x7A80;
	s21 =	sadd.s32 $0xFFFFFFFF, s4;
	s22 =	simm.s32 $0x1940;
	v0 =	vld [tilespmem:s18+$0x30]  }
.LBB2_2:
0x6d: {  	s24 =	sadd.s32 $0x80, s24;
	s25 =	sadd.s32 $0x80, s25;
	s18 =	sadd.s32 $0x80, s18  }
0x6e: {  	p3 =	sne.s32 s21, $0x1;
	s21 =	sadd.s32 $0xFFFFFFFF, s21;
	_ =	sdelay $0x1  }
0x6f: {  	v1 =	vshll.u32 v1, $0xC;
	v3 =	vshll.u32 v2, $0x3;
	v2 =	vand.u32 $0x7F, v2  }
0x70: {  	v3 =	vand.u32 $0xFFFFFC00, v3;
	v0 =	vshll.u32 v0, $0x7;
	v1 =	vor.u32 v1, v2  }
0x71: {  	v1 =	vadd.s32 v3, v1  }
0x72: {  	v0 =	vadd.s32 v0, v1  }
0x73: {  	[tilespmem:s19+$0x70] =	vst v0  }
0x74: {  	[tilespmem:s20], [sflag:$0x1] =	stream.indirect.gather [hbm4b:s3+s16], $0x1, s19, s16, $0xb8;
	[tilespmem:$0x9300] =	vst v63  }
0x75: {  	s20 =	smov.u32 s24;
	s19 =	smov.u32 s25;
	v0 =	vld [tilespmem:s22+$0xFFFFFFC0]  }
0x76: {  	v1 =	vld [tilespmem:s23+$0xFFFFFFC0]  }
0x77: {  	v2 =	vld [tilespmem:s18+$0xFFFFFFC0];
	_ =	sdelay $0x2  }
0x78: {  	v3 =	vshll.u32 v0, $0x3;
	v0 =	vand.u32 $0x7F, v0  }
0x79: {  	v1 =	vshll.u32 v1, $0xC;
	v3 =	vand.u32 $0xFFFFFC00, v3  }
0x7a: {  	v2 =	vshll.u32 v2, $0x7;
	v0 =	vor.u32 v1, v0  }
0x7b: {  	v0 =	vadd.s32 v3, v0  }
0x7c: {  	v0 =	vadd.s32 v2, v0  }
0x7d: {  	[tilespmem:s25+$0x0] =	vst v0  }
0x7e: {  	v0 =	vld [tilespmem:s23+$0xFFFFFFD0]  }
0x7f: {  	v1 =	vld [tilespmem:s22+$0xFFFFFFD0];
	_ =	sdelay $0x1  }
0x80: {  	v2 =	vld [tilespmem:s18+$0xFFFFFFD0];
	_ =	sdelay $0x2  }
0x81: {  	v0 =	vshll.u32 v0, $0xC;
	v3 =	vshll.u32 v1, $0x3;
	v1 =	vand.u32 $0x7F, v1  }
0x82: {  	v3 =	vand.u32 $0xFFFFFC00, v3;
	v0 =	vor.u32 v0, v1  }
0x83: {  	v1 =	vshll.u32 v2, $0x7;
	v0 =	vadd.s32 v3, v0  }
0x84: {  	v0 =	vadd.s32 v1, v0  }
0x85: {  	[tilespmem:s25+$0x10] =	vst v0  }
0x86: {  	v0 =	vld [tilespmem:s23+$0xFFFFFFE0]  }
0x87: {  	v1 =	vld [tilespmem:s22+$0xFFFFFFE0];
	_ =	sdelay $0x1  }
0x88: {  	v2 =	vld [tilespmem:s18+$0xFFFFFFE0];
	_ =	sdelay $0x2  }
0x89: {  	v0 =	vshll.u32 v0, $0xC;
	v3 =	vshll.u32 v1, $0x3;
	v1 =	vand.u32 $0x7F, v1  }
0x8a: {  	v3 =	vand.u32 $0xFFFFFC00, v3;
	v0 =	vor.u32 v0, v1  }
0x8b: {  	v1 =	vshll.u32 v2, $0x7;
	v0 =	vadd.s32 v3, v0  }
0x8c: {  	v0 =	vadd.s32 v1, v0  }
0x8d: {  	[tilespmem:s25+$0x20] =	vst v0  }
0x8e: {  	v0 =	vld [tilespmem:s23+$0xFFFFFFF0]  }
0x8f: {  	v1 =	vld [tilespmem:s22+$0xFFFFFFF0]  }
0x90: {  	v2 =	vld [tilespmem:s18+$0xFFFFFFF0];
	_ =	sdelay $0x2  }
0x91: {  	v0 =	vshll.u32 v0, $0xC  }
0x92: {  	v3 =	vshll.u32 v1, $0x3;
	v1 =	vand.u32 $0x7F, v1  }
0x93: {  	v3 =	vand.u32 $0xFFFFFC00, v3;
	v0 =	vor.u32 v0, v1  }
0x94: {  	v1 =	vshll.u32 v2, $0x7;
	v0 =	vadd.s32 v3, v0  }
0x95: {  	v0 =	vadd.s32 v1, v0  }
0x96: {  	[tilespmem:s25+$0x30] =	vst v0  }
0x97: {  	v0 =	vld [tilespmem:s23+$0x0]  }
0x98: {  	v1 =	vld [tilespmem:s22+$0x0];
	_ =	sdelay $0x1  }
0x99: {  	v2 =	vld [tilespmem:s18+$0x0];
	_ =	sdelay $0x2  }
0x9a: {  	v0 =	vshll.u32 v0, $0xC;
	v3 =	vshll.u32 v1, $0x3;
	v1 =	vand.u32 $0x7F, v1  }
0x9b: {  	v3 =	vand.u32 $0xFFFFFC00, v3;
	v0 =	vor.u32 v0, v1  }
0x9c: {  	v1 =	vshll.u32 v2, $0x7;
	v0 =	vadd.s32 v3, v0  }
0x9d: {  	v0 =	vadd.s32 v1, v0  }
0x9e: {  	[tilespmem:s25+$0x40] =	vst v0  }
0x9f: {  	v0 =	vld [tilespmem:s23+$0x10]  }
0xa0: {  	v1 =	vld [tilespmem:s22+$0x10]  }
0xa1: {  	v2 =	vld [tilespmem:s18+$0x10];
	_ =	sdelay $0x3  }
0xa2: {  	v0 =	vshll.u32 v0, $0xC;
	v3 =	vshll.u32 v1, $0x3;
	v1 =	vand.u32 $0x7F, v1  }
0xa3: {  	v3 =	vand.u32 $0xFFFFFC00, v3;
	v0 =	vor.u32 v0, v1  }
0xa4: {  	v1 =	vshll.u32 v2, $0x7;
	v0 =	vadd.s32 v3, v0  }
0xa5: {  	v0 =	vadd.s32 v1, v0  }
0xa6: {  	[tilespmem:s25+$0x50] =	vst v0  }
0xa7: {  	v0 =	vld [tilespmem:s23+$0x20]  }
0xa8: {  	v1 =	vld [tilespmem:s22+$0x20]  }
0xa9: {  	v2 =	vld [tilespmem:s18+$0x20];
	_ =	sdelay $0x3  }
0xaa: {  	v0 =	vshll.u32 v0, $0xC;
	v3 =	vshll.u32 v1, $0x3;
	v1 =	vand.u32 $0x7F, v1  }
0xab: {  	v3 =	vand.u32 $0xFFFFFC00, v3;
	v0 =	vor.u32 v0, v1  }
0xac: {  	v1 =	vshll.u32 v2, $0x7;
	v0 =	vadd.s32 v3, v0  }
.Ltmp1:
0xad: {  	v0 =	vadd.s32 v1, v0;
	(pc) =	sbr.rel @p3 .LBB2_2-.Ltmp1, $4  }
0xae: {  	[tilespmem:s25+$0x60] =	vst v0  }
0xaf: {  	v1 =	vld [tilespmem:s23+$0x30]  }
0xb0: {  	v2 =	vld [tilespmem:s22+$0x30]  }
0xb1: {  	s23 =	sadd.s32 $0x80, s23;
	s22 =	sadd.s32 $0x80, s22;
	v0 =	vld [tilespmem:s18+$0x30]  }
.LBB2_3:
0xb2: {  	_ =	sdelay $0x2  }
0xb3: {  	v1 =	vshll.u32 v1, $0xC;
	v3 =	vshll.u32 v2, $0x3;
	v2 =	vand.u32 $0x7F, v2  }
0xb4: {  	v3 =	vand.u32 $0xFFFFFC00, v3;
	v1 =	vor.u32 v1, v2  }
0xb5: {  	v0 =	vshll.u32 v0, $0x7;
	v1 =	vadd.s32 v3, v1  }
0xb6: {  	v0 =	vadd.s32 v0, v1  }
0xb7: {  	[tilespmem:s19+$0x70] =	vst v0  }
0xb8: {  	[tilespmem:s20], [sflag:$0x1] =	stream.indirect.gather [hbm4b:s3+s16], $0x1, s19, s16, $0xb8;
	[tilespmem:$0x9300] =	vst v63  }
0xb9: {  	v0 =	vld @!p1 [tilespmem:$0x1580]  }
0xba: {  	v1 =	vld @!p1 [tilespmem:$0x2E00]  }
0xbb: {  	v3 =	vld @!p1 [tilespmem:$0x1590]  }
0xbc: {  	v4 =	vld @!p1 [tilespmem:$0x2E10]  }
0xbd: {  	v2 =	vld @!p1 [tilespmem:$0x4680]  }
0xbe: {  	v5 =	vld @!p1 [tilespmem:$0x4690]  }
0xbf: {  	v6 =	vld @!p1 [tilespmem:$0x15A0]  }
0xc0: {  	v8 =	vld @!p1 [tilespmem:$0x2E20];
	v0 =	vshll.u32 @!p1 v0, $0xC;
	v7 =	vshll.u32 @!p1 v1, $0x3  }
0xc1: {  	v10 =	vld @!p1 [tilespmem:$0x15B0];
	v1 =	vand.u32 @!p1 $0x7F, v1;
	v3 =	vshll.u32 @!p1 v3, $0xC;
	v9 =	vshll.u32 @!p1 v4, $0x3  }
0xc2: {  	v4 =	vand.u32 @!p1 $0x7F, v4;
	v7 =	vand.u32 @!p1 $0xFFFFFC00, v7;
	v0 =	vor.u32 @!p1 v0, v1;
	v1 =	vld @!p1 [tilespmem:$0x46A0]  }
0xc3: {  	v3 =	vor.u32 @!p1 v3, v4;
	v4 =	vld @!p1 [tilespmem:$0x2E30];
	v0 =	vadd.s32 @!p1 v7, v0;
	v7 =	vand.u32 @!p1 $0xFFFFFC00, v9  }
0xc4: {  	v2 =	vshll.u32 @!p1 v2, $0x7;
	v5 =	vshll.u32 @!p1 v5, $0x7;
	v3 =	vadd.s32 @!p1 v7, v3  }
0xc5: {  	v0 =	vadd.s32 @!p1 v2, v0;
	v2 =	vadd.s32 @!p1 v5, v3;
	v3 =	vld @!p1 [tilespmem:$0x46B0]  }
0xc6: {  	v7 =	vand.u32 @!p1 $0x7F, v8;
	v5 =	vshll.u32 @!p1 v6, $0xC;
	v6 =	vshll.u32 @!p1 v8, $0x3  }
0xc7: {  	v6 =	vand.u32 @!p1 $0xFFFFFC00, v6;
	v5 =	vor.u32 @!p1 v5, v7;
	v7 =	vshll.u32 @!p1 v10, $0xC  }
0xc8: {  	v1 =	vshll.u32 @!p1 v1, $0x7;
	v8 =	vshll.u32 @!p1 v4, $0x3;
	v4 =	vand.u32 @!p1 $0x7F, v4  }
0xc9: {  	[tilespmem:$0x7780] =	vst @!p1 v0;
	v0 =	vadd.s32 @!p1 v6, v5;
	v5 =	vand.u32 @!p1 $0xFFFFFC00, v8;
	v4 =	vor.u32 @!p1 v7, v4  }
0xca: {  	[tilespmem:$0x7790] =	vst @!p1 v2;
	v0 =	vadd.s32 @!p1 v1, v0;
	v2 =	vadd.s32 @!p1 v5, v4;
	v1 =	vshll.u32 @!p1 v3, $0x7  }
0xcb: {  	[tilespmem:$0x77A0] =	vst @!p1 v0;
	v0 =	vadd.s32 @!p1 v1, v2  }
0xcc: {  	s18 =	simm.s32 @!p1 $0x40;
	s19 =	simm.s32 @!p1 $0x7780;
	s20 =	simm.s32 @!p1 $0x9000;
	[tilespmem:$0x77B0] =	vst @!p1 v0  }
0xcd: {  	[tilespmem:s20], [sflag:$0x1] =	stream.indirect.gather @!p1 [hbm4b:s3+s18], $0x1, s19, s18, $0xb8;
	[tilespmem:$0x9300] =	vst v63  }
0xce: {  	_ =	swait.ge [sflag:s17], $0x80  }
0xcf: {  	[sflag:s17] =	ssyncset.done $0x0  }
0xd0: {  	s18 =	simm.s32 $0x49C0;
	[sflag:s17] =	ssyncadd.s32 $0xFFFFFF80  }
0xd1: {  	s19 =	simm.s32 $0x7AC0;
	v0 =	vld [tilespmem:s18+$0xFFFFFFC0]  }
0xd2: {  	v1 =	vld [tilespmem:s19+$0xFFFFFFC0];
	_ =	sdelay $0x3  }
0xd3: {  	vm0 =	vgt.s32 v0, $0x0  }
0xd4: {  	v1 =	vnsel vm0, $0xFF800000, v1  }
0xd5: {  	[tilespmem:s19+$0xFFFFFFC0] =	vst v1  }
0xd6: {  	v1 =	vld [tilespmem:s18+$0xFFFFFFD0]  }
0xd7: {  	v2 =	vld [tilespmem:s19+$0xFFFFFFD0];
	_ =	sdelay $0x3  }
0xd8: {  	vm9 =	vgt.s32 v1, $0x0  }
0xd9: {  	v2 =	vnsel vm9, $0xFF800000, v2  }
0xda: {  	[tilespmem:s19+$0xFFFFFFD0] =	vst v2  }
0xdb: {  	v2 =	vld [tilespmem:s18+$0xFFFFFFE0]  }
0xdc: {  	v3 =	vld [tilespmem:s19+$0xFFFFFFE0];
	_ =	sdelay $0x3  }
0xdd: {  	vm10 =	vgt.s32 v2, $0x0  }
0xde: {  	v3 =	vnsel vm10, $0xFF800000, v3  }
0xdf: {  	[tilespmem:s19+$0xFFFFFFE0] =	vst v3  }
0xe0: {  	v3 =	vld [tilespmem:s18+$0xFFFFFFF0]  }
0xe1: {  	v0 =	vld [tilespmem:s19+$0xFFFFFFF0];
	_ =	sdelay $0x3  }
0xe2: {  	vm11 =	vgt.s32 v3, $0x0  }
0xe3: {  	v0 =	vnsel vm11, $0xFF800000, v0  }
0xe4: {  	[tilespmem:s19+$0xFFFFFFF0] =	vst v0  }
0xe5: {  	v0 =	vld [tilespmem:s18+$0x0]  }
0xe6: {  	v1 =	vld [tilespmem:s19+$0x0];
	_ =	sdelay $0x3  }
0xe7: {  	vm12 =	vgt.s32 v0, $0x0  }
0xe8: {  	v1 =	vnsel vm12, $0xFF800000, v1  }
0xe9: {  	[tilespmem:s19+$0x0] =	vst v1  }
0xea: {  	v1 =	vld [tilespmem:s18+$0x10]  }
0xeb: {  	v2 =	vld [tilespmem:s19+$0x10];
	_ =	sdelay $0x3  }
0xec: {  	vm13 =	vgt.s32 v1, $0x0  }
0xed: {  	v1 =	vnsel vm13, $0xFF800000, v2  }
0xee: {  	[tilespmem:s19+$0x10] =	vst v1  }
0xef: {  	v1 =	vld [tilespmem:s18+$0x20]  }
0xf0: {  	v3 =	vld [tilespmem:s19+$0x20];
	_ =	sdelay $0x3  }
0xf1: {  	vm14 =	vgt.s32 v1, $0x0  }
0xf2: {  	v1 =	vnsel vm14, $0xFF800000, v3  }
0xf3: {  	[tilespmem:s19+$0x20] =	vst v1  }
0xf4: {  	v1 =	vld [tilespmem:s18+$0x30]  }
0xf5: {  	v0 =	vld [tilespmem:s19+$0x30]  }
.Ltmp2:
0xf6: {  	_ = 	snop;
	(pc) =	sbr.rel @!p2 .LBB2_5-.Ltmp2, $3  }
0xf7: {  	_ =	sdelay $0x1  }
0xf8: {  	vm15 =	vgt.s32 v1, $0x0  }
0xf9: {  	s20 =	sadd.s32 $0xFFFFFFFF, s4;
	v0 =	vnsel vm15, $0xFF800000, v0  }
.LBB2_4:
0xfa: {  	p2 =	sne.s32 s20, $0x1;
	[tilespmem:s19+$0x30] =	vst v0;
	s18 =	sadd.s32 $0x80, s18;
	s19 =	sadd.s32 $0x80, s19  }
0xfb: {  	s20 =	sadd.s32 $0xFFFFFFFF, s20;
	_ =	swait.ge [sflag:s17], $0x80  }
0xfc: {  	[sflag:s17] =	ssyncset.done $0x0  }
0xfd: {  	[sflag:s17] =	ssyncadd.s32 $0xFFFFFF80  }
0xfe: {  	v0 =	vld [tilespmem:s18+$0xFFFFFFC0]  }
0xff: {  	v1 =	vld [tilespmem:s19+$0xFFFFFFC0]  }
0x100: {  	v2 =	vld [tilespmem:s19+$0xFFFFFFD0]  }
0x101: {  	v3 =	vld [tilespmem:s19+$0xFFFFFFE0]  }
0x102: {  	v4 =	vld [tilespmem:s19+$0xFFFFFFF0]  }
0x103: {  	vm0 =	vgt.s32 v0, $0x0;
	v0 =	vld [tilespmem:s19+$0x0]  }
0x104: {  	v1 =	vnsel vm0, $0xFF800000, v1;
	v5 =	vld [tilespmem:s19+$0x10]  }
0x105: {  	[tilespmem:s19+$0xFFFFFFC0] =	vst v1;
	v1 =	vld [tilespmem:s19+$0x20]  }
0x106: {  	v6 =	vld [tilespmem:s18+$0xFFFFFFD0]  }
0x107: {  	v7 =	vld [tilespmem:s19+$0x30];
	_ =	sdelay $0x3  }
0x108: {  	vm0 =	vgt.s32 v6, $0x0  }
0x109: {  	v2 =	vnsel vm0, $0xFF800000, v2  }
0x10a: {  	[tilespmem:s19+$0xFFFFFFD0] =	vst v2  }
0x10b: {  	v2 =	vld [tilespmem:s18+$0xFFFFFFE0];
	_ =	sdelay $0x4  }
0x10c: {  	vm0 =	vgt.s32 v2, $0x0  }
0x10d: {  	v2 =	vnsel vm0, $0xFF800000, v3  }
0x10e: {  	[tilespmem:s19+$0xFFFFFFE0] =	vst v2  }
0x10f: {  	v2 =	vld [tilespmem:s18+$0xFFFFFFF0];
	_ =	sdelay $0x4  }
0x110: {  	vm0 =	vgt.s32 v2, $0x0  }
0x111: {  	v2 =	vnsel vm0, $0xFF800000, v4  }
0x112: {  	[tilespmem:s19+$0xFFFFFFF0] =	vst v2  }
0x113: {  	v2 =	vld [tilespmem:s18+$0x0];
	_ =	sdelay $0x4  }
0x114: {  	vm0 =	vgt.s32 v2, $0x0  }
0x115: {  	v0 =	vnsel vm0, $0xFF800000, v0  }
0x116: {  	[tilespmem:s19+$0x0] =	vst v0  }
0x117: {  	v0 =	vld [tilespmem:s18+$0x10];
	_ =	sdelay $0x4  }
0x118: {  	vm0 =	vgt.s32 v0, $0x0  }
0x119: {  	v0 =	vnsel vm0, $0xFF800000, v5  }
0x11a: {  	[tilespmem:s19+$0x10] =	vst v0  }
0x11b: {  	v0 =	vld [tilespmem:s18+$0x20];
	_ =	sdelay $0x4  }
0x11c: {  	vm0 =	vgt.s32 v0, $0x0  }
0x11d: {  	v0 =	vnsel vm0, $0xFF800000, v1  }
0x11e: {  	[tilespmem:s19+$0x20] =	vst v0  }
0x11f: {  	v0 =	vld [tilespmem:s18+$0x30];
	_ =	sdelay $0x1  }
.Ltmp3:
0x120: {  	(pc) =	sbr.rel @p2 .LBB2_4-.Ltmp3, $3  }
0x121: {  	_ =	sdelay $0x1  }
0x122: {  	vm0 =	vgt.s32 v0, $0x0  }
0x123: {  	v0 =	vnsel vm0, $0xFF800000, v7  }
.LBB2_5:
0x124: {  	[tilespmem:s19+$0x30] =	vst v0;
	s18 =	simm.s32 @p0 $0x1  }
0x125: {  	_ =	swait.ge @p0 [sflag:s18], $0x40  }
0x126: {  	[sflag:s18] =	ssyncset.done @p0 $0x0  }
0x127: {  	[sflag:s18] =	ssyncadd.s32 @p0 $0xFFFFFFC0  }
0x128: {  	v0 =	vld @p0 [tilespmem:$0x5F00]  }
0x129: {  	v1 =	vld @p0 [tilespmem:$0x9000]  }
0x12a: {  	v2 =	vld @p0 [tilespmem:$0x5F10]  }
0x12b: {  	v3 =	vld @p0 [tilespmem:$0x9010]  }
0x12c: {  	v4 =	vld @p0 [tilespmem:$0x5F20]  }
0x12d: {  	v5 =	vld @p0 [tilespmem:$0x9020]  }
0x12e: {  	v6 =	vld @p0 [tilespmem:$0x5F30]  }
0x12f: {  	v7 =	vld @p0 [tilespmem:$0x9030]  }
0x130: {  	vm0 =	vgt.s32 @p0 v0, $0x0  }
0x131: {  	v0 =	vnsel @p0 vm0, $0xFF800000, v1;
	vm0 =	vgt.s32 @p0 v2, $0x0  }
0x132: {  	[tilespmem:$0x9000] =	vst @p0 v0;
	v0 =	vnsel @p0 vm0, $0xFF800000, v3;
	vm0 =	vgt.s32 @p0 v4, $0x0  }
0x133: {  	[tilespmem:$0x9010] =	vst @p0 v0;
	v0 =	vnsel @p0 vm0, $0xFF800000, v5;
	vm0 =	vgt.s32 @p0 v6, $0x0  }
0x134: {  	[tilespmem:$0x9020] =	vst @p0 v0;
	v0 =	vnsel @p0 vm0, $0xFF800000, v7  }
0x135: {  	s19 =	simm.s32 @p0 $0x7A80;
	s18 =	simm.s32 @p0 $0x0;
	[tilespmem:$0x9030] =	vst @p0 v0  }
0x136: {  	[hbm4b:s14+s18] =	stream.linear.scatter @p0 [tilespmem:s19], [sflag:$0x2], $0x15C0, $0x38;
	[tilespmem:$0x9300] =	vst v63  }
0x137: {  	s18 =	simm.s32 @p0 $0x2  }
0x138: {  	s2 =	sadd.s32 $0x1, s2;
	_ =	swait.ge @p0 [sflag:s18], $0x15C0  }
0x139: {  	p2 =	sne.s32 s2, s15;
	[sflag:s18] =	ssyncset.done @p0 $0x0  }
0x13a: {  	s19 =	simm.s32 @!p0 $0x7A80;
	[sflag:s18] =	ssyncadd.s32 @p0 $0xFFFFEA40;
	s18 =	simm.s32 @!p0 $0x0  }
0x13b: {  	[hbm4b:s13+s18] =	stream.linear.scatter @!p0 [tilespmem:s19], [sflag:$0x2], $0x1880, $0x38;
	[tilespmem:$0x9300] =	vst v63  }
.Ltmp4:
0x13c: {  	_ = 	snop;
	(pc) =	sbr.rel @p2 .LBB2_1-.Ltmp4, $4  }
0x13d: {  	s18 =	simm.s32 @!p0 $0x2  }
0x13e: {  	_ =	swait.ge @!p0 [sflag:s18], $0x1880  }
0x13f: {  	[sflag:s18] =	ssyncset.done @!p0 $0x0  }
0x140: {  	[sflag:s18] =	ssyncadd.s32 @!p0 $0xFFFFE780  }
0x141: {  	_ =	sfence.sel $0x180000  }
0x142: {  	[bflag:$0x0] =	sbarrier.arrive $0xFFFF  }
0x143: {  	p0 =	sne.s32 s0, $0x0;
	_ =	strace $0x90000047  }
0x144: {  	s0 =	sadd.s32 @!p0 $0x100000, s1;
	[bflag:$0x2] =	sbarrier.arrive $0xFFFF  }
0x145: {  	[sflag:s0] =	ssyncadd.tile.s32 @!p0 $0x1;
	_ =	shalt  }
.Lfunc_end2:
_tile_overlayer_lowered:
.L_overlay_start_2:
0x146: {  	(tag) =	ssettag $0x2  }
0x147: {  	s0 =	rddreg [dreg:$0x0];
	s2 =	stileid.u32  }
0x148: {  	s1 =	rddreg [dreg:$0x1];
	p0 =	sne.s32 s2, $0x0  }
0x149: {  	s3 =	rddreg [dreg:$0x2];
	[bflag:$0x3] =	sbarrier.arrive $0xFFFF;
	s2 =	simm.s32 @!p0 $0x1C02  }
0x14a: {  	[timem:s3], [sflag:s2] =	dma.local @!p0 [hbm:s0], s1  }
0x14b: {  	s0 =	simm.s32 @!p0 $0x2  }
0x14c: {  	_ =	swait.ge @!p0 [sflag:s0], s1  }
0x14d: {  	s1 =	ssub.s32 @!p0 $0x0, s1;
	[sflag:s0] =	ssyncset.done @!p0 $0x0  }
0x14e: {  	[sflag:s0] =	ssyncadd.s32 @!p0 s1  }
0x14f: {  	[bflag:$0x3] =	sbarrier.arrive $0xFFFF  }
0x150: {  	_ =	shalt  }

</sc_bundles>
